<compile_context>
chip_gen: v7x
topology: tpu7x:2x2x1
jax: 0.10.2.dev20260603
libtpu: 0.0.44.dev20260713+nightly
codegen_flags: <defaults>
</compile_context>

<pallas_src>
import functools

import jax
import jax.numpy as jnp
from jax import lax
from jax.experimental import pallas as pl
from jax.experimental.pallas import tpu as pltpu
from jax.experimental.pallas import tpu_sc as plsc

N_CORES = 2
N_SUB = 16
NW = N_CORES * N_SUB
CH = 40


def _dis(dg_ref):
    return lax.rsqrt(dg_ref[:, 0:1] + dg_ref[:, 1:2])


def _tc_lin1(x, W1, degt):
    N, F = x.shape
    BN = 2000

    def body(x_ref, w_ref, dg_ref, o_ref):
        h = jnp.dot(x_ref[...], w_ref[...], preferred_element_type=jnp.float32,
                    precision=lax.Precision.HIGHEST)
        o_ref[...] = h * _dis(dg_ref)

    return pl.pallas_call(
        body,
        grid=(N // BN,),
        in_specs=[pl.BlockSpec((BN, F), lambda i: (i, 0)),
                  pl.BlockSpec((F, F), lambda i: (0, 0)),
                  pl.BlockSpec((BN, 2), lambda i: (i, 0))],
        out_specs=pl.BlockSpec((BN, F), lambda i: (i, 0)),
        out_shape=jax.ShapeDtypeStruct((N, F), jnp.float32),
    )(x, W1, degt)


def _tc_relu(pa, pb, degt, b1):
    N, F = pa.shape
    BN = 2000

    def body(pa_ref, pb_ref, dg_ref, b_ref, o_ref):
        dis = _dis(dg_ref)
        agg = dis * (pa_ref[...] + pb_ref[...]) + b_ref[...]
        o_ref[...] = dis * jnp.maximum(agg, 0.0)

    return pl.pallas_call(
        body,
        grid=(N // BN,),
        in_specs=[pl.BlockSpec((BN, F), lambda i: (i, 0)),
                  pl.BlockSpec((BN, F), lambda i: (i, 0)),
                  pl.BlockSpec((BN, 2), lambda i: (i, 0)),
                  pl.BlockSpec((1, F), lambda i: (0, 0))],
        out_specs=pl.BlockSpec((BN, F), lambda i: (i, 0)),
        out_shape=jax.ShapeDtypeStruct((N, F), jnp.float32),
    )(pa, pb, degt, b1)


def _tc_out(pa, pb, degt, W2, b2):
    N, F = pa.shape
    F2 = W2.shape[1]
    BN = 2000

    def body(pa_ref, pb_ref, dg_ref, w_ref, b_ref, o_ref):
        dis = _dis(dg_ref)
        agg = dis * (pa_ref[...] + pb_ref[...])
        z = jnp.dot(agg, w_ref[...], preferred_element_type=jnp.float32,
                    precision=lax.Precision.HIGHEST) + b_ref[...]
        m = jnp.max(z, axis=1, keepdims=True)
        ez = jnp.exp(z - m)
        lse = jnp.log(jnp.sum(ez, axis=1, keepdims=True))
        o_ref[...] = (z - m) - lse

    return pl.pallas_call(
        body,
        grid=(N // BN,),
        in_specs=[pl.BlockSpec((BN, F), lambda i: (i, 0)),
                  pl.BlockSpec((BN, F), lambda i: (i, 0)),
                  pl.BlockSpec((BN, 2), lambda i: (i, 0)),
                  pl.BlockSpec((F, F2), lambda i: (0, 0)),
                  pl.BlockSpec((1, F2), lambda i: (0, 0))],
        out_specs=pl.BlockSpec((BN, F2), lambda i: (i, 0)),
        out_shape=jax.ShapeDtypeStruct((N, F2), jnp.float32),
    )(pa, pb, degt, W2, b2)


def _sc_degree(dst3, ones_np, zeros_np):
    NP = ones_np.shape[0]
    NCH, ch = dst3.shape[1], dst3.shape[2]
    RPS = NP // N_SUB
    NBD = 5
    mesh = plsc.VectorSubcoreMesh(core_axis_name="c", subcore_axis_name="s")

    @functools.partial(
        pl.kernel,
        out_type=[jax.ShapeDtypeStruct((NP,), jnp.float32),
                  jax.ShapeDtypeStruct((NP,), jnp.float32)],
        mesh=mesh,
        scratch_types=[
            pltpu.VMEM((NCH, ch), jnp.int32),
            pltpu.VMEM((ch,), jnp.float32),
            [pltpu.SemaphoreType.DMA for _ in range(NBD)],
            pltpu.VMEM_SHARED((NP,), jnp.float32),
        ],
    )
    def deg(dst_hbm, ones_hbm, z_hbm, out0_hbm, out1_hbm, dst_v, ones_v,
            dsem, acc):
        c = lax.axis_index("c")
        sub = lax.axis_index("s")
        wid = c * N_SUB + sub
        rs = pl.ds(sub * RPS, RPS)

        @pl.when(c == 0)
        def _():
            pltpu.sync_copy(ones_hbm.at[rs], acc.at[rs])

        @pl.when(c != 0)
        def _():
            pltpu.sync_copy(z_hbm.at[rs], acc.at[rs])

        pltpu.sync_copy(ones_hbm.at[pl.ds(0, ch)], ones_v)
        pltpu.sync_copy(dst_hbm.at[wid], dst_v)
        plsc.subcore_barrier()

        for b in range(NBD):
            pltpu.async_copy(ones_v, acc.at[dst_v.at[b]], dsem[b], add=True)

        @pl.loop(0, NCH // NBD - 1)
        def _(g):
            j0 = g * NBD
            for b in range(NBD):
                pltpu.make_async_copy(ones_v, acc.at[dst_v.at[j0 + b]],
                                      dsem[b]).wait()
                pltpu.async_copy(ones_v, acc.at[dst_v.at[j0 + NBD + b]],
                                 dsem[b], add=True)

        for b in range(NBD):
            pltpu.make_async_copy(ones_v, acc.at[dst_v.at[NCH - NBD + b]],
                                  dsem[b]).wait()

        plsc.subcore_barrier()

        @pl.when(c == 0)
        def _():
            pltpu.sync_copy(acc.at[rs], out0_hbm.at[rs])

        @pl.when(c != 0)
        def _():
            pltpu.sync_copy(acc.at[rs], out1_hbm.at[rs])

    return deg(dst3, ones_np, zeros_np)


def _sc_agg(s, src3, dst3, zeros_nf):
    N, F = s.shape
    nseg, seg, ch = src3.shape[1], src3.shape[2], src3.shape[3]
    CHR = 200
    NCHR = N // CHR
    mesh = plsc.VectorSubcoreMesh(core_axis_name="c", subcore_axis_name="s")

    NB = 5
    SEG = seg
    NSEG = nseg
    NGS = SEG // NB

    @functools.partial(
        pl.kernel,
        out_type=[jax.ShapeDtypeStruct((N, F), jnp.float32),
                  jax.ShapeDtypeStruct((N, F), jnp.float32)],
        mesh=mesh,
        scratch_types=[
            pltpu.VMEM((SEG, ch), jnp.int32),
            pltpu.VMEM((SEG, ch), jnp.int32),
            [pltpu.VMEM((ch, F), jnp.float32) for _ in range(NB)],
            [pltpu.SemaphoreType.DMA for _ in range(NB)],
            [pltpu.SemaphoreType.DMA for _ in range(NB)],
            pltpu.VMEM_SHARED((N, F), jnp.float32),
        ],
    )
    def agg(s_hbm, src_hbm, dst_hbm, z_hbm, out0_hbm, out1_hbm, src_v, dst_v,
            rows, gsem, ssem, acc):
        c = lax.axis_index("c")
        sub = lax.axis_index("s")
        wid = c * N_SUB + sub

        @pl.loop(sub, NCHR, step=N_SUB)
        def _(k):
            rs = pl.ds(k * CHR, CHR)

            @pl.when(c == 0)
            def _():
                pltpu.sync_copy(s_hbm.at[rs], acc.at[rs])

            @pl.when(c != 0)
            def _():
                pltpu.sync_copy(z_hbm.at[rs], acc.at[rs])

        plsc.subcore_barrier()

        @pl.loop(0, NSEG)
        def _(sg):
            pltpu.sync_copy(src_hbm.at[wid, sg], src_v)
            pltpu.sync_copy(dst_hbm.at[wid, sg], dst_v)

            for b in range(NB):
                pltpu.async_copy(s_hbm.at[src_v.at[b]], rows[b], gsem[b])

            @pl.loop(0, NGS)
            def _(g):
                j0 = g * NB
                for b in range(NB):
                    pltpu.make_async_copy(s_hbm.at[src_v.at[j0 + b]], rows[b],
                                          gsem[b]).wait()
                    pltpu.async_copy(rows[b], acc.at[dst_v.at[j0 + b]],
                                     ssem[b], add=True)

                @pl.when(g < NGS - 1)
                def _():
                    for b in range(NB):
                        pltpu.make_async_copy(rows[b],
                                              acc.at[dst_v.at[j0 + b]],
                                              ssem[b]).wait()
                        pltpu.async_copy(s_hbm.at[src_v.at[j0 + NB + b]],
                                         rows[b], gsem[b])

            for b in range(NB):
                pltpu.make_async_copy(rows[b], acc.at[dst_v.at[SEG - NB + b]],
                                      ssem[b]).wait()

        plsc.subcore_barrier()

        @pl.loop(sub, NCHR, step=N_SUB)
        def _(k):
            rs = pl.ds(k * CHR, CHR)

            @pl.when(c == 0)
            def _():
                pltpu.sync_copy(acc.at[rs], out0_hbm.at[rs])

            @pl.when(c != 0)
            def _():
                pltpu.sync_copy(acc.at[rs], out1_hbm.at[rs])

    return agg(s, src3, dst3, zeros_nf)


def kernel(x, edge_index, W1, b1, W2, b2):
    N, F1 = x.shape
    F2 = W2.shape[1]
    E = edge_index.shape[1]

    ei = edge_index.astype(jnp.int32)
    NCH = E // (NW * CH)
    SEGC = 50
    src4 = ei[0].reshape(NW, NCH // SEGC, SEGC, CH)
    dst4 = ei[1].reshape(NW, NCH // SEGC, SEGC, CH)
    dst3 = ei[1].reshape(NW, NCH, CH)

    NP = -(-N // (16 * N_SUB)) * (16 * N_SUB)
    ones_np = jnp.ones((NP,), jnp.float32)
    zeros_np = jnp.zeros((NP,), jnp.float32)

    deg0, deg1 = _sc_degree(dst3, ones_np, zeros_np)
    degt = jnp.stack([deg0, deg1], axis=1)[:N]

    zeros_nf = jnp.zeros((N, F1), jnp.float32)
    s1 = _tc_lin1(x, W1, degt)
    p1a, p1b = _sc_agg(s1, src4, dst4, zeros_nf)
    y = _tc_relu(p1a, p1b, degt, b1.reshape(1, F1))
    p2a, p2b = _sc_agg(y, src4, dst4, zeros_nf)
    return _tc_out(p2a, p2b, degt, W2, b2.reshape(1, F2))

# --- scband reference (transcript-rebuilt; emitter-appended) ---
"""Pipeline reference for scband-gcn-77214922048047 (READ-ONLY COPY).

The authoritative reference and input builder live on the scoring server;
editing this copy changes nothing except your own understanding.
"""

import jax, jax.numpy as jnp
import numpy as np

N_NODES = 10000


def gcn_conv(x, edge_index, W, b):
    # PyG GCNConv: linear transform, add self-loops, symmetric normalization, scatter-add aggregate
    num_nodes = x.shape[0]
    h = x @ W
    src = edge_index[0]
    dst = edge_index[1]
    loop = jnp.arange(num_nodes, dtype=edge_index.dtype)
    src = jnp.concatenate([src, loop])
    dst = jnp.concatenate([dst, loop])
    deg = jnp.zeros((num_nodes,), dtype=h.dtype).at[dst].add(1.0)
    deg_inv_sqrt = jnp.where(deg > 0, deg ** -0.5, 0.0)
    norm = deg_inv_sqrt[src] * deg_inv_sqrt[dst]
    msg = h[src] * norm[:, None]
    out = jnp.zeros((num_nodes, h.shape[1]), dtype=h.dtype).at[dst].add(msg)
    return out + b


def setup_inputs(seed: int = 0) -> dict:
    key = jax.random.key(seed)
    k_x, k_e, k_w1, k_w2 = jax.random.split(key, 4)
    x = jax.random.normal(k_x, (N_NODES, 128), dtype=jnp.float32)
    edge_index = jax.random.randint(k_e, (2, 320000), 0, N_NODES, dtype=jnp.int64)
    # glorot-style params for conv1 (128->128) and conv2 (128->64)
    W1 = jax.random.normal(k_w1, (128, 128), dtype=jnp.float32) * (1.0 / np.sqrt(128))
    b1 = jnp.zeros((128,), dtype=jnp.float32)
    W2 = jax.random.normal(k_w2, (128, 64), dtype=jnp.float32) * (1.0 / np.sqrt(128))
    b2 = jnp.zeros((64,), dtype=jnp.float32)
    return {"x": x, "edge_index": edge_index, "W1": W1, "b1": b1, "W2": W2, "b2": b2}


def reference(x, edge_index, W1, b1, W2, b2):
    h = gcn_conv(x, edge_index, W1, b1)
    h = jax.nn.relu(h)
    # dropout is identity in eval mode
    h = gcn_conv(h, edge_index, W2, b2)
    return jax.nn.log_softmax(h, axis=1)

if __name__ == "__main__":
    import jax
    _d = setup_inputs()
    print(jax.jit(kernel)(*tuple(_d.values())))

</pallas_src>

<mosaic_0001>
#map = affine_map<(d0, d1) -> (0, 0)>
#map1 = affine_map<(d0, d1) -> (0, 0, 0, 0)>
module attributes {stable_mosaic.version = 14 : i64} {
  func.func @agg(%arg0: i32, %arg1: i32, %arg2: memref<10000x128xf32, #tpu.memory_space<hbm>>, %arg3: memref<32x5x50x40xi32, #tpu.memory_space<hbm>>, %arg4: memref<32x5x50x40xi32, #tpu.memory_space<hbm>>, %arg5: memref<10000x128xf32, #tpu.memory_space<hbm>>, %arg6: memref<10000x128xf32, #tpu.memory_space<hbm>>, %arg7: memref<10000x128xf32, #tpu.memory_space<hbm>>, %arg8: memref<50x40xi32, #tpu.memory_space<vmem>>, %arg9: memref<50x40xi32, #tpu.memory_space<vmem>>, %arg10: memref<40x128xf32, #tpu.memory_space<vmem>>, %arg11: memref<40x128xf32, #tpu.memory_space<vmem>>, %arg12: memref<40x128xf32, #tpu.memory_space<vmem>>, %arg13: memref<40x128xf32, #tpu.memory_space<vmem>>, %arg14: memref<40x128xf32, #tpu.memory_space<vmem>>, %arg15: memref<!tpu.dma_semaphore, #tpu.memory_space<semaphore_mem>>, %arg16: memref<!tpu.dma_semaphore, #tpu.memory_space<semaphore_mem>>, %arg17: memref<!tpu.dma_semaphore, #tpu.memory_space<semaphore_mem>>, %arg18: memref<!tpu.dma_semaphore, #tpu.memory_space<semaphore_mem>>, %arg19: memref<!tpu.dma_semaphore, #tpu.memory_space<semaphore_mem>>, %arg20: memref<!tpu.dma_semaphore, #tpu.memory_space<semaphore_mem>>, %arg21: memref<!tpu.dma_semaphore, #tpu.memory_space<semaphore_mem>>, %arg22: memref<!tpu.dma_semaphore, #tpu.memory_space<semaphore_mem>>, %arg23: memref<!tpu.dma_semaphore, #tpu.memory_space<semaphore_mem>>, %arg24: memref<!tpu.dma_semaphore, #tpu.memory_space<semaphore_mem>>, %arg25: memref<10000x128xf32, #tpu.memory_space<vmem_shared>>) attributes {dimension_semantics = [#tpu.dimension_semantics<core_parallel>, #tpu.dimension_semantics<subcore_parallel>], iteration_bounds = array<i64: 2, 16>, scalar_prefetch = 0 : i64, scratch_operands = 18 : i64, tpu.core_type = #tpu.core_type<sc_vector_subcore>, window_params = [{transform_indices = #map}, {transform_indices = #map1}, {transform_indices = #map1}, {transform_indices = #map}, {transform_indices = #map}, {transform_indices = #map}]} {
    %mul3A = arith.constant 16 : i32
    %mul3A_0 = arith.muli %arg0, %mul3A : i32
    %add3A = arith.addi %mul3A_0, %arg1 : i32
    %sub3A = arith.constant 50 : i32
    %sub3A_1 = arith.subi %sub3A, %arg1 : i32
    %sub3A_2 = arith.constant 16 : i32
    %sub3A_3 = arith.constant 1 : i32
    %sub3A_4 = arith.subi %sub3A_2, %sub3A_3 : i32
    %add3A_5 = arith.addi %sub3A_1, %sub3A_4 : i32
    %div3A = arith.constant 16 : i32
    %div3A_6 = arith.divsi %add3A_5, %div3A : i32
    %while3A = arith.constant 16 : i32
    %while3A_7 = arith.constant 0 : i32
    %while3A_8 = arith.subi %div3A_6, %while3A_7 : i32
    %while3A_9 = arith.addi %while3A_7, %while3A_8 : i32
    %while3A_10 = arith.constant 1 : i32
    %while3A_11 = arith.divsi %while3A_8, %while3A_10 : i32
    %while3A_12 = arith.muli %while3A_11, %while3A_10 : i32
    %while3A_13 = arith.addi %while3A_7, %while3A_12 : i32
    %while3A_14 = arith.constant 1 : i32
    scf.for %while3A_39 = %while3A_7 to %while3A_13 step %while3A_14  : i32 {
      %mul3A_40 = arith.muli %while3A_39, %while3A : i32
      %add3A_41 = arith.addi %arg1, %mul3A_40 : i32
      %mul3A_42 = arith.constant 200 : i32
      %mul3A_43 = arith.muli %add3A_41, %mul3A_42 : i32
      %eq3A = arith.constant 0 : i32
      %eq3A_44 = arith.cmpi eq, %arg0, %eq3A : i32
      %convert_element_type3A = arith.extui %eq3A_44 : i1 to i32
      %cond3A = arith.constant 0 : i32
      %cond3A_45 = arith.cmpi ne, %convert_element_type3A, %cond3A : i32
      scf.if %cond3A_45 {
        "tpu.region"() ({
          %run_scoped3A = tpu.sem_alloc : memref<!tpu.dma_semaphore, #tpu.memory_space<semaphore_mem>>
          %dma_start3A = arith.constant 0 : i32
          %dma_start3A_50 = tpu.memref_slice %arg25[%mul3A_43, %dma_start3A] : memref<10000x128xf32, #tpu.memory_space<vmem_shared>> -> memref<200x128xf32, #tpu.memory_space<vmem_shared>>
          %dma_start3A_51 = arith.constant 0 : i32
          %dma_start3A_52 = tpu.memref_slice %arg2[%mul3A_43, %dma_start3A_51] : memref<10000x128xf32, #tpu.memory_space<hbm>> -> memref<200x128xf32, #tpu.memory_space<hbm>>
          tpu.enqueue_dma source(%dma_start3A_52 : memref<200x128xf32, #tpu.memory_space<hbm>>) target(%dma_start3A_50 : memref<200x128xf32, #tpu.memory_space<vmem_shared>>) target_semaphore(%run_scoped3A : memref<!tpu.dma_semaphore, #tpu.memory_space<semaphore_mem>>)
          %dma_wait3A = arith.constant 0 : i32
          %dma_wait3A_53 = tpu.memref_slice %arg25[%mul3A_43, %dma_wait3A] : memref<10000x128xf32, #tpu.memory_space<vmem_shared>> -> memref<200x128xf32, #tpu.memory_space<vmem_shared>>
          %dma_wait3A_54 = arith.constant 0 : i32
          %dma_wait3A_55 = tpu.memref_slice %arg2[%mul3A_43, %dma_wait3A_54] : memref<10000x128xf32, #tpu.memory_space<hbm>> -> memref<200x128xf32, #tpu.memory_space<hbm>>
          tpu.wait_dma2 semaphore(%run_scoped3A : memref<!tpu.dma_semaphore, #tpu.memory_space<semaphore_mem>>) src(%dma_wait3A_55 : memref<200x128xf32, #tpu.memory_space<hbm>>) dst(%dma_wait3A_53 : memref<200x128xf32, #tpu.memory_space<vmem_shared>>)
          tpu.yield
        }) : () -> ()
      } else {
      }
      %ne3A = arith.constant 0 : i32
      %ne3A_46 = arith.cmpi ne, %arg0, %ne3A : i32
      %convert_element_type3A_47 = arith.extui %ne3A_46 : i1 to i32
      %cond3A_48 = arith.constant 0 : i32
      %cond3A_49 = arith.cmpi ne, %convert_element_type3A_47, %cond3A_48 : i32
      scf.if %cond3A_49 {
        "tpu.region"() ({
          %run_scoped3A = tpu.sem_alloc : memref<!tpu.dma_semaphore, #tpu.memory_space<semaphore_mem>>
          %dma_start3A = arith.constant 0 : i32
          %dma_start3A_50 = tpu.memref_slice %arg25[%mul3A_43, %dma_start3A] : memref<10000x128xf32, #tpu.memory_space<vmem_shared>> -> memref<200x128xf32, #tpu.memory_space<vmem_shared>>
          %dma_start3A_51 = arith.constant 0 : i32
          %dma_start3A_52 = tpu.memref_slice %arg5[%mul3A_43, %dma_start3A_51] : memref<10000x128xf32, #tpu.memory_space<hbm>> -> memref<200x128xf32, #tpu.memory_space<hbm>>
          tpu.enqueue_dma source(%dma_start3A_52 : memref<200x128xf32, #tpu.memory_space<hbm>>) target(%dma_start3A_50 : memref<200x128xf32, #tpu.memory_space<vmem_shared>>) target_semaphore(%run_scoped3A : memref<!tpu.dma_semaphore, #tpu.memory_space<semaphore_mem>>)
          %dma_wait3A = arith.constant 0 : i32
          %dma_wait3A_53 = tpu.memref_slice %arg25[%mul3A_43, %dma_wait3A] : memref<10000x128xf32, #tpu.memory_space<vmem_shared>> -> memref<200x128xf32, #tpu.memory_space<vmem_shared>>
          %dma_wait3A_54 = arith.constant 0 : i32
          %dma_wait3A_55 = tpu.memref_slice %arg5[%mul3A_43, %dma_wait3A_54] : memref<10000x128xf32, #tpu.memory_space<hbm>> -> memref<200x128xf32, #tpu.memory_space<hbm>>
          tpu.wait_dma2 semaphore(%run_scoped3A : memref<!tpu.dma_semaphore, #tpu.memory_space<semaphore_mem>>) src(%dma_wait3A_55 : memref<200x128xf32, #tpu.memory_space<hbm>>) dst(%dma_wait3A_53 : memref<200x128xf32, #tpu.memory_space<vmem_shared>>)
          tpu.yield
        }) : () -> ()
      } else {
      }
    }
    %while3A_15 = arith.constant 1 : i32
    scf.for %while3A_39 = %while3A_13 to %while3A_9 step %while3A_15  : i32 {
      %mul3A_40 = arith.muli %while3A_39, %while3A : i32
      %add3A_41 = arith.addi %arg1, %mul3A_40 : i32
      %mul3A_42 = arith.constant 200 : i32
      %mul3A_43 = arith.muli %add3A_41, %mul3A_42 : i32
      %eq3A = arith.constant 0 : i32
      %eq3A_44 = arith.cmpi eq, %arg0, %eq3A : i32
      %convert_element_type3A = arith.extui %eq3A_44 : i1 to i32
      %cond3A = arith.constant 0 : i32
      %cond3A_45 = arith.cmpi ne, %convert_element_type3A, %cond3A : i32
      scf.if %cond3A_45 {
        "tpu.region"() ({
          %run_scoped3A = tpu.sem_alloc : memref<!tpu.dma_semaphore, #tpu.memory_space<semaphore_mem>>
          %dma_start3A = arith.constant 0 : i32
          %dma_start3A_50 = tpu.memref_slice %arg25[%mul3A_43, %dma_start3A] : memref<10000x128xf32, #tpu.memory_space<vmem_shared>> -> memref<200x128xf32, #tpu.memory_space<vmem_shared>>
          %dma_start3A_51 = arith.constant 0 : i32
          %dma_start3A_52 = tpu.memref_slice %arg2[%mul3A_43, %dma_start3A_51] : memref<10000x128xf32, #tpu.memory_space<hbm>> -> memref<200x128xf32, #tpu.memory_space<hbm>>
          tpu.enqueue_dma source(%dma_start3A_52 : memref<200x128xf32, #tpu.memory_space<hbm>>) target(%dma_start3A_50 : memref<200x128xf32, #tpu.memory_space<vmem_shared>>) target_semaphore(%run_scoped3A : memref<!tpu.dma_semaphore, #tpu.memory_space<semaphore_mem>>)
          %dma_wait3A = arith.constant 0 : i32
          %dma_wait3A_53 = tpu.memref_slice %arg25[%mul3A_43, %dma_wait3A] : memref<10000x128xf32, #tpu.memory_space<vmem_shared>> -> memref<200x128xf32, #tpu.memory_space<vmem_shared>>
          %dma_wait3A_54 = arith.constant 0 : i32
          %dma_wait3A_55 = tpu.memref_slice %arg2[%mul3A_43, %dma_wait3A_54] : memref<10000x128xf32, #tpu.memory_space<hbm>> -> memref<200x128xf32, #tpu.memory_space<hbm>>
          tpu.wait_dma2 semaphore(%run_scoped3A : memref<!tpu.dma_semaphore, #tpu.memory_space<semaphore_mem>>) src(%dma_wait3A_55 : memref<200x128xf32, #tpu.memory_space<hbm>>) dst(%dma_wait3A_53 : memref<200x128xf32, #tpu.memory_space<vmem_shared>>)
          tpu.yield
        }) : () -> ()
      } else {
      }
      %ne3A = arith.constant 0 : i32
      %ne3A_46 = arith.cmpi ne, %arg0, %ne3A : i32
      %convert_element_type3A_47 = arith.extui %ne3A_46 : i1 to i32
      %cond3A_48 = arith.constant 0 : i32
      %cond3A_49 = arith.cmpi ne, %convert_element_type3A_47, %cond3A_48 : i32
      scf.if %cond3A_49 {
        "tpu.region"() ({
          %run_scoped3A = tpu.sem_alloc : memref<!tpu.dma_semaphore, #tpu.memory_space<semaphore_mem>>
          %dma_start3A = arith.constant 0 : i32
          %dma_start3A_50 = tpu.memref_slice %arg25[%mul3A_43, %dma_start3A] : memref<10000x128xf32, #tpu.memory_space<vmem_shared>> -> memref<200x128xf32, #tpu.memory_space<vmem_shared>>
          %dma_start3A_51 = arith.constant 0 : i32
          %dma_start3A_52 = tpu.memref_slice %arg5[%mul3A_43, %dma_start3A_51] : memref<10000x128xf32, #tpu.memory_space<hbm>> -> memref<200x128xf32, #tpu.memory_space<hbm>>
          tpu.enqueue_dma source(%dma_start3A_52 : memref<200x128xf32, #tpu.memory_space<hbm>>) target(%dma_start3A_50 : memref<200x128xf32, #tpu.memory_space<vmem_shared>>) target_semaphore(%run_scoped3A : memref<!tpu.dma_semaphore, #tpu.memory_space<semaphore_mem>>)
          %dma_wait3A = arith.constant 0 : i32
          %dma_wait3A_53 = tpu.memref_slice %arg25[%mul3A_43, %dma_wait3A] : memref<10000x128xf32, #tpu.memory_space<vmem_shared>> -> memref<200x128xf32, #tpu.memory_space<vmem_shared>>
          %dma_wait3A_54 = arith.constant 0 : i32
          %dma_wait3A_55 = tpu.memref_slice %arg5[%mul3A_43, %dma_wait3A_54] : memref<10000x128xf32, #tpu.memory_space<hbm>> -> memref<200x128xf32, #tpu.memory_space<hbm>>
          tpu.wait_dma2 semaphore(%run_scoped3A : memref<!tpu.dma_semaphore, #tpu.memory_space<semaphore_mem>>) src(%dma_wait3A_55 : memref<200x128xf32, #tpu.memory_space<hbm>>) dst(%dma_wait3A_53 : memref<200x128xf32, #tpu.memory_space<vmem_shared>>)
          tpu.yield
        }) : () -> ()
      } else {
      }
    }
    %barrier3A = arith.constant 0 : index
    tpu.barrier barrier_id(%barrier3A)
    %scan3A = arith.constant 0 : i32
    %scan3A_16 = arith.constant 5 : i32
    %scan3A_17 = arith.addi %scan3A, %scan3A_16 : i32
    %scan3A_18 = arith.constant 1 : i32
    scf.for %scan3A_39 = %scan3A to %scan3A_17 step %scan3A_18  : i32 {
      %mul3A_40 = arith.constant 1 : i32
      %mul3A_41 = arith.muli %scan3A_39, %mul3A_40 : i32
      %add3A_42 = arith.constant 0 : i32
      %add3A_43 = arith.addi %add3A_42, %mul3A_41 : i32
      "tpu.region"() ({
        %run_scoped3A = tpu.sem_alloc : memref<!tpu.dma_semaphore, #tpu.memory_space<semaphore_mem>>
        %dma_start3A_117 = arith.constant 0 : i32
        %dma_start3A_118 = arith.constant 0 : i32
        %dma_start3A_119 = tpu.memref_slice %arg3[%add3A, %add3A_43, %dma_start3A_117, %dma_start3A_118] : memref<32x5x50x40xi32, #tpu.memory_space<hbm>> -> memref<1x1x50x40xi32, #tpu.memory_space<hbm>>
        %dma_start3A_120 = tpu.memref_squeeze %dma_start3A_119 : memref<1x1x50x40xi32, #tpu.memory_space<hbm>> -> memref<50x40xi32, #tpu.memory_space<hbm>>
        %dma_start3A_121 = arith.constant 0 : i32
        %dma_start3A_122 = arith.constant 0 : i32
        %dma_start3A_123 = tpu.memref_slice %arg3[%add3A, %add3A_43, %dma_start3A_121, %dma_start3A_122] : memref<32x5x50x40xi32, #tpu.memory_space<hbm>> -> memref<1x1x50x40xi32, #tpu.memory_space<hbm>>
        %dma_start3A_124 = tpu.memref_squeeze %dma_start3A_123 : memref<1x1x50x40xi32, #tpu.memory_space<hbm>> -> memref<50x40xi32, #tpu.memory_space<hbm>>
        tpu.enqueue_dma source(%dma_start3A_124 : memref<50x40xi32, #tpu.memory_space<hbm>>) target(%arg8 : memref<50x40xi32, #tpu.memory_space<vmem>>) target_semaphore(%run_scoped3A : memref<!tpu.dma_semaphore, #tpu.memory_space<semaphore_mem>>)
        %dma_wait3A_125 = arith.constant 0 : i32
        %dma_wait3A_126 = arith.constant 0 : i32
        %dma_wait3A_127 = tpu.memref_slice %arg3[%add3A, %add3A_43, %dma_wait3A_125, %dma_wait3A_126] : memref<32x5x50x40xi32, #tpu.memory_space<hbm>> -> memref<1x1x50x40xi32, #tpu.memory_space<hbm>>
        %dma_wait3A_128 = tpu.memref_squeeze %dma_wait3A_127 : memref<1x1x50x40xi32, #tpu.memory_space<hbm>> -> memref<50x40xi32, #tpu.memory_space<hbm>>
        %dma_wait3A_129 = arith.constant 0 : i32
        %dma_wait3A_130 = arith.constant 0 : i32
        %dma_wait3A_131 = tpu.memref_slice %arg3[%add3A, %add3A_43, %dma_wait3A_129, %dma_wait3A_130] : memref<32x5x50x40xi32, #tpu.memory_space<hbm>> -> memref<1x1x50x40xi32, #tpu.memory_space<hbm>>
        %dma_wait3A_132 = tpu.memref_squeeze %dma_wait3A_131 : memref<1x1x50x40xi32, #tpu.memory_space<hbm>> -> memref<50x40xi32, #tpu.memory_space<hbm>>
        tpu.wait_dma2 semaphore(%run_scoped3A : memref<!tpu.dma_semaphore, #tpu.memory_space<semaphore_mem>>) src(%dma_wait3A_132 : memref<50x40xi32, #tpu.memory_space<hbm>>) dst(%arg8 : memref<50x40xi32, #tpu.memory_space<vmem>>)
        tpu.yield
      }) : () -> ()
      "tpu.region"() ({
        %run_scoped3A = tpu.sem_alloc : memref<!tpu.dma_semaphore, #tpu.memory_space<semaphore_mem>>
        %dma_start3A_117 = arith.constant 0 : i32
        %dma_start3A_118 = arith.constant 0 : i32
        %dma_start3A_119 = tpu.memref_slice %arg4[%add3A, %add3A_43, %dma_start3A_117, %dma_start3A_118] : memref<32x5x50x40xi32, #tpu.memory_space<hbm>> -> memref<1x1x50x40xi32, #tpu.memory_space<hbm>>
        %dma_start3A_120 = tpu.memref_squeeze %dma_start3A_119 : memref<1x1x50x40xi32, #tpu.memory_space<hbm>> -> memref<50x40xi32, #tpu.memory_space<hbm>>
        %dma_start3A_121 = arith.constant 0 : i32
        %dma_start3A_122 = arith.constant 0 : i32
        %dma_start3A_123 = tpu.memref_slice %arg4[%add3A, %add3A_43, %dma_start3A_121, %dma_start3A_122] : memref<32x5x50x40xi32, #tpu.memory_space<hbm>> -> memref<1x1x50x40xi32, #tpu.memory_space<hbm>>
        %dma_start3A_124 = tpu.memref_squeeze %dma_start3A_123 : memref<1x1x50x40xi32, #tpu.memory_space<hbm>> -> memref<50x40xi32, #tpu.memory_space<hbm>>
        tpu.enqueue_dma source(%dma_start3A_124 : memref<50x40xi32, #tpu.memory_space<hbm>>) target(%arg9 : memref<50x40xi32, #tpu.memory_space<vmem>>) target_semaphore(%run_scoped3A : memref<!tpu.dma_semaphore, #tpu.memory_space<semaphore_mem>>)
        %dma_wait3A_125 = arith.constant 0 : i32
        %dma_wait3A_126 = arith.constant 0 : i32
        %dma_wait3A_127 = tpu.memref_slice %arg4[%add3A, %add3A_43, %dma_wait3A_125, %dma_wait3A_126] : memref<32x5x50x40xi32, #tpu.memory_space<hbm>> -> memref<1x1x50x40xi32, #tpu.memory_space<hbm>>
        %dma_wait3A_128 = tpu.memref_squeeze %dma_wait3A_127 : memref<1x1x50x40xi32, #tpu.memory_space<hbm>> -> memref<50x40xi32, #tpu.memory_space<hbm>>
        %dma_wait3A_129 = arith.constant 0 : i32
        %dma_wait3A_130 = arith.constant 0 : i32
        %dma_wait3A_131 = tpu.memref_slice %arg4[%add3A, %add3A_43, %dma_wait3A_129, %dma_wait3A_130] : memref<32x5x50x40xi32, #tpu.memory_space<hbm>> -> memref<1x1x50x40xi32, #tpu.memory_space<hbm>>
        %dma_wait3A_132 = tpu.memref_squeeze %dma_wait3A_131 : memref<1x1x50x40xi32, #tpu.memory_space<hbm>> -> memref<50x40xi32, #tpu.memory_space<hbm>>
        tpu.wait_dma2 semaphore(%run_scoped3A : memref<!tpu.dma_semaphore, #tpu.memory_space<semaphore_mem>>) src(%dma_wait3A_132 : memref<50x40xi32, #tpu.memory_space<hbm>>) dst(%arg9 : memref<50x40xi32, #tpu.memory_space<vmem>>)
        tpu.yield
      }) : () -> ()
      %dma_start3A = arith.constant 0 : i32
      %dma_start3A_44 = arith.constant 0 : i32
      %dma_start3A_45 = tpu.memref_slice %arg8[%dma_start3A, %dma_start3A_44] : memref<50x40xi32, #tpu.memory_space<vmem>> -> memref<1x40xi32, #tpu.memory_space<vmem>>
      %dma_start3A_46 = tpu.memref_squeeze %dma_start3A_45 : memref<1x40xi32, #tpu.memory_space<vmem>> -> memref<40xi32, #tpu.memory_space<vmem>>
      %dma_start3A_47 = arith.constant 0 : i32
      %dma_start3A_48 = arith.constant 0 : i32
      %dma_start3A_49 = tpu.memref_slice %arg2[%dma_start3A_47, %dma_start3A_48] : memref<10000x128xf32, #tpu.memory_space<hbm>> -> memref<10000x128xf32, #tpu.memory_space<hbm>>
      tpu.enqueue_indirect_dma source(%dma_start3A_49 : memref<10000x128xf32, #tpu.memory_space<hbm>>) target(%arg10 : memref<40x128xf32, #tpu.memory_space<vmem>>) offsets(%dma_start3A_46 : memref<40xi32, #tpu.memory_space<vmem>>) semaphore(%arg15 : memref<!tpu.dma_semaphore, #tpu.memory_space<semaphore_mem>>)
      %dma_start3A_50 = arith.constant 1 : i32
      %dma_start3A_51 = arith.constant 0 : i32
      %dma_start3A_52 = tpu.memref_slice %arg8[%dma_start3A_50, %dma_start3A_51] : memref<50x40xi32, #tpu.memory_space<vmem>> -> memref<1x40xi32, #tpu.memory_space<vmem>>
      %dma_start3A_53 = tpu.memref_squeeze %dma_start3A_52 : memref<1x40xi32, #tpu.memory_space<vmem>> -> memref<40xi32, #tpu.memory_space<vmem>>
      %dma_start3A_54 = arith.constant 0 : i32
      %dma_start3A_55 = arith.constant 0 : i32
      %dma_start3A_56 = tpu.memref_slice %arg2[%dma_start3A_54, %dma_start3A_55] : memref<10000x128xf32, #tpu.memory_space<hbm>> -> memref<10000x128xf32, #tpu.memory_space<hbm>>
      tpu.enqueue_indirect_dma source(%dma_start3A_56 : memref<10000x128xf32, #tpu.memory_space<hbm>>) target(%arg11 : memref<40x128xf32, #tpu.memory_space<vmem>>) offsets(%dma_start3A_53 : memref<40xi32, #tpu.memory_space<vmem>>) semaphore(%arg16 : memref<!tpu.dma_semaphore, #tpu.memory_space<semaphore_mem>>)
      %dma_start3A_57 = arith.constant 2 : i32
      %dma_start3A_58 = arith.constant 0 : i32
      %dma_start3A_59 = tpu.memref_slice %arg8[%dma_start3A_57, %dma_start3A_58] : memref<50x40xi32, #tpu.memory_space<vmem>> -> memref<1x40xi32, #tpu.memory_space<vmem>>
      %dma_start3A_60 = tpu.memref_squeeze %dma_start3A_59 : memref<1x40xi32, #tpu.memory_space<vmem>> -> memref<40xi32, #tpu.memory_space<vmem>>
      %dma_start3A_61 = arith.constant 0 : i32
      %dma_start3A_62 = arith.constant 0 : i32
      %dma_start3A_63 = tpu.memref_slice %arg2[%dma_start3A_61, %dma_start3A_62] : memref<10000x128xf32, #tpu.memory_space<hbm>> -> memref<10000x128xf32, #tpu.memory_space<hbm>>
      tpu.enqueue_indirect_dma source(%dma_start3A_63 : memref<10000x128xf32, #tpu.memory_space<hbm>>) target(%arg12 : memref<40x128xf32, #tpu.memory_space<vmem>>) offsets(%dma_start3A_60 : memref<40xi32, #tpu.memory_space<vmem>>) semaphore(%arg17 : memref<!tpu.dma_semaphore, #tpu.memory_space<semaphore_mem>>)
      %dma_start3A_64 = arith.constant 3 : i32
      %dma_start3A_65 = arith.constant 0 : i32
      %dma_start3A_66 = tpu.memref_slice %arg8[%dma_start3A_64, %dma_start3A_65] : memref<50x40xi32, #tpu.memory_space<vmem>> -> memref<1x40xi32, #tpu.memory_space<vmem>>
      %dma_start3A_67 = tpu.memref_squeeze %dma_start3A_66 : memref<1x40xi32, #tpu.memory_space<vmem>> -> memref<40xi32, #tpu.memory_space<vmem>>
      %dma_start3A_68 = arith.constant 0 : i32
      %dma_start3A_69 = arith.constant 0 : i32
      %dma_start3A_70 = tpu.memref_slice %arg2[%dma_start3A_68, %dma_start3A_69] : memref<10000x128xf32, #tpu.memory_space<hbm>> -> memref<10000x128xf32, #tpu.memory_space<hbm>>
      tpu.enqueue_indirect_dma source(%dma_start3A_70 : memref<10000x128xf32, #tpu.memory_space<hbm>>) target(%arg13 : memref<40x128xf32, #tpu.memory_space<vmem>>) offsets(%dma_start3A_67 : memref<40xi32, #tpu.memory_space<vmem>>) semaphore(%arg18 : memref<!tpu.dma_semaphore, #tpu.memory_space<semaphore_mem>>)
      %dma_start3A_71 = arith.constant 4 : i32
      %dma_start3A_72 = arith.constant 0 : i32
      %dma_start3A_73 = tpu.memref_slice %arg8[%dma_start3A_71, %dma_start3A_72] : memref<50x40xi32, #tpu.memory_space<vmem>> -> memref<1x40xi32, #tpu.memory_space<vmem>>
      %dma_start3A_74 = tpu.memref_squeeze %dma_start3A_73 : memref<1x40xi32, #tpu.memory_space<vmem>> -> memref<40xi32, #tpu.memory_space<vmem>>
      %dma_start3A_75 = arith.constant 0 : i32
      %dma_start3A_76 = arith.constant 0 : i32
      %dma_start3A_77 = tpu.memref_slice %arg2[%dma_start3A_75, %dma_start3A_76] : memref<10000x128xf32, #tpu.memory_space<hbm>> -> memref<10000x128xf32, #tpu.memory_space<hbm>>
      tpu.enqueue_indirect_dma source(%dma_start3A_77 : memref<10000x128xf32, #tpu.memory_space<hbm>>) target(%arg14 : memref<40x128xf32, #tpu.memory_space<vmem>>) offsets(%dma_start3A_74 : memref<40xi32, #tpu.memory_space<vmem>>) semaphore(%arg19 : memref<!tpu.dma_semaphore, #tpu.memory_space<semaphore_mem>>)
      %scan3A_78 = arith.constant 0 : i32
      %scan3A_79 = arith.constant 10 : i32
      %scan3A_80 = arith.addi %scan3A_78, %scan3A_79 : i32
      %scan3A_81 = arith.constant 1 : i32
      scf.for %scan3A_117 = %scan3A_78 to %scan3A_80 step %scan3A_81  : i32 {
        %mul3A_118 = arith.constant 1 : i32
        %mul3A_119 = arith.muli %scan3A_117, %mul3A_118 : i32
        %add3A_120 = arith.constant 0 : i32
        %add3A_121 = arith.addi %add3A_120, %mul3A_119 : i32
        %mul3A_122 = arith.constant 5 : i32
        %mul3A_123 = arith.muli %add3A_121, %mul3A_122 : i32
        %add3A_124 = arith.constant 0 : i32
        %add3A_125 = arith.addi %mul3A_123, %add3A_124 : i32
        %dma_wait3A_126 = arith.constant 0 : i32
        %dma_wait3A_127 = tpu.memref_slice %arg8[%add3A_125, %dma_wait3A_126] : memref<50x40xi32, #tpu.memory_space<vmem>> -> memref<1x40xi32, #tpu.memory_space<vmem>>
        %dma_wait3A_128 = tpu.memref_squeeze %dma_wait3A_127 : memref<1x40xi32, #tpu.memory_space<vmem>> -> memref<40xi32, #tpu.memory_space<vmem>>
        %dma_wait3A_129 = arith.constant 0 : i32
        %dma_wait3A_130 = arith.constant 0 : i32
        %dma_wait3A_131 = tpu.memref_slice %arg2[%dma_wait3A_129, %dma_wait3A_130] : memref<10000x128xf32, #tpu.memory_space<hbm>> -> memref<10000x128xf32, #tpu.memory_space<hbm>>
        tpu.wait_indirect_dma semaphore(%arg15 : memref<!tpu.dma_semaphore, #tpu.memory_space<semaphore_mem>>) src(%dma_wait3A_131 : memref<10000x128xf32, #tpu.memory_space<hbm>>) dst(%arg10 : memref<40x128xf32, #tpu.memory_space<vmem>>)
        %add3A_132 = arith.constant 0 : i32
        %add3A_133 = arith.addi %mul3A_123, %add3A_132 : i32
        %dma_start3A_134 = arith.constant 0 : i32
        %dma_start3A_135 = tpu.memref_slice %arg9[%add3A_133, %dma_start3A_134] : memref<50x40xi32, #tpu.memory_space<vmem>> -> memref<1x40xi32, #tpu.memory_space<vmem>>
        %dma_start3A_136 = tpu.memref_squeeze %dma_start3A_135 : memref<1x40xi32, #tpu.memory_space<vmem>> -> memref<40xi32, #tpu.memory_space<vmem>>
        %dma_start3A_137 = arith.constant 0 : i32
        %dma_start3A_138 = arith.constant 0 : i32
        %dma_start3A_139 = tpu.memref_slice %arg25[%dma_start3A_137, %dma_start3A_138] : memref<10000x128xf32, #tpu.memory_space<vmem_shared>> -> memref<10000x128xf32, #tpu.memory_space<vmem_shared>>
        tpu.enqueue_indirect_dma source(%arg10 : memref<40x128xf32, #tpu.memory_space<vmem>>) target(%dma_start3A_139 : memref<10000x128xf32, #tpu.memory_space<vmem_shared>>) offsets(%dma_start3A_136 : memref<40xi32, #tpu.memory_space<vmem>>) semaphore(%arg20 : memref<!tpu.dma_semaphore, #tpu.memory_space<semaphore_mem>>) {add = true}
        %add3A_140 = arith.constant 1 : i32
        %add3A_141 = arith.addi %mul3A_123, %add3A_140 : i32
        %dma_wait3A_142 = arith.constant 0 : i32
        %dma_wait3A_143 = tpu.memref_slice %arg8[%add3A_141, %dma_wait3A_142] : memref<50x40xi32, #tpu.memory_space<vmem>> -> memref<1x40xi32, #tpu.memory_space<vmem>>
        %dma_wait3A_144 = tpu.memref_squeeze %dma_wait3A_143 : memref<1x40xi32, #tpu.memory_space<vmem>> -> memref<40xi32, #tpu.memory_space<vmem>>
        %dma_wait3A_145 = arith.constant 0 : i32
        %dma_wait3A_146 = arith.constant 0 : i32
        %dma_wait3A_147 = tpu.memref_slice %arg2[%dma_wait3A_145, %dma_wait3A_146] : memref<10000x128xf32, #tpu.memory_space<hbm>> -> memref<10000x128xf32, #tpu.memory_space<hbm>>
        tpu.wait_indirect_dma semaphore(%arg16 : memref<!tpu.dma_semaphore, #tpu.memory_space<semaphore_mem>>) src(%dma_wait3A_147 : memref<10000x128xf32, #tpu.memory_space<hbm>>) dst(%arg11 : memref<40x128xf32, #tpu.memory_space<vmem>>)
        %add3A_148 = arith.constant 1 : i32
        %add3A_149 = arith.addi %mul3A_123, %add3A_148 : i32
        %dma_start3A_150 = arith.constant 0 : i32
        %dma_start3A_151 = tpu.memref_slice %arg9[%add3A_149, %dma_start3A_150] : memref<50x40xi32, #tpu.memory_space<vmem>> -> memref<1x40xi32, #tpu.memory_space<vmem>>
        %dma_start3A_152 = tpu.memref_squeeze %dma_start3A_151 : memref<1x40xi32, #tpu.memory_space<vmem>> -> memref<40xi32, #tpu.memory_space<vmem>>
        %dma_start3A_153 = arith.constant 0 : i32
        %dma_start3A_154 = arith.constant 0 : i32
        %dma_start3A_155 = tpu.memref_slice %arg25[%dma_start3A_153, %dma_start3A_154] : memref<10000x128xf32, #tpu.memory_space<vmem_shared>> -> memref<10000x128xf32, #tpu.memory_space<vmem_shared>>
        tpu.enqueue_indirect_dma source(%arg11 : memref<40x128xf32, #tpu.memory_space<vmem>>) target(%dma_start3A_155 : memref<10000x128xf32, #tpu.memory_space<vmem_shared>>) offsets(%dma_start3A_152 : memref<40xi32, #tpu.memory_space<vmem>>) semaphore(%arg21 : memref<!tpu.dma_semaphore, #tpu.memory_space<semaphore_mem>>) {add = true}
        %add3A_156 = arith.constant 2 : i32
        %add3A_157 = arith.addi %mul3A_123, %add3A_156 : i32
        %dma_wait3A_158 = arith.constant 0 : i32
        %dma_wait3A_159 = tpu.memref_slice %arg8[%add3A_157, %dma_wait3A_158] : memref<50x40xi32, #tpu.memory_space<vmem>> -> memref<1x40xi32, #tpu.memory_space<vmem>>
        %dma_wait3A_160 = tpu.memref_squeeze %dma_wait3A_159 : memref<1x40xi32, #tpu.memory_space<vmem>> -> memref<40xi32, #tpu.memory_space<vmem>>
        %dma_wait3A_161 = arith.constant 0 : i32
        %dma_wait3A_162 = arith.constant 0 : i32
        %dma_wait3A_163 = tpu.memref_slice %arg2[%dma_wait3A_161, %dma_wait3A_162] : memref<10000x128xf32, #tpu.memory_space<hbm>> -> memref<10000x128xf32, #tpu.memory_space<hbm>>
        tpu.wait_indirect_dma semaphore(%arg17 : memref<!tpu.dma_semaphore, #tpu.memory_space<semaphore_mem>>) src(%dma_wait3A_163 : memref<10000x128xf32, #tpu.memory_space<hbm>>) dst(%arg12 : memref<40x128xf32, #tpu.memory_space<vmem>>)
        %add3A_164 = arith.constant 2 : i32
        %add3A_165 = arith.addi %mul3A_123, %add3A_164 : i32
        %dma_start3A_166 = arith.constant 0 : i32
        %dma_start3A_167 = tpu.memref_slice %arg9[%add3A_165, %dma_start3A_166] : memref<50x40xi32, #tpu.memory_space<vmem>> -> memref<1x40xi32, #tpu.memory_space<vmem>>
        %dma_start3A_168 = tpu.memref_squeeze %dma_start3A_167 : memref<1x40xi32, #tpu.memory_space<vmem>> -> memref<40xi32, #tpu.memory_space<vmem>>
        %dma_start3A_169 = arith.constant 0 : i32
        %dma_start3A_170 = arith.constant 0 : i32
        %dma_start3A_171 = tpu.memref_slice %arg25[%dma_start3A_169, %dma_start3A_170] : memref<10000x128xf32, #tpu.memory_space<vmem_shared>> -> memref<10000x128xf32, #tpu.memory_space<vmem_shared>>
        tpu.enqueue_indirect_dma source(%arg12 : memref<40x128xf32, #tpu.memory_space<vmem>>) target(%dma_start3A_171 : memref<10000x128xf32, #tpu.memory_space<vmem_shared>>) offsets(%dma_start3A_168 : memref<40xi32, #tpu.memory_space<vmem>>) semaphore(%arg22 : memref<!tpu.dma_semaphore, #tpu.memory_space<semaphore_mem>>) {add = true}
        %add3A_172 = arith.constant 3 : i32
        %add3A_173 = arith.addi %mul3A_123, %add3A_172 : i32
        %dma_wait3A_174 = arith.constant 0 : i32
        %dma_wait3A_175 = tpu.memref_slice %arg8[%add3A_173, %dma_wait3A_174] : memref<50x40xi32, #tpu.memory_space<vmem>> -> memref<1x40xi32, #tpu.memory_space<vmem>>
        %dma_wait3A_176 = tpu.memref_squeeze %dma_wait3A_175 : memref<1x40xi32, #tpu.memory_space<vmem>> -> memref<40xi32, #tpu.memory_space<vmem>>
        %dma_wait3A_177 = arith.constant 0 : i32
        %dma_wait3A_178 = arith.constant 0 : i32
        %dma_wait3A_179 = tpu.memref_slice %arg2[%dma_wait3A_177, %dma_wait3A_178] : memref<10000x128xf32, #tpu.memory_space<hbm>> -> memref<10000x128xf32, #tpu.memory_space<hbm>>
        tpu.wait_indirect_dma semaphore(%arg18 : memref<!tpu.dma_semaphore, #tpu.memory_space<semaphore_mem>>) src(%dma_wait3A_179 : memref<10000x128xf32, #tpu.memory_space<hbm>>) dst(%arg13 : memref<40x128xf32, #tpu.memory_space<vmem>>)
        %add3A_180 = arith.constant 3 : i32
        %add3A_181 = arith.addi %mul3A_123, %add3A_180 : i32
        %dma_start3A_182 = arith.constant 0 : i32
        %dma_start3A_183 = tpu.memref_slice %arg9[%add3A_181, %dma_start3A_182] : memref<50x40xi32, #tpu.memory_space<vmem>> -> memref<1x40xi32, #tpu.memory_space<vmem>>
        %dma_start3A_184 = tpu.memref_squeeze %dma_start3A_183 : memref<1x40xi32, #tpu.memory_space<vmem>> -> memref<40xi32, #tpu.memory_space<vmem>>
        %dma_start3A_185 = arith.constant 0 : i32
        %dma_start3A_186 = arith.constant 0 : i32
        %dma_start3A_187 = tpu.memref_slice %arg25[%dma_start3A_185, %dma_start3A_186] : memref<10000x128xf32, #tpu.memory_space<vmem_shared>> -> memref<10000x128xf32, #tpu.memory_space<vmem_shared>>
        tpu.enqueue_indirect_dma source(%arg13 : memref<40x128xf32, #tpu.memory_space<vmem>>) target(%dma_start3A_187 : memref<10000x128xf32, #tpu.memory_space<vmem_shared>>) offsets(%dma_start3A_184 : memref<40xi32, #tpu.memory_space<vmem>>) semaphore(%arg23 : memref<!tpu.dma_semaphore, #tpu.memory_space<semaphore_mem>>) {add = true}
        %add3A_188 = arith.constant 4 : i32
        %add3A_189 = arith.addi %mul3A_123, %add3A_188 : i32
        %dma_wait3A_190 = arith.constant 0 : i32
        %dma_wait3A_191 = tpu.memref_slice %arg8[%add3A_189, %dma_wait3A_190] : memref<50x40xi32, #tpu.memory_space<vmem>> -> memref<1x40xi32, #tpu.memory_space<vmem>>
        %dma_wait3A_192 = tpu.memref_squeeze %dma_wait3A_191 : memref<1x40xi32, #tpu.memory_space<vmem>> -> memref<40xi32, #tpu.memory_space<vmem>>
        %dma_wait3A_193 = arith.constant 0 : i32
        %dma_wait3A_194 = arith.constant 0 : i32
        %dma_wait3A_195 = tpu.memref_slice %arg2[%dma_wait3A_193, %dma_wait3A_194] : memref<10000x128xf32, #tpu.memory_space<hbm>> -> memref<10000x128xf32, #tpu.memory_space<hbm>>
        tpu.wait_indirect_dma semaphore(%arg19 : memref<!tpu.dma_semaphore, #tpu.memory_space<semaphore_mem>>) src(%dma_wait3A_195 : memref<10000x128xf32, #tpu.memory_space<hbm>>) dst(%arg14 : memref<40x128xf32, #tpu.memory_space<vmem>>)
        %add3A_196 = arith.constant 4 : i32
        %add3A_197 = arith.addi %mul3A_123, %add3A_196 : i32
        %dma_start3A_198 = arith.constant 0 : i32
        %dma_start3A_199 = tpu.memref_slice %arg9[%add3A_197, %dma_start3A_198] : memref<50x40xi32, #tpu.memory_space<vmem>> -> memref<1x40xi32, #tpu.memory_space<vmem>>
        %dma_start3A_200 = tpu.memref_squeeze %dma_start3A_199 : memref<1x40xi32, #tpu.memory_space<vmem>> -> memref<40xi32, #tpu.memory_space<vmem>>
        %dma_start3A_201 = arith.constant 0 : i32
        %dma_start3A_202 = arith.constant 0 : i32
        %dma_start3A_203 = tpu.memref_slice %arg25[%dma_start3A_201, %dma_start3A_202] : memref<10000x128xf32, #tpu.memory_space<vmem_shared>> -> memref<10000x128xf32, #tpu.memory_space<vmem_shared>>
        tpu.enqueue_indirect_dma source(%arg14 : memref<40x128xf32, #tpu.memory_space<vmem>>) target(%dma_start3A_203 : memref<10000x128xf32, #tpu.memory_space<vmem_shared>>) offsets(%dma_start3A_200 : memref<40xi32, #tpu.memory_space<vmem>>) semaphore(%arg24 : memref<!tpu.dma_semaphore, #tpu.memory_space<semaphore_mem>>) {add = true}
        %lt3A = arith.constant 9 : i32
        %lt3A_204 = arith.cmpi slt, %add3A_121, %lt3A : i32
        %convert_element_type3A = arith.extui %lt3A_204 : i1 to i32
        %cond3A = arith.constant 0 : i32
        %cond3A_205 = arith.cmpi ne, %convert_element_type3A, %cond3A : i32
        scf.if %cond3A_205 {
          %add3A_206 = arith.constant 0 : i32
          %add3A_207 = arith.addi %mul3A_123, %add3A_206 : i32
          %dma_wait3A_208 = arith.constant 0 : i32
          %dma_wait3A_209 = tpu.memref_slice %arg9[%add3A_207, %dma_wait3A_208] : memref<50x40xi32, #tpu.memory_space<vmem>> -> memref<1x40xi32, #tpu.memory_space<vmem>>
          %dma_wait3A_210 = tpu.memref_squeeze %dma_wait3A_209 : memref<1x40xi32, #tpu.memory_space<vmem>> -> memref<40xi32, #tpu.memory_space<vmem>>
          %dma_wait3A_211 = arith.constant 0 : i32
          %dma_wait3A_212 = arith.constant 0 : i32
          %dma_wait3A_213 = tpu.memref_slice %arg25[%dma_wait3A_211, %dma_wait3A_212] : memref<10000x128xf32, #tpu.memory_space<vmem_shared>> -> memref<10000x128xf32, #tpu.memory_space<vmem_shared>>
          tpu.wait_indirect_dma semaphore(%arg20 : memref<!tpu.dma_semaphore, #tpu.memory_space<semaphore_mem>>) src(%arg10 : memref<40x128xf32, #tpu.memory_space<vmem>>) dst(%dma_wait3A_213 : memref<10000x128xf32, #tpu.memory_space<vmem_shared>>)
          %add3A_214 = arith.constant 5 : i32
          %add3A_215 = arith.addi %mul3A_123, %add3A_214 : i32
          %add3A_216 = arith.constant 0 : i32
          %add3A_217 = arith.addi %add3A_215, %add3A_216 : i32
          %dma_start3A_218 = arith.constant 0 : i32
          %dma_start3A_219 = tpu.memref_slice %arg8[%add3A_217, %dma_start3A_218] : memref<50x40xi32, #tpu.memory_space<vmem>> -> memref<1x40xi32, #tpu.memory_space<vmem>>
          %dma_start3A_220 = tpu.memref_squeeze %dma_start3A_219 : memref<1x40xi32, #tpu.memory_space<vmem>> -> memref<40xi32, #tpu.memory_space<vmem>>
          %dma_start3A_221 = arith.constant 0 : i32
          %dma_start3A_222 = arith.constant 0 : i32
          %dma_start3A_223 = tpu.memref_slice %arg2[%dma_start3A_221, %dma_start3A_222] : memref<10000x128xf32, #tpu.memory_space<hbm>> -> memref<10000x128xf32, #tpu.memory_space<hbm>>
          tpu.enqueue_indirect_dma source(%dma_start3A_223 : memref<10000x128xf32, #tpu.memory_space<hbm>>) target(%arg10 : memref<40x128xf32, #tpu.memory_space<vmem>>) offsets(%dma_start3A_220 : memref<40xi32, #tpu.memory_space<vmem>>) semaphore(%arg15 : memref<!tpu.dma_semaphore, #tpu.memory_space<semaphore_mem>>)
          %add3A_224 = arith.constant 1 : i32
          %add3A_225 = arith.addi %mul3A_123, %add3A_224 : i32
          %dma_wait3A_226 = arith.constant 0 : i32
          %dma_wait3A_227 = tpu.memref_slice %arg9[%add3A_225, %dma_wait3A_226] : memref<50x40xi32, #tpu.memory_space<vmem>> -> memref<1x40xi32, #tpu.memory_space<vmem>>
          %dma_wait3A_228 = tpu.memref_squeeze %dma_wait3A_227 : memref<1x40xi32, #tpu.memory_space<vmem>> -> memref<40xi32, #tpu.memory_space<vmem>>
          %dma_wait3A_229 = arith.constant 0 : i32
          %dma_wait3A_230 = arith.constant 0 : i32
          %dma_wait3A_231 = tpu.memref_slice %arg25[%dma_wait3A_229, %dma_wait3A_230] : memref<10000x128xf32, #tpu.memory_space<vmem_shared>> -> memref<10000x128xf32, #tpu.memory_space<vmem_shared>>
          tpu.wait_indirect_dma semaphore(%arg21 : memref<!tpu.dma_semaphore, #tpu.memory_space<semaphore_mem>>) src(%arg11 : memref<40x128xf32, #tpu.memory_space<vmem>>) dst(%dma_wait3A_231 : memref<10000x128xf32, #tpu.memory_space<vmem_shared>>)
          %add3A_232 = arith.constant 5 : i32
          %add3A_233 = arith.addi %mul3A_123, %add3A_232 : i32
          %add3A_234 = arith.constant 1 : i32
          %add3A_235 = arith.addi %add3A_233, %add3A_234 : i32
          %dma_start3A_236 = arith.constant 0 : i32
          %dma_start3A_237 = tpu.memref_slice %arg8[%add3A_235, %dma_start3A_236] : memref<50x40xi32, #tpu.memory_space<vmem>> -> memref<1x40xi32, #tpu.memory_space<vmem>>
          %dma_start3A_238 = tpu.memref_squeeze %dma_start3A_237 : memref<1x40xi32, #tpu.memory_space<vmem>> -> memref<40xi32, #tpu.memory_space<vmem>>
          %dma_start3A_239 = arith.constant 0 : i32
          %dma_start3A_240 = arith.constant 0 : i32
          %dma_start3A_241 = tpu.memref_slice %arg2[%dma_start3A_239, %dma_start3A_240] : memref<10000x128xf32, #tpu.memory_space<hbm>> -> memref<10000x128xf32, #tpu.memory_space<hbm>>
          tpu.enqueue_indirect_dma source(%dma_start3A_241 : memref<10000x128xf32, #tpu.memory_space<hbm>>) target(%arg11 : memref<40x128xf32, #tpu.memory_space<vmem>>) offsets(%dma_start3A_238 : memref<40xi32, #tpu.memory_space<vmem>>) semaphore(%arg16 : memref<!tpu.dma_semaphore, #tpu.memory_space<semaphore_mem>>)
          %add3A_242 = arith.constant 2 : i32
          %add3A_243 = arith.addi %mul3A_123, %add3A_242 : i32
          %dma_wait3A_244 = arith.constant 0 : i32
          %dma_wait3A_245 = tpu.memref_slice %arg9[%add3A_243, %dma_wait3A_244] : memref<50x40xi32, #tpu.memory_space<vmem>> -> memref<1x40xi32, #tpu.memory_space<vmem>>
          %dma_wait3A_246 = tpu.memref_squeeze %dma_wait3A_245 : memref<1x40xi32, #tpu.memory_space<vmem>> -> memref<40xi32, #tpu.memory_space<vmem>>
          %dma_wait3A_247 = arith.constant 0 : i32
          %dma_wait3A_248 = arith.constant 0 : i32
          %dma_wait3A_249 = tpu.memref_slice %arg25[%dma_wait3A_247, %dma_wait3A_248] : memref<10000x128xf32, #tpu.memory_space<vmem_shared>> -> memref<10000x128xf32, #tpu.memory_space<vmem_shared>>
          tpu.wait_indirect_dma semaphore(%arg22 : memref<!tpu.dma_semaphore, #tpu.memory_space<semaphore_mem>>) src(%arg12 : memref<40x128xf32, #tpu.memory_space<vmem>>) dst(%dma_wait3A_249 : memref<10000x128xf32, #tpu.memory_space<vmem_shared>>)
          %add3A_250 = arith.constant 5 : i32
          %add3A_251 = arith.addi %mul3A_123, %add3A_250 : i32
          %add3A_252 = arith.constant 2 : i32
          %add3A_253 = arith.addi %add3A_251, %add3A_252 : i32
          %dma_start3A_254 = arith.constant 0 : i32
          %dma_start3A_255 = tpu.memref_slice %arg8[%add3A_253, %dma_start3A_254] : memref<50x40xi32, #tpu.memory_space<vmem>> -> memref<1x40xi32, #tpu.memory_space<vmem>>
          %dma_start3A_256 = tpu.memref_squeeze %dma_start3A_255 : memref<1x40xi32, #tpu.memory_space<vmem>> -> memref<40xi32, #tpu.memory_space<vmem>>
          %dma_start3A_257 = arith.constant 0 : i32
          %dma_start3A_258 = arith.constant 0 : i32
          %dma_start3A_259 = tpu.memref_slice %arg2[%dma_start3A_257, %dma_start3A_258] : memref<10000x128xf32, #tpu.memory_space<hbm>> -> memref<10000x128xf32, #tpu.memory_space<hbm>>
          tpu.enqueue_indirect_dma source(%dma_start3A_259 : memref<10000x128xf32, #tpu.memory_space<hbm>>) target(%arg12 : memref<40x128xf32, #tpu.memory_space<vmem>>) offsets(%dma_start3A_256 : memref<40xi32, #tpu.memory_space<vmem>>) semaphore(%arg17 : memref<!tpu.dma_semaphore, #tpu.memory_space<semaphore_mem>>)
          %add3A_260 = arith.constant 3 : i32
          %add3A_261 = arith.addi %mul3A_123, %add3A_260 : i32
          %dma_wait3A_262 = arith.constant 0 : i32
          %dma_wait3A_263 = tpu.memref_slice %arg9[%add3A_261, %dma_wait3A_262] : memref<50x40xi32, #tpu.memory_space<vmem>> -> memref<1x40xi32, #tpu.memory_space<vmem>>
          %dma_wait3A_264 = tpu.memref_squeeze %dma_wait3A_263 : memref<1x40xi32, #tpu.memory_space<vmem>> -> memref<40xi32, #tpu.memory_space<vmem>>
          %dma_wait3A_265 = arith.constant 0 : i32
          %dma_wait3A_266 = arith.constant 0 : i32
          %dma_wait3A_267 = tpu.memref_slice %arg25[%dma_wait3A_265, %dma_wait3A_266] : memref<10000x128xf32, #tpu.memory_space<vmem_shared>> -> memref<10000x128xf32, #tpu.memory_space<vmem_shared>>
          tpu.wait_indirect_dma semaphore(%arg23 : memref<!tpu.dma_semaphore, #tpu.memory_space<semaphore_mem>>) src(%arg13 : memref<40x128xf32, #tpu.memory_space<vmem>>) dst(%dma_wait3A_267 : memref<10000x128xf32, #tpu.memory_space<vmem_shared>>)
          %add3A_268 = arith.constant 5 : i32
          %add3A_269 = arith.addi %mul3A_123, %add3A_268 : i32
          %add3A_270 = arith.constant 3 : i32
          %add3A_271 = arith.addi %add3A_269, %add3A_270 : i32
          %dma_start3A_272 = arith.constant 0 : i32
          %dma_start3A_273 = tpu.memref_slice %arg8[%add3A_271, %dma_start3A_272] : memref<50x40xi32, #tpu.memory_space<vmem>> -> memref<1x40xi32, #tpu.memory_space<vmem>>
          %dma_start3A_274 = tpu.memref_squeeze %dma_start3A_273 : memref<1x40xi32, #tpu.memory_space<vmem>> -> memref<40xi32, #tpu.memory_space<vmem>>
          %dma_start3A_275 = arith.constant 0 : i32
          %dma_start3A_276 = arith.constant 0 : i32
          %dma_start3A_277 = tpu.memref_slice %arg2[%dma_start3A_275, %dma_start3A_276] : memref<10000x128xf32, #tpu.memory_space<hbm>> -> memref<10000x128xf32, #tpu.memory_space<hbm>>
          tpu.enqueue_indirect_dma source(%dma_start3A_277 : memref<10000x128xf32, #tpu.memory_space<hbm>>) target(%arg13 : memref<40x128xf32, #tpu.memory_space<vmem>>) offsets(%dma_start3A_274 : memref<40xi32, #tpu.memory_space<vmem>>) semaphore(%arg18 : memref<!tpu.dma_semaphore, #tpu.memory_space<semaphore_mem>>)
          %add3A_278 = arith.constant 4 : i32
          %add3A_279 = arith.addi %mul3A_123, %add3A_278 : i32
          %dma_wait3A_280 = arith.constant 0 : i32
          %dma_wait3A_281 = tpu.memref_slice %arg9[%add3A_279, %dma_wait3A_280] : memref<50x40xi32, #tpu.memory_space<vmem>> -> memref<1x40xi32, #tpu.memory_space<vmem>>
          %dma_wait3A_282 = tpu.memref_squeeze %dma_wait3A_281 : memref<1x40xi32, #tpu.memory_space<vmem>> -> memref<40xi32, #tpu.memory_space<vmem>>
          %dma_wait3A_283 = arith.constant 0 : i32
          %dma_wait3A_284 = arith.constant 0 : i32
          %dma_wait3A_285 = tpu.memref_slice %arg25[%dma_wait3A_283, %dma_wait3A_284] : memref<10000x128xf32, #tpu.memory_space<vmem_shared>> -> memref<10000x128xf32, #tpu.memory_space<vmem_shared>>
          tpu.wait_indirect_dma semaphore(%arg24 : memref<!tpu.dma_semaphore, #tpu.memory_space<semaphore_mem>>) src(%arg14 : memref<40x128xf32, #tpu.memory_space<vmem>>) dst(%dma_wait3A_285 : memref<10000x128xf32, #tpu.memory_space<vmem_shared>>)
          %add3A_286 = arith.constant 5 : i32
          %add3A_287 = arith.addi %mul3A_123, %add3A_286 : i32
          %add3A_288 = arith.constant 4 : i32
          %add3A_289 = arith.addi %add3A_287, %add3A_288 : i32
          %dma_start3A_290 = arith.constant 0 : i32
          %dma_start3A_291 = tpu.memref_slice %arg8[%add3A_289, %dma_start3A_290] : memref<50x40xi32, #tpu.memory_space<vmem>> -> memref<1x40xi32, #tpu.memory_space<vmem>>
          %dma_start3A_292 = tpu.memref_squeeze %dma_start3A_291 : memref<1x40xi32, #tpu.memory_space<vmem>> -> memref<40xi32, #tpu.memory_space<vmem>>
          %dma_start3A_293 = arith.constant 0 : i32
          %dma_start3A_294 = arith.constant 0 : i32
          %dma_start3A_295 = tpu.memref_slice %arg2[%dma_start3A_293, %dma_start3A_294] : memref<10000x128xf32, #tpu.memory_space<hbm>> -> memref<10000x128xf32, #tpu.memory_space<hbm>>
          tpu.enqueue_indirect_dma source(%dma_start3A_295 : memref<10000x128xf32, #tpu.memory_space<hbm>>) target(%arg14 : memref<40x128xf32, #tpu.memory_space<vmem>>) offsets(%dma_start3A_292 : memref<40xi32, #tpu.memory_space<vmem>>) semaphore(%arg19 : memref<!tpu.dma_semaphore, #tpu.memory_space<semaphore_mem>>)
        } else {
        }
      }
      %scan3A_82 = arith.constant 10 : i32
      %dma_wait3A = arith.constant 45 : i32
      %dma_wait3A_83 = arith.constant 0 : i32
      %dma_wait3A_84 = tpu.memref_slice %arg9[%dma_wait3A, %dma_wait3A_83] : memref<50x40xi32, #tpu.memory_space<vmem>> -> memref<1x40xi32, #tpu.memory_space<vmem>>
      %dma_wait3A_85 = tpu.memref_squeeze %dma_wait3A_84 : memref<1x40xi32, #tpu.memory_space<vmem>> -> memref<40xi32, #tpu.memory_space<vmem>>
      %dma_wait3A_86 = arith.constant 0 : i32
      %dma_wait3A_87 = arith.constant 0 : i32
      %dma_wait3A_88 = tpu.memref_slice %arg25[%dma_wait3A_86, %dma_wait3A_87] : memref<10000x128xf32, #tpu.memory_space<vmem_shared>> -> memref<10000x128xf32, #tpu.memory_space<vmem_shared>>
      tpu.wait_indirect_dma semaphore(%arg20 : memref<!tpu.dma_semaphore, #tpu.memory_space<semaphore_mem>>) src(%arg10 : memref<40x128xf32, #tpu.memory_space<vmem>>) dst(%dma_wait3A_88 : memref<10000x128xf32, #tpu.memory_space<vmem_shared>>)
      %dma_wait3A_89 = arith.constant 46 : i32
      %dma_wait3A_90 = arith.constant 0 : i32
      %dma_wait3A_91 = tpu.memref_slice %arg9[%dma_wait3A_89, %dma_wait3A_90] : memref<50x40xi32, #tpu.memory_space<vmem>> -> memref<1x40xi32, #tpu.memory_space<vmem>>
      %dma_wait3A_92 = tpu.memref_squeeze %dma_wait3A_91 : memref<1x40xi32, #tpu.memory_space<vmem>> -> memref<40xi32, #tpu.memory_space<vmem>>
      %dma_wait3A_93 = arith.constant 0 : i32
      %dma_wait3A_94 = arith.constant 0 : i32
      %dma_wait3A_95 = tpu.memref_slice %arg25[%dma_wait3A_93, %dma_wait3A_94] : memref<10000x128xf32, #tpu.memory_space<vmem_shared>> -> memref<10000x128xf32, #tpu.memory_space<vmem_shared>>
      tpu.wait_indirect_dma semaphore(%arg21 : memref<!tpu.dma_semaphore, #tpu.memory_space<semaphore_mem>>) src(%arg11 : memref<40x128xf32, #tpu.memory_space<vmem>>) dst(%dma_wait3A_95 : memref<10000x128xf32, #tpu.memory_space<vmem_shared>>)
      %dma_wait3A_96 = arith.constant 47 : i32
      %dma_wait3A_97 = arith.constant 0 : i32
      %dma_wait3A_98 = tpu.memref_slice %arg9[%dma_wait3A_96, %dma_wait3A_97] : memref<50x40xi32, #tpu.memory_space<vmem>> -> memref<1x40xi32, #tpu.memory_space<vmem>>
      %dma_wait3A_99 = tpu.memref_squeeze %dma_wait3A_98 : memref<1x40xi32, #tpu.memory_space<vmem>> -> memref<40xi32, #tpu.memory_space<vmem>>
      %dma_wait3A_100 = arith.constant 0 : i32
      %dma_wait3A_101 = arith.constant 0 : i32
      %dma_wait3A_102 = tpu.memref_slice %arg25[%dma_wait3A_100, %dma_wait3A_101] : memref<10000x128xf32, #tpu.memory_space<vmem_shared>> -> memref<10000x128xf32, #tpu.memory_space<vmem_shared>>
      tpu.wait_indirect_dma semaphore(%arg22 : memref<!tpu.dma_semaphore, #tpu.memory_space<semaphore_mem>>) src(%arg12 : memref<40x128xf32, #tpu.memory_space<vmem>>) dst(%dma_wait3A_102 : memref<10000x128xf32, #tpu.memory_space<vmem_shared>>)
      %dma_wait3A_103 = arith.constant 48 : i32
      %dma_wait3A_104 = arith.constant 0 : i32
      %dma_wait3A_105 = tpu.memref_slice %arg9[%dma_wait3A_103, %dma_wait3A_104] : memref<50x40xi32, #tpu.memory_space<vmem>> -> memref<1x40xi32, #tpu.memory_space<vmem>>
      %dma_wait3A_106 = tpu.memref_squeeze %dma_wait3A_105 : memref<1x40xi32, #tpu.memory_space<vmem>> -> memref<40xi32, #tpu.memory_space<vmem>>
      %dma_wait3A_107 = arith.constant 0 : i32
      %dma_wait3A_108 = arith.constant 0 : i32
      %dma_wait3A_109 = tpu.memref_slice %arg25[%dma_wait3A_107, %dma_wait3A_108] : memref<10000x128xf32, #tpu.memory_space<vmem_shared>> -> memref<10000x128xf32, #tpu.memory_space<vmem_shared>>
      tpu.wait_indirect_dma semaphore(%arg23 : memref<!tpu.dma_semaphore, #tpu.memory_space<semaphore_mem>>) src(%arg13 : memref<40x128xf32, #tpu.memory_space<vmem>>) dst(%dma_wait3A_109 : memref<10000x128xf32, #tpu.memory_space<vmem_shared>>)
      %dma_wait3A_110 = arith.constant 49 : i32
      %dma_wait3A_111 = arith.constant 0 : i32
      %dma_wait3A_112 = tpu.memref_slice %arg9[%dma_wait3A_110, %dma_wait3A_111] : memref<50x40xi32, #tpu.memory_space<vmem>> -> memref<1x40xi32, #tpu.memory_space<vmem>>
      %dma_wait3A_113 = tpu.memref_squeeze %dma_wait3A_112 : memref<1x40xi32, #tpu.memory_space<vmem>> -> memref<40xi32, #tpu.memory_space<vmem>>
      %dma_wait3A_114 = arith.constant 0 : i32
      %dma_wait3A_115 = arith.constant 0 : i32
      %dma_wait3A_116 = tpu.memref_slice %arg25[%dma_wait3A_114, %dma_wait3A_115] : memref<10000x128xf32, #tpu.memory_space<vmem_shared>> -> memref<10000x128xf32, #tpu.memory_space<vmem_shared>>
      tpu.wait_indirect_dma semaphore(%arg24 : memref<!tpu.dma_semaphore, #tpu.memory_space<semaphore_mem>>) src(%arg14 : memref<40x128xf32, #tpu.memory_space<vmem>>) dst(%dma_wait3A_116 : memref<10000x128xf32, #tpu.memory_space<vmem_shared>>)
    }
    %scan3A_19 = arith.constant 5 : i32
    %barrier3A_20 = arith.constant 0 : index
    tpu.barrier barrier_id(%barrier3A_20)
    %sub3A_21 = arith.constant 50 : i32
    %sub3A_22 = arith.subi %sub3A_21, %arg1 : i32
    %sub3A_23 = arith.constant 16 : i32
    %sub3A_24 = arith.constant 1 : i32
    %sub3A_25 = arith.subi %sub3A_23, %sub3A_24 : i32
    %add3A_26 = arith.addi %sub3A_22, %sub3A_25 : i32
    %div3A_27 = arith.constant 16 : i32
    %div3A_28 = arith.divsi %add3A_26, %div3A_27 : i32
    %while3A_29 = arith.constant 16 : i32
    %while3A_30 = arith.constant 0 : i32
    %while3A_31 = arith.subi %div3A_28, %while3A_30 : i32
    %while3A_32 = arith.addi %while3A_30, %while3A_31 : i32
    %while3A_33 = arith.constant 1 : i32
    %while3A_34 = arith.divsi %while3A_31, %while3A_33 : i32
    %while3A_35 = arith.muli %while3A_34, %while3A_33 : i32
    %while3A_36 = arith.addi %while3A_30, %while3A_35 : i32
    %while3A_37 = arith.constant 1 : i32
    scf.for %while3A_39 = %while3A_30 to %while3A_36 step %while3A_37  : i32 {
      %mul3A_40 = arith.muli %while3A_39, %while3A_29 : i32
      %add3A_41 = arith.addi %arg1, %mul3A_40 : i32
      %mul3A_42 = arith.constant 200 : i32
      %mul3A_43 = arith.muli %add3A_41, %mul3A_42 : i32
      %eq3A = arith.constant 0 : i32
      %eq3A_44 = arith.cmpi eq, %arg0, %eq3A : i32
      %convert_element_type3A = arith.extui %eq3A_44 : i1 to i32
      %cond3A = arith.constant 0 : i32
      %cond3A_45 = arith.cmpi ne, %convert_element_type3A, %cond3A : i32
      scf.if %cond3A_45 {
        "tpu.region"() ({
          %run_scoped3A = tpu.sem_alloc : memref<!tpu.dma_semaphore, #tpu.memory_space<semaphore_mem>>
          %dma_start3A = arith.constant 0 : i32
          %dma_start3A_50 = tpu.memref_slice %arg6[%mul3A_43, %dma_start3A] : memref<10000x128xf32, #tpu.memory_space<hbm>> -> memref<200x128xf32, #tpu.memory_space<hbm>>
          %dma_start3A_51 = arith.constant 0 : i32
          %dma_start3A_52 = tpu.memref_slice %arg25[%mul3A_43, %dma_start3A_51] : memref<10000x128xf32, #tpu.memory_space<vmem_shared>> -> memref<200x128xf32, #tpu.memory_space<vmem_shared>>
          tpu.enqueue_dma source(%dma_start3A_52 : memref<200x128xf32, #tpu.memory_space<vmem_shared>>) target(%dma_start3A_50 : memref<200x128xf32, #tpu.memory_space<hbm>>) target_semaphore(%run_scoped3A : memref<!tpu.dma_semaphore, #tpu.memory_space<semaphore_mem>>)
          %dma_wait3A = arith.constant 0 : i32
          %dma_wait3A_53 = tpu.memref_slice %arg6[%mul3A_43, %dma_wait3A] : memref<10000x128xf32, #tpu.memory_space<hbm>> -> memref<200x128xf32, #tpu.memory_space<hbm>>
          %dma_wait3A_54 = arith.constant 0 : i32
          %dma_wait3A_55 = tpu.memref_slice %arg25[%mul3A_43, %dma_wait3A_54] : memref<10000x128xf32, #tpu.memory_space<vmem_shared>> -> memref<200x128xf32, #tpu.memory_space<vmem_shared>>
          tpu.wait_dma2 semaphore(%run_scoped3A : memref<!tpu.dma_semaphore, #tpu.memory_space<semaphore_mem>>) src(%dma_wait3A_55 : memref<200x128xf32, #tpu.memory_space<vmem_shared>>) dst(%dma_wait3A_53 : memref<200x128xf32, #tpu.memory_space<hbm>>)
          tpu.yield
        }) : () -> ()
      } else {
      }
      %ne3A = arith.constant 0 : i32
      %ne3A_46 = arith.cmpi ne, %arg0, %ne3A : i32
      %convert_element_type3A_47 = arith.extui %ne3A_46 : i1 to i32
      %cond3A_48 = arith.constant 0 : i32
      %cond3A_49 = arith.cmpi ne, %convert_element_type3A_47, %cond3A_48 : i32
      scf.if %cond3A_49 {
        "tpu.region"() ({
          %run_scoped3A = tpu.sem_alloc : memref<!tpu.dma_semaphore, #tpu.memory_space<semaphore_mem>>
          %dma_start3A = arith.constant 0 : i32
          %dma_start3A_50 = tpu.memref_slice %arg7[%mul3A_43, %dma_start3A] : memref<10000x128xf32, #tpu.memory_space<hbm>> -> memref<200x128xf32, #tpu.memory_space<hbm>>
          %dma_start3A_51 = arith.constant 0 : i32
          %dma_start3A_52 = tpu.memref_slice %arg25[%mul3A_43, %dma_start3A_51] : memref<10000x128xf32, #tpu.memory_space<vmem_shared>> -> memref<200x128xf32, #tpu.memory_space<vmem_shared>>
          tpu.enqueue_dma source(%dma_start3A_52 : memref<200x128xf32, #tpu.memory_space<vmem_shared>>) target(%dma_start3A_50 : memref<200x128xf32, #tpu.memory_space<hbm>>) target_semaphore(%run_scoped3A : memref<!tpu.dma_semaphore, #tpu.memory_space<semaphore_mem>>)
          %dma_wait3A = arith.constant 0 : i32
          %dma_wait3A_53 = tpu.memref_slice %arg7[%mul3A_43, %dma_wait3A] : memref<10000x128xf32, #tpu.memory_space<hbm>> -> memref<200x128xf32, #tpu.memory_space<hbm>>
          %dma_wait3A_54 = arith.constant 0 : i32
          %dma_wait3A_55 = tpu.memref_slice %arg25[%mul3A_43, %dma_wait3A_54] : memref<10000x128xf32, #tpu.memory_space<vmem_shared>> -> memref<200x128xf32, #tpu.memory_space<vmem_shared>>
          tpu.wait_dma2 semaphore(%run_scoped3A : memref<!tpu.dma_semaphore, #tpu.memory_space<semaphore_mem>>) src(%dma_wait3A_55 : memref<200x128xf32, #tpu.memory_space<vmem_shared>>) dst(%dma_wait3A_53 : memref<200x128xf32, #tpu.memory_space<hbm>>)
          tpu.yield
        }) : () -> ()
      } else {
      }
    }
    %while3A_38 = arith.constant 1 : i32
    scf.for %while3A_39 = %while3A_36 to %while3A_32 step %while3A_38  : i32 {
      %mul3A_40 = arith.muli %while3A_39, %while3A_29 : i32
      %add3A_41 = arith.addi %arg1, %mul3A_40 : i32
      %mul3A_42 = arith.constant 200 : i32
      %mul3A_43 = arith.muli %add3A_41, %mul3A_42 : i32
      %eq3A = arith.constant 0 : i32
      %eq3A_44 = arith.cmpi eq, %arg0, %eq3A : i32
      %convert_element_type3A = arith.extui %eq3A_44 : i1 to i32
      %cond3A = arith.constant 0 : i32
      %cond3A_45 = arith.cmpi ne, %convert_element_type3A, %cond3A : i32
      scf.if %cond3A_45 {
        "tpu.region"() ({
          %run_scoped3A = tpu.sem_alloc : memref<!tpu.dma_semaphore, #tpu.memory_space<semaphore_mem>>
          %dma_start3A = arith.constant 0 : i32
          %dma_start3A_50 = tpu.memref_slice %arg6[%mul3A_43, %dma_start3A] : memref<10000x128xf32, #tpu.memory_space<hbm>> -> memref<200x128xf32, #tpu.memory_space<hbm>>
          %dma_start3A_51 = arith.constant 0 : i32
          %dma_start3A_52 = tpu.memref_slice %arg25[%mul3A_43, %dma_start3A_51] : memref<10000x128xf32, #tpu.memory_space<vmem_shared>> -> memref<200x128xf32, #tpu.memory_space<vmem_shared>>
          tpu.enqueue_dma source(%dma_start3A_52 : memref<200x128xf32, #tpu.memory_space<vmem_shared>>) target(%dma_start3A_50 : memref<200x128xf32, #tpu.memory_space<hbm>>) target_semaphore(%run_scoped3A : memref<!tpu.dma_semaphore, #tpu.memory_space<semaphore_mem>>)
          %dma_wait3A = arith.constant 0 : i32
          %dma_wait3A_53 = tpu.memref_slice %arg6[%mul3A_43, %dma_wait3A] : memref<10000x128xf32, #tpu.memory_space<hbm>> -> memref<200x128xf32, #tpu.memory_space<hbm>>
          %dma_wait3A_54 = arith.constant 0 : i32
          %dma_wait3A_55 = tpu.memref_slice %arg25[%mul3A_43, %dma_wait3A_54] : memref<10000x128xf32, #tpu.memory_space<vmem_shared>> -> memref<200x128xf32, #tpu.memory_space<vmem_shared>>
          tpu.wait_dma2 semaphore(%run_scoped3A : memref<!tpu.dma_semaphore, #tpu.memory_space<semaphore_mem>>) src(%dma_wait3A_55 : memref<200x128xf32, #tpu.memory_space<vmem_shared>>) dst(%dma_wait3A_53 : memref<200x128xf32, #tpu.memory_space<hbm>>)
          tpu.yield
        }) : () -> ()
      } else {
      }
      %ne3A = arith.constant 0 : i32
      %ne3A_46 = arith.cmpi ne, %arg0, %ne3A : i32
      %convert_element_type3A_47 = arith.extui %ne3A_46 : i1 to i32
      %cond3A_48 = arith.constant 0 : i32
      %cond3A_49 = arith.cmpi ne, %convert_element_type3A_47, %cond3A_48 : i32
      scf.if %cond3A_49 {
        "tpu.region"() ({
          %run_scoped3A = tpu.sem_alloc : memref<!tpu.dma_semaphore, #tpu.memory_space<semaphore_mem>>
          %dma_start3A = arith.constant 0 : i32
          %dma_start3A_50 = tpu.memref_slice %arg7[%mul3A_43, %dma_start3A] : memref<10000x128xf32, #tpu.memory_space<hbm>> -> memref<200x128xf32, #tpu.memory_space<hbm>>
          %dma_start3A_51 = arith.constant 0 : i32
          %dma_start3A_52 = tpu.memref_slice %arg25[%mul3A_43, %dma_start3A_51] : memref<10000x128xf32, #tpu.memory_space<vmem_shared>> -> memref<200x128xf32, #tpu.memory_space<vmem_shared>>
          tpu.enqueue_dma source(%dma_start3A_52 : memref<200x128xf32, #tpu.memory_space<vmem_shared>>) target(%dma_start3A_50 : memref<200x128xf32, #tpu.memory_space<hbm>>) target_semaphore(%run_scoped3A : memref<!tpu.dma_semaphore, #tpu.memory_space<semaphore_mem>>)
          %dma_wait3A = arith.constant 0 : i32
          %dma_wait3A_53 = tpu.memref_slice %arg7[%mul3A_43, %dma_wait3A] : memref<10000x128xf32, #tpu.memory_space<hbm>> -> memref<200x128xf32, #tpu.memory_space<hbm>>
          %dma_wait3A_54 = arith.constant 0 : i32
          %dma_wait3A_55 = tpu.memref_slice %arg25[%mul3A_43, %dma_wait3A_54] : memref<10000x128xf32, #tpu.memory_space<vmem_shared>> -> memref<200x128xf32, #tpu.memory_space<vmem_shared>>
          tpu.wait_dma2 semaphore(%run_scoped3A : memref<!tpu.dma_semaphore, #tpu.memory_space<semaphore_mem>>) src(%dma_wait3A_55 : memref<200x128xf32, #tpu.memory_space<vmem_shared>>) dst(%dma_wait3A_53 : memref<200x128xf32, #tpu.memory_space<hbm>>)
          tpu.yield
        }) : () -> ()
      } else {
      }
    }
    return
  }
}

#map = affine_map<(d0, d1) -> (0, 0, 0)>
#map1 = affine_map<(d0, d1) -> (0)>
module attributes {stable_mosaic.version = 14 : i64} {
  func.func @deg(%arg0: i32, %arg1: i32, %arg2: memref<32x250x40xi32, #tpu.memory_space<hbm>>, %arg3: memref<10240xf32, #tpu.memory_space<hbm>>, %arg4: memref<10240xf32, #tpu.memory_space<hbm>>, %arg5: memref<10240xf32, #tpu.memory_space<hbm>>, %arg6: memref<10240xf32, #tpu.memory_space<hbm>>, %arg7: memref<250x40xi32, #tpu.memory_space<vmem>>, %arg8: memref<40xf32, #tpu.memory_space<vmem>>, %arg9: memref<!tpu.dma_semaphore, #tpu.memory_space<semaphore_mem>>, %arg10: memref<!tpu.dma_semaphore, #tpu.memory_space<semaphore_mem>>, %arg11: memref<!tpu.dma_semaphore, #tpu.memory_space<semaphore_mem>>, %arg12: memref<!tpu.dma_semaphore, #tpu.memory_space<semaphore_mem>>, %arg13: memref<!tpu.dma_semaphore, #tpu.memory_space<semaphore_mem>>, %arg14: memref<10240xf32, #tpu.memory_space<vmem_shared>>) attributes {dimension_semantics = [#tpu.dimension_semantics<core_parallel>, #tpu.dimension_semantics<subcore_parallel>], iteration_bounds = array<i64: 2, 16>, scalar_prefetch = 0 : i64, scratch_operands = 8 : i64, tpu.core_type = #tpu.core_type<sc_vector_subcore>, window_params = [{transform_indices = #map}, {transform_indices = #map1}, {transform_indices = #map1}, {transform_indices = #map1}, {transform_indices = #map1}]} {
    %mul3A = arith.constant 16 : i32
    %mul3A_0 = arith.muli %arg0, %mul3A : i32
    %add3A = arith.addi %mul3A_0, %arg1 : i32
    %mul3A_1 = arith.constant 640 : i32
    %mul3A_2 = arith.muli %arg1, %mul3A_1 : i32
    %eq3A = arith.constant 0 : i32
    %eq3A_3 = arith.cmpi eq, %arg0, %eq3A : i32
    %convert_element_type3A = arith.extui %eq3A_3 : i1 to i32
    %cond3A = arith.constant 0 : i32
    %cond3A_4 = arith.cmpi ne, %convert_element_type3A, %cond3A : i32
    scf.if %cond3A_4 {
      "tpu.region"() ({
        %run_scoped3A = tpu.sem_alloc : memref<!tpu.dma_semaphore, #tpu.memory_space<semaphore_mem>>
        %dma_start3A_82 = tpu.memref_slice %arg14[%mul3A_2] : memref<10240xf32, #tpu.memory_space<vmem_shared>> -> memref<640xf32, #tpu.memory_space<vmem_shared>>
        %dma_start3A_83 = tpu.memref_slice %arg3[%mul3A_2] : memref<10240xf32, #tpu.memory_space<hbm>> -> memref<640xf32, #tpu.memory_space<hbm>>
        tpu.enqueue_dma source(%dma_start3A_83 : memref<640xf32, #tpu.memory_space<hbm>>) target(%dma_start3A_82 : memref<640xf32, #tpu.memory_space<vmem_shared>>) target_semaphore(%run_scoped3A : memref<!tpu.dma_semaphore, #tpu.memory_space<semaphore_mem>>)
        %dma_wait3A_84 = tpu.memref_slice %arg14[%mul3A_2] : memref<10240xf32, #tpu.memory_space<vmem_shared>> -> memref<640xf32, #tpu.memory_space<vmem_shared>>
        %dma_wait3A_85 = tpu.memref_slice %arg3[%mul3A_2] : memref<10240xf32, #tpu.memory_space<hbm>> -> memref<640xf32, #tpu.memory_space<hbm>>
        tpu.wait_dma2 semaphore(%run_scoped3A : memref<!tpu.dma_semaphore, #tpu.memory_space<semaphore_mem>>) src(%dma_wait3A_85 : memref<640xf32, #tpu.memory_space<hbm>>) dst(%dma_wait3A_84 : memref<640xf32, #tpu.memory_space<vmem_shared>>)
        tpu.yield
      }) : () -> ()
    } else {
    }
    %ne3A = arith.constant 0 : i32
    %ne3A_5 = arith.cmpi ne, %arg0, %ne3A : i32
    %convert_element_type3A_6 = arith.extui %ne3A_5 : i1 to i32
    %cond3A_7 = arith.constant 0 : i32
    %cond3A_8 = arith.cmpi ne, %convert_element_type3A_6, %cond3A_7 : i32
    scf.if %cond3A_8 {
      "tpu.region"() ({
        %run_scoped3A = tpu.sem_alloc : memref<!tpu.dma_semaphore, #tpu.memory_space<semaphore_mem>>
        %dma_start3A_82 = tpu.memref_slice %arg14[%mul3A_2] : memref<10240xf32, #tpu.memory_space<vmem_shared>> -> memref<640xf32, #tpu.memory_space<vmem_shared>>
        %dma_start3A_83 = tpu.memref_slice %arg4[%mul3A_2] : memref<10240xf32, #tpu.memory_space<hbm>> -> memref<640xf32, #tpu.memory_space<hbm>>
        tpu.enqueue_dma source(%dma_start3A_83 : memref<640xf32, #tpu.memory_space<hbm>>) target(%dma_start3A_82 : memref<640xf32, #tpu.memory_space<vmem_shared>>) target_semaphore(%run_scoped3A : memref<!tpu.dma_semaphore, #tpu.memory_space<semaphore_mem>>)
        %dma_wait3A_84 = tpu.memref_slice %arg14[%mul3A_2] : memref<10240xf32, #tpu.memory_space<vmem_shared>> -> memref<640xf32, #tpu.memory_space<vmem_shared>>
        %dma_wait3A_85 = tpu.memref_slice %arg4[%mul3A_2] : memref<10240xf32, #tpu.memory_space<hbm>> -> memref<640xf32, #tpu.memory_space<hbm>>
        tpu.wait_dma2 semaphore(%run_scoped3A : memref<!tpu.dma_semaphore, #tpu.memory_space<semaphore_mem>>) src(%dma_wait3A_85 : memref<640xf32, #tpu.memory_space<hbm>>) dst(%dma_wait3A_84 : memref<640xf32, #tpu.memory_space<vmem_shared>>)
        tpu.yield
      }) : () -> ()
    } else {
    }
    "tpu.region"() ({
      %run_scoped3A = tpu.sem_alloc : memref<!tpu.dma_semaphore, #tpu.memory_space<semaphore_mem>>
      %dma_start3A_82 = arith.constant 0 : i32
      %dma_start3A_83 = tpu.memref_slice %arg3[%dma_start3A_82] : memref<10240xf32, #tpu.memory_space<hbm>> -> memref<40xf32, #tpu.memory_space<hbm>>
      %dma_start3A_84 = arith.constant 0 : i32
      %dma_start3A_85 = tpu.memref_slice %arg3[%dma_start3A_84] : memref<10240xf32, #tpu.memory_space<hbm>> -> memref<40xf32, #tpu.memory_space<hbm>>
      tpu.enqueue_dma source(%dma_start3A_85 : memref<40xf32, #tpu.memory_space<hbm>>) target(%arg8 : memref<40xf32, #tpu.memory_space<vmem>>) target_semaphore(%run_scoped3A : memref<!tpu.dma_semaphore, #tpu.memory_space<semaphore_mem>>)
      %dma_wait3A_86 = arith.constant 0 : i32
      %dma_wait3A_87 = tpu.memref_slice %arg3[%dma_wait3A_86] : memref<10240xf32, #tpu.memory_space<hbm>> -> memref<40xf32, #tpu.memory_space<hbm>>
      %dma_wait3A_88 = arith.constant 0 : i32
      %dma_wait3A_89 = tpu.memref_slice %arg3[%dma_wait3A_88] : memref<10240xf32, #tpu.memory_space<hbm>> -> memref<40xf32, #tpu.memory_space<hbm>>
      tpu.wait_dma2 semaphore(%run_scoped3A : memref<!tpu.dma_semaphore, #tpu.memory_space<semaphore_mem>>) src(%dma_wait3A_89 : memref<40xf32, #tpu.memory_space<hbm>>) dst(%arg8 : memref<40xf32, #tpu.memory_space<vmem>>)
      tpu.yield
    }) : () -> ()
    "tpu.region"() ({
      %run_scoped3A = tpu.sem_alloc : memref<!tpu.dma_semaphore, #tpu.memory_space<semaphore_mem>>
      %dma_start3A_82 = arith.constant 0 : i32
      %dma_start3A_83 = arith.constant 0 : i32
      %dma_start3A_84 = tpu.memref_slice %arg2[%add3A, %dma_start3A_82, %dma_start3A_83] : memref<32x250x40xi32, #tpu.memory_space<hbm>> -> memref<1x250x40xi32, #tpu.memory_space<hbm>>
      %dma_start3A_85 = tpu.memref_squeeze %dma_start3A_84 : memref<1x250x40xi32, #tpu.memory_space<hbm>> -> memref<250x40xi32, #tpu.memory_space<hbm>>
      %dma_start3A_86 = arith.constant 0 : i32
      %dma_start3A_87 = arith.constant 0 : i32
      %dma_start3A_88 = tpu.memref_slice %arg2[%add3A, %dma_start3A_86, %dma_start3A_87] : memref<32x250x40xi32, #tpu.memory_space<hbm>> -> memref<1x250x40xi32, #tpu.memory_space<hbm>>
      %dma_start3A_89 = tpu.memref_squeeze %dma_start3A_88 : memref<1x250x40xi32, #tpu.memory_space<hbm>> -> memref<250x40xi32, #tpu.memory_space<hbm>>
      tpu.enqueue_dma source(%dma_start3A_89 : memref<250x40xi32, #tpu.memory_space<hbm>>) target(%arg7 : memref<250x40xi32, #tpu.memory_space<vmem>>) target_semaphore(%run_scoped3A : memref<!tpu.dma_semaphore, #tpu.memory_space<semaphore_mem>>)
      %dma_wait3A_90 = arith.constant 0 : i32
      %dma_wait3A_91 = arith.constant 0 : i32
      %dma_wait3A_92 = tpu.memref_slice %arg2[%add3A, %dma_wait3A_90, %dma_wait3A_91] : memref<32x250x40xi32, #tpu.memory_space<hbm>> -> memref<1x250x40xi32, #tpu.memory_space<hbm>>
      %dma_wait3A_93 = tpu.memref_squeeze %dma_wait3A_92 : memref<1x250x40xi32, #tpu.memory_space<hbm>> -> memref<250x40xi32, #tpu.memory_space<hbm>>
      %dma_wait3A_94 = arith.constant 0 : i32
      %dma_wait3A_95 = arith.constant 0 : i32
      %dma_wait3A_96 = tpu.memref_slice %arg2[%add3A, %dma_wait3A_94, %dma_wait3A_95] : memref<32x250x40xi32, #tpu.memory_space<hbm>> -> memref<1x250x40xi32, #tpu.memory_space<hbm>>
      %dma_wait3A_97 = tpu.memref_squeeze %dma_wait3A_96 : memref<1x250x40xi32, #tpu.memory_space<hbm>> -> memref<250x40xi32, #tpu.memory_space<hbm>>
      tpu.wait_dma2 semaphore(%run_scoped3A : memref<!tpu.dma_semaphore, #tpu.memory_space<semaphore_mem>>) src(%dma_wait3A_97 : memref<250x40xi32, #tpu.memory_space<hbm>>) dst(%arg7 : memref<250x40xi32, #tpu.memory_space<vmem>>)
      tpu.yield
    }) : () -> ()
    %barrier3A = arith.constant 0 : index
    tpu.barrier barrier_id(%barrier3A)
    %dma_start3A = arith.constant 0 : i32
    %dma_start3A_9 = arith.constant 0 : i32
    %dma_start3A_10 = tpu.memref_slice %arg7[%dma_start3A, %dma_start3A_9] : memref<250x40xi32, #tpu.memory_space<vmem>> -> memref<1x40xi32, #tpu.memory_space<vmem>>
    %dma_start3A_11 = tpu.memref_squeeze %dma_start3A_10 : memref<1x40xi32, #tpu.memory_space<vmem>> -> memref<40xi32, #tpu.memory_space<vmem>>
    %dma_start3A_12 = arith.constant 0 : i32
    %dma_start3A_13 = tpu.memref_slice %arg14[%dma_start3A_12] : memref<10240xf32, #tpu.memory_space<vmem_shared>> -> memref<10240xf32, #tpu.memory_space<vmem_shared>>
    tpu.enqueue_indirect_dma source(%arg8 : memref<40xf32, #tpu.memory_space<vmem>>) target(%dma_start3A_13 : memref<10240xf32, #tpu.memory_space<vmem_shared>>) offsets(%dma_start3A_11 : memref<40xi32, #tpu.memory_space<vmem>>) semaphore(%arg9 : memref<!tpu.dma_semaphore, #tpu.memory_space<semaphore_mem>>) {add = true}
    %dma_start3A_14 = arith.constant 1 : i32
    %dma_start3A_15 = arith.constant 0 : i32
    %dma_start3A_16 = tpu.memref_slice %arg7[%dma_start3A_14, %dma_start3A_15] : memref<250x40xi32, #tpu.memory_space<vmem>> -> memref<1x40xi32, #tpu.memory_space<vmem>>
    %dma_start3A_17 = tpu.memref_squeeze %dma_start3A_16 : memref<1x40xi32, #tpu.memory_space<vmem>> -> memref<40xi32, #tpu.memory_space<vmem>>
    %dma_start3A_18 = arith.constant 0 : i32
    %dma_start3A_19 = tpu.memref_slice %arg14[%dma_start3A_18] : memref<10240xf32, #tpu.memory_space<vmem_shared>> -> memref<10240xf32, #tpu.memory_space<vmem_shared>>
    tpu.enqueue_indirect_dma source(%arg8 : memref<40xf32, #tpu.memory_space<vmem>>) target(%dma_start3A_19 : memref<10240xf32, #tpu.memory_space<vmem_shared>>) offsets(%dma_start3A_17 : memref<40xi32, #tpu.memory_space<vmem>>) semaphore(%arg10 : memref<!tpu.dma_semaphore, #tpu.memory_space<semaphore_mem>>) {add = true}
    %dma_start3A_20 = arith.constant 2 : i32
    %dma_start3A_21 = arith.constant 0 : i32
    %dma_start3A_22 = tpu.memref_slice %arg7[%dma_start3A_20, %dma_start3A_21] : memref<250x40xi32, #tpu.memory_space<vmem>> -> memref<1x40xi32, #tpu.memory_space<vmem>>
    %dma_start3A_23 = tpu.memref_squeeze %dma_start3A_22 : memref<1x40xi32, #tpu.memory_space<vmem>> -> memref<40xi32, #tpu.memory_space<vmem>>
    %dma_start3A_24 = arith.constant 0 : i32
    %dma_start3A_25 = tpu.memref_slice %arg14[%dma_start3A_24] : memref<10240xf32, #tpu.memory_space<vmem_shared>> -> memref<10240xf32, #tpu.memory_space<vmem_shared>>
    tpu.enqueue_indirect_dma source(%arg8 : memref<40xf32, #tpu.memory_space<vmem>>) target(%dma_start3A_25 : memref<10240xf32, #tpu.memory_space<vmem_shared>>) offsets(%dma_start3A_23 : memref<40xi32, #tpu.memory_space<vmem>>) semaphore(%arg11 : memref<!tpu.dma_semaphore, #tpu.memory_space<semaphore_mem>>) {add = true}
    %dma_start3A_26 = arith.constant 3 : i32
    %dma_start3A_27 = arith.constant 0 : i32
    %dma_start3A_28 = tpu.memref_slice %arg7[%dma_start3A_26, %dma_start3A_27] : memref<250x40xi32, #tpu.memory_space<vmem>> -> memref<1x40xi32, #tpu.memory_space<vmem>>
    %dma_start3A_29 = tpu.memref_squeeze %dma_start3A_28 : memref<1x40xi32, #tpu.memory_space<vmem>> -> memref<40xi32, #tpu.memory_space<vmem>>
    %dma_start3A_30 = arith.constant 0 : i32
    %dma_start3A_31 = tpu.memref_slice %arg14[%dma_start3A_30] : memref<10240xf32, #tpu.memory_space<vmem_shared>> -> memref<10240xf32, #tpu.memory_space<vmem_shared>>
    tpu.enqueue_indirect_dma source(%arg8 : memref<40xf32, #tpu.memory_space<vmem>>) target(%dma_start3A_31 : memref<10240xf32, #tpu.memory_space<vmem_shared>>) offsets(%dma_start3A_29 : memref<40xi32, #tpu.memory_space<vmem>>) semaphore(%arg12 : memref<!tpu.dma_semaphore, #tpu.memory_space<semaphore_mem>>) {add = true}
    %dma_start3A_32 = arith.constant 4 : i32
    %dma_start3A_33 = arith.constant 0 : i32
    %dma_start3A_34 = tpu.memref_slice %arg7[%dma_start3A_32, %dma_start3A_33] : memref<250x40xi32, #tpu.memory_space<vmem>> -> memref<1x40xi32, #tpu.memory_space<vmem>>
    %dma_start3A_35 = tpu.memref_squeeze %dma_start3A_34 : memref<1x40xi32, #tpu.memory_space<vmem>> -> memref<40xi32, #tpu.memory_space<vmem>>
    %dma_start3A_36 = arith.constant 0 : i32
    %dma_start3A_37 = tpu.memref_slice %arg14[%dma_start3A_36] : memref<10240xf32, #tpu.memory_space<vmem_shared>> -> memref<10240xf32, #tpu.memory_space<vmem_shared>>
    tpu.enqueue_indirect_dma source(%arg8 : memref<40xf32, #tpu.memory_space<vmem>>) target(%dma_start3A_37 : memref<10240xf32, #tpu.memory_space<vmem_shared>>) offsets(%dma_start3A_35 : memref<40xi32, #tpu.memory_space<vmem>>) semaphore(%arg13 : memref<!tpu.dma_semaphore, #tpu.memory_space<semaphore_mem>>) {add = true}
    %scan3A = arith.constant 0 : i32
    %scan3A_38 = arith.constant 49 : i32
    %scan3A_39 = arith.addi %scan3A, %scan3A_38 : i32
    %scan3A_40 = arith.constant 1 : i32
    scf.for %scan3A_82 = %scan3A to %scan3A_39 step %scan3A_40  : i32 {
      %mul3A_83 = arith.constant 1 : i32
      %mul3A_84 = arith.muli %scan3A_82, %mul3A_83 : i32
      %add3A_85 = arith.constant 0 : i32
      %add3A_86 = arith.addi %add3A_85, %mul3A_84 : i32
      %mul3A_87 = arith.constant 5 : i32
      %mul3A_88 = arith.muli %add3A_86, %mul3A_87 : i32
      %add3A_89 = arith.constant 0 : i32
      %add3A_90 = arith.addi %mul3A_88, %add3A_89 : i32
      %dma_wait3A_91 = arith.constant 0 : i32
      %dma_wait3A_92 = tpu.memref_slice %arg7[%add3A_90, %dma_wait3A_91] : memref<250x40xi32, #tpu.memory_space<vmem>> -> memref<1x40xi32, #tpu.memory_space<vmem>>
      %dma_wait3A_93 = tpu.memref_squeeze %dma_wait3A_92 : memref<1x40xi32, #tpu.memory_space<vmem>> -> memref<40xi32, #tpu.memory_space<vmem>>
      %dma_wait3A_94 = arith.constant 0 : i32
      %dma_wait3A_95 = tpu.memref_slice %arg14[%dma_wait3A_94] : memref<10240xf32, #tpu.memory_space<vmem_shared>> -> memref<10240xf32, #tpu.memory_space<vmem_shared>>
      tpu.wait_indirect_dma semaphore(%arg9 : memref<!tpu.dma_semaphore, #tpu.memory_space<semaphore_mem>>) src(%arg8 : memref<40xf32, #tpu.memory_space<vmem>>) dst(%dma_wait3A_95 : memref<10240xf32, #tpu.memory_space<vmem_shared>>)
      %add3A_96 = arith.constant 5 : i32
      %add3A_97 = arith.addi %mul3A_88, %add3A_96 : i32
      %add3A_98 = arith.constant 0 : i32
      %add3A_99 = arith.addi %add3A_97, %add3A_98 : i32
      %dma_start3A_100 = arith.constant 0 : i32
      %dma_start3A_101 = tpu.memref_slice %arg7[%add3A_99, %dma_start3A_100] : memref<250x40xi32, #tpu.memory_space<vmem>> -> memref<1x40xi32, #tpu.memory_space<vmem>>
      %dma_start3A_102 = tpu.memref_squeeze %dma_start3A_101 : memref<1x40xi32, #tpu.memory_space<vmem>> -> memref<40xi32, #tpu.memory_space<vmem>>
      %dma_start3A_103 = arith.constant 0 : i32
      %dma_start3A_104 = tpu.memref_slice %arg14[%dma_start3A_103] : memref<10240xf32, #tpu.memory_space<vmem_shared>> -> memref<10240xf32, #tpu.memory_space<vmem_shared>>
      tpu.enqueue_indirect_dma source(%arg8 : memref<40xf32, #tpu.memory_space<vmem>>) target(%dma_start3A_104 : memref<10240xf32, #tpu.memory_space<vmem_shared>>) offsets(%dma_start3A_102 : memref<40xi32, #tpu.memory_space<vmem>>) semaphore(%arg9 : memref<!tpu.dma_semaphore, #tpu.memory_space<semaphore_mem>>) {add = true}
      %add3A_105 = arith.constant 1 : i32
      %add3A_106 = arith.addi %mul3A_88, %add3A_105 : i32
      %dma_wait3A_107 = arith.constant 0 : i32
      %dma_wait3A_108 = tpu.memref_slice %arg7[%add3A_106, %dma_wait3A_107] : memref<250x40xi32, #tpu.memory_space<vmem>> -> memref<1x40xi32, #tpu.memory_space<vmem>>
      %dma_wait3A_109 = tpu.memref_squeeze %dma_wait3A_108 : memref<1x40xi32, #tpu.memory_space<vmem>> -> memref<40xi32, #tpu.memory_space<vmem>>
      %dma_wait3A_110 = arith.constant 0 : i32
      %dma_wait3A_111 = tpu.memref_slice %arg14[%dma_wait3A_110] : memref<10240xf32, #tpu.memory_space<vmem_shared>> -> memref<10240xf32, #tpu.memory_space<vmem_shared>>
      tpu.wait_indirect_dma semaphore(%arg10 : memref<!tpu.dma_semaphore, #tpu.memory_space<semaphore_mem>>) src(%arg8 : memref<40xf32, #tpu.memory_space<vmem>>) dst(%dma_wait3A_111 : memref<10240xf32, #tpu.memory_space<vmem_shared>>)
      %add3A_112 = arith.constant 5 : i32
      %add3A_113 = arith.addi %mul3A_88, %add3A_112 : i32
      %add3A_114 = arith.constant 1 : i32
      %add3A_115 = arith.addi %add3A_113, %add3A_114 : i32
      %dma_start3A_116 = arith.constant 0 : i32
      %dma_start3A_117 = tpu.memref_slice %arg7[%add3A_115, %dma_start3A_116] : memref<250x40xi32, #tpu.memory_space<vmem>> -> memref<1x40xi32, #tpu.memory_space<vmem>>
      %dma_start3A_118 = tpu.memref_squeeze %dma_start3A_117 : memref<1x40xi32, #tpu.memory_space<vmem>> -> memref<40xi32, #tpu.memory_space<vmem>>
      %dma_start3A_119 = arith.constant 0 : i32
      %dma_start3A_120 = tpu.memref_slice %arg14[%dma_start3A_119] : memref<10240xf32, #tpu.memory_space<vmem_shared>> -> memref<10240xf32, #tpu.memory_space<vmem_shared>>
      tpu.enqueue_indirect_dma source(%arg8 : memref<40xf32, #tpu.memory_space<vmem>>) target(%dma_start3A_120 : memref<10240xf32, #tpu.memory_space<vmem_shared>>) offsets(%dma_start3A_118 : memref<40xi32, #tpu.memory_space<vmem>>) semaphore(%arg10 : memref<!tpu.dma_semaphore, #tpu.memory_space<semaphore_mem>>) {add = true}
      %add3A_121 = arith.constant 2 : i32
      %add3A_122 = arith.addi %mul3A_88, %add3A_121 : i32
      %dma_wait3A_123 = arith.constant 0 : i32
      %dma_wait3A_124 = tpu.memref_slice %arg7[%add3A_122, %dma_wait3A_123] : memref<250x40xi32, #tpu.memory_space<vmem>> -> memref<1x40xi32, #tpu.memory_space<vmem>>
      %dma_wait3A_125 = tpu.memref_squeeze %dma_wait3A_124 : memref<1x40xi32, #tpu.memory_space<vmem>> -> memref<40xi32, #tpu.memory_space<vmem>>
      %dma_wait3A_126 = arith.constant 0 : i32
      %dma_wait3A_127 = tpu.memref_slice %arg14[%dma_wait3A_126] : memref<10240xf32, #tpu.memory_space<vmem_shared>> -> memref<10240xf32, #tpu.memory_space<vmem_shared>>
      tpu.wait_indirect_dma semaphore(%arg11 : memref<!tpu.dma_semaphore, #tpu.memory_space<semaphore_mem>>) src(%arg8 : memref<40xf32, #tpu.memory_space<vmem>>) dst(%dma_wait3A_127 : memref<10240xf32, #tpu.memory_space<vmem_shared>>)
      %add3A_128 = arith.constant 5 : i32
      %add3A_129 = arith.addi %mul3A_88, %add3A_128 : i32
      %add3A_130 = arith.constant 2 : i32
      %add3A_131 = arith.addi %add3A_129, %add3A_130 : i32
      %dma_start3A_132 = arith.constant 0 : i32
      %dma_start3A_133 = tpu.memref_slice %arg7[%add3A_131, %dma_start3A_132] : memref<250x40xi32, #tpu.memory_space<vmem>> -> memref<1x40xi32, #tpu.memory_space<vmem>>
      %dma_start3A_134 = tpu.memref_squeeze %dma_start3A_133 : memref<1x40xi32, #tpu.memory_space<vmem>> -> memref<40xi32, #tpu.memory_space<vmem>>
      %dma_start3A_135 = arith.constant 0 : i32
      %dma_start3A_136 = tpu.memref_slice %arg14[%dma_start3A_135] : memref<10240xf32, #tpu.memory_space<vmem_shared>> -> memref<10240xf32, #tpu.memory_space<vmem_shared>>
      tpu.enqueue_indirect_dma source(%arg8 : memref<40xf32, #tpu.memory_space<vmem>>) target(%dma_start3A_136 : memref<10240xf32, #tpu.memory_space<vmem_shared>>) offsets(%dma_start3A_134 : memref<40xi32, #tpu.memory_space<vmem>>) semaphore(%arg11 : memref<!tpu.dma_semaphore, #tpu.memory_space<semaphore_mem>>) {add = true}
      %add3A_137 = arith.constant 3 : i32
      %add3A_138 = arith.addi %mul3A_88, %add3A_137 : i32
      %dma_wait3A_139 = arith.constant 0 : i32
      %dma_wait3A_140 = tpu.memref_slice %arg7[%add3A_138, %dma_wait3A_139] : memref<250x40xi32, #tpu.memory_space<vmem>> -> memref<1x40xi32, #tpu.memory_space<vmem>>
      %dma_wait3A_141 = tpu.memref_squeeze %dma_wait3A_140 : memref<1x40xi32, #tpu.memory_space<vmem>> -> memref<40xi32, #tpu.memory_space<vmem>>
      %dma_wait3A_142 = arith.constant 0 : i32
      %dma_wait3A_143 = tpu.memref_slice %arg14[%dma_wait3A_142] : memref<10240xf32, #tpu.memory_space<vmem_shared>> -> memref<10240xf32, #tpu.memory_space<vmem_shared>>
      tpu.wait_indirect_dma semaphore(%arg12 : memref<!tpu.dma_semaphore, #tpu.memory_space<semaphore_mem>>) src(%arg8 : memref<40xf32, #tpu.memory_space<vmem>>) dst(%dma_wait3A_143 : memref<10240xf32, #tpu.memory_space<vmem_shared>>)
      %add3A_144 = arith.constant 5 : i32
      %add3A_145 = arith.addi %mul3A_88, %add3A_144 : i32
      %add3A_146 = arith.constant 3 : i32
      %add3A_147 = arith.addi %add3A_145, %add3A_146 : i32
      %dma_start3A_148 = arith.constant 0 : i32
      %dma_start3A_149 = tpu.memref_slice %arg7[%add3A_147, %dma_start3A_148] : memref<250x40xi32, #tpu.memory_space<vmem>> -> memref<1x40xi32, #tpu.memory_space<vmem>>
      %dma_start3A_150 = tpu.memref_squeeze %dma_start3A_149 : memref<1x40xi32, #tpu.memory_space<vmem>> -> memref<40xi32, #tpu.memory_space<vmem>>
      %dma_start3A_151 = arith.constant 0 : i32
      %dma_start3A_152 = tpu.memref_slice %arg14[%dma_start3A_151] : memref<10240xf32, #tpu.memory_space<vmem_shared>> -> memref<10240xf32, #tpu.memory_space<vmem_shared>>
      tpu.enqueue_indirect_dma source(%arg8 : memref<40xf32, #tpu.memory_space<vmem>>) target(%dma_start3A_152 : memref<10240xf32, #tpu.memory_space<vmem_shared>>) offsets(%dma_start3A_150 : memref<40xi32, #tpu.memory_space<vmem>>) semaphore(%arg12 : memref<!tpu.dma_semaphore, #tpu.memory_space<semaphore_mem>>) {add = true}
      %add3A_153 = arith.constant 4 : i32
      %add3A_154 = arith.addi %mul3A_88, %add3A_153 : i32
      %dma_wait3A_155 = arith.constant 0 : i32
      %dma_wait3A_156 = tpu.memref_slice %arg7[%add3A_154, %dma_wait3A_155] : memref<250x40xi32, #tpu.memory_space<vmem>> -> memref<1x40xi32, #tpu.memory_space<vmem>>
      %dma_wait3A_157 = tpu.memref_squeeze %dma_wait3A_156 : memref<1x40xi32, #tpu.memory_space<vmem>> -> memref<40xi32, #tpu.memory_space<vmem>>
      %dma_wait3A_158 = arith.constant 0 : i32
      %dma_wait3A_159 = tpu.memref_slice %arg14[%dma_wait3A_158] : memref<10240xf32, #tpu.memory_space<vmem_shared>> -> memref<10240xf32, #tpu.memory_space<vmem_shared>>
      tpu.wait_indirect_dma semaphore(%arg13 : memref<!tpu.dma_semaphore, #tpu.memory_space<semaphore_mem>>) src(%arg8 : memref<40xf32, #tpu.memory_space<vmem>>) dst(%dma_wait3A_159 : memref<10240xf32, #tpu.memory_space<vmem_shared>>)
      %add3A_160 = arith.constant 5 : i32
      %add3A_161 = arith.addi %mul3A_88, %add3A_160 : i32
      %add3A_162 = arith.constant 4 : i32
      %add3A_163 = arith.addi %add3A_161, %add3A_162 : i32
      %dma_start3A_164 = arith.constant 0 : i32
      %dma_start3A_165 = tpu.memref_slice %arg7[%add3A_163, %dma_start3A_164] : memref<250x40xi32, #tpu.memory_space<vmem>> -> memref<1x40xi32, #tpu.memory_space<vmem>>
      %dma_start3A_166 = tpu.memref_squeeze %dma_start3A_165 : memref<1x40xi32, #tpu.memory_space<vmem>> -> memref<40xi32, #tpu.memory_space<vmem>>
      %dma_start3A_167 = arith.constant 0 : i32
      %dma_start3A_168 = tpu.memref_slice %arg14[%dma_start3A_167] : memref<10240xf32, #tpu.memory_space<vmem_shared>> -> memref<10240xf32, #tpu.memory_space<vmem_shared>>
      tpu.enqueue_indirect_dma source(%arg8 : memref<40xf32, #tpu.memory_space<vmem>>) target(%dma_start3A_168 : memref<10240xf32, #tpu.memory_space<vmem_shared>>) offsets(%dma_start3A_166 : memref<40xi32, #tpu.memory_space<vmem>>) semaphore(%arg13 : memref<!tpu.dma_semaphore, #tpu.memory_space<semaphore_mem>>) {add = true}
    }
    %scan3A_41 = arith.constant 49 : i32
    %dma_wait3A = arith.constant 245 : i32
    %dma_wait3A_42 = arith.constant 0 : i32
    %dma_wait3A_43 = tpu.memref_slice %arg7[%dma_wait3A, %dma_wait3A_42] : memref<250x40xi32, #tpu.memory_space<vmem>> -> memref<1x40xi32, #tpu.memory_space<vmem>>
    %dma_wait3A_44 = tpu.memref_squeeze %dma_wait3A_43 : memref<1x40xi32, #tpu.memory_space<vmem>> -> memref<40xi32, #tpu.memory_space<vmem>>
    %dma_wait3A_45 = arith.constant 0 : i32
    %dma_wait3A_46 = tpu.memref_slice %arg14[%dma_wait3A_45] : memref<10240xf32, #tpu.memory_space<vmem_shared>> -> memref<10240xf32, #tpu.memory_space<vmem_shared>>
    tpu.wait_indirect_dma semaphore(%arg9 : memref<!tpu.dma_semaphore, #tpu.memory_space<semaphore_mem>>) src(%arg8 : memref<40xf32, #tpu.memory_space<vmem>>) dst(%dma_wait3A_46 : memref<10240xf32, #tpu.memory_space<vmem_shared>>)
    %dma_wait3A_47 = arith.constant 246 : i32
    %dma_wait3A_48 = arith.constant 0 : i32
    %dma_wait3A_49 = tpu.memref_slice %arg7[%dma_wait3A_47, %dma_wait3A_48] : memref<250x40xi32, #tpu.memory_space<vmem>> -> memref<1x40xi32, #tpu.memory_space<vmem>>
    %dma_wait3A_50 = tpu.memref_squeeze %dma_wait3A_49 : memref<1x40xi32, #tpu.memory_space<vmem>> -> memref<40xi32, #tpu.memory_space<vmem>>
    %dma_wait3A_51 = arith.constant 0 : i32
    %dma_wait3A_52 = tpu.memref_slice %arg14[%dma_wait3A_51] : memref<10240xf32, #tpu.memory_space<vmem_shared>> -> memref<10240xf32, #tpu.memory_space<vmem_shared>>
    tpu.wait_indirect_dma semaphore(%arg10 : memref<!tpu.dma_semaphore, #tpu.memory_space<semaphore_mem>>) src(%arg8 : memref<40xf32, #tpu.memory_space<vmem>>) dst(%dma_wait3A_52 : memref<10240xf32, #tpu.memory_space<vmem_shared>>)
    %dma_wait3A_53 = arith.constant 247 : i32
    %dma_wait3A_54 = arith.constant 0 : i32
    %dma_wait3A_55 = tpu.memref_slice %arg7[%dma_wait3A_53, %dma_wait3A_54] : memref<250x40xi32, #tpu.memory_space<vmem>> -> memref<1x40xi32, #tpu.memory_space<vmem>>
    %dma_wait3A_56 = tpu.memref_squeeze %dma_wait3A_55 : memref<1x40xi32, #tpu.memory_space<vmem>> -> memref<40xi32, #tpu.memory_space<vmem>>
    %dma_wait3A_57 = arith.constant 0 : i32
    %dma_wait3A_58 = tpu.memref_slice %arg14[%dma_wait3A_57] : memref<10240xf32, #tpu.memory_space<vmem_shared>> -> memref<10240xf32, #tpu.memory_space<vmem_shared>>
    tpu.wait_indirect_dma semaphore(%arg11 : memref<!tpu.dma_semaphore, #tpu.memory_space<semaphore_mem>>) src(%arg8 : memref<40xf32, #tpu.memory_space<vmem>>) dst(%dma_wait3A_58 : memref<10240xf32, #tpu.memory_space<vmem_shared>>)
    %dma_wait3A_59 = arith.constant 248 : i32
    %dma_wait3A_60 = arith.constant 0 : i32
    %dma_wait3A_61 = tpu.memref_slice %arg7[%dma_wait3A_59, %dma_wait3A_60] : memref<250x40xi32, #tpu.memory_space<vmem>> -> memref<1x40xi32, #tpu.memory_space<vmem>>
    %dma_wait3A_62 = tpu.memref_squeeze %dma_wait3A_61 : memref<1x40xi32, #tpu.memory_space<vmem>> -> memref<40xi32, #tpu.memory_space<vmem>>
    %dma_wait3A_63 = arith.constant 0 : i32
    %dma_wait3A_64 = tpu.memref_slice %arg14[%dma_wait3A_63] : memref<10240xf32, #tpu.memory_space<vmem_shared>> -> memref<10240xf32, #tpu.memory_space<vmem_shared>>
    tpu.wait_indirect_dma semaphore(%arg12 : memref<!tpu.dma_semaphore, #tpu.memory_space<semaphore_mem>>) src(%arg8 : memref<40xf32, #tpu.memory_space<vmem>>) dst(%dma_wait3A_64 : memref<10240xf32, #tpu.memory_space<vmem_shared>>)
    %dma_wait3A_65 = arith.constant 249 : i32
    %dma_wait3A_66 = arith.constant 0 : i32
    %dma_wait3A_67 = tpu.memref_slice %arg7[%dma_wait3A_65, %dma_wait3A_66] : memref<250x40xi32, #tpu.memory_space<vmem>> -> memref<1x40xi32, #tpu.memory_space<vmem>>
    %dma_wait3A_68 = tpu.memref_squeeze %dma_wait3A_67 : memref<1x40xi32, #tpu.memory_space<vmem>> -> memref<40xi32, #tpu.memory_space<vmem>>
    %dma_wait3A_69 = arith.constant 0 : i32
    %dma_wait3A_70 = tpu.memref_slice %arg14[%dma_wait3A_69] : memref<10240xf32, #tpu.memory_space<vmem_shared>> -> memref<10240xf32, #tpu.memory_space<vmem_shared>>
    tpu.wait_indirect_dma semaphore(%arg13 : memref<!tpu.dma_semaphore, #tpu.memory_space<semaphore_mem>>) src(%arg8 : memref<40xf32, #tpu.memory_space<vmem>>) dst(%dma_wait3A_70 : memref<10240xf32, #tpu.memory_space<vmem_shared>>)
    %barrier3A_71 = arith.constant 0 : index
    tpu.barrier barrier_id(%barrier3A_71)
    %eq3A_72 = arith.constant 0 : i32
    %eq3A_73 = arith.cmpi eq, %arg0, %eq3A_72 : i32
    %convert_element_type3A_74 = arith.extui %eq3A_73 : i1 to i32
    %cond3A_75 = arith.constant 0 : i32
    %cond3A_76 = arith.cmpi ne, %convert_element_type3A_74, %cond3A_75 : i32
    scf.if %cond3A_76 {
      "tpu.region"() ({
        %run_scoped3A = tpu.sem_alloc : memref<!tpu.dma_semaphore, #tpu.memory_space<semaphore_mem>>
        %dma_start3A_82 = tpu.memref_slice %arg5[%mul3A_2] : memref<10240xf32, #tpu.memory_space<hbm>> -> memref<640xf32, #tpu.memory_space<hbm>>
        %dma_start3A_83 = tpu.memref_slice %arg14[%mul3A_2] : memref<10240xf32, #tpu.memory_space<vmem_shared>> -> memref<640xf32, #tpu.memory_space<vmem_shared>>
        tpu.enqueue_dma source(%dma_start3A_83 : memref<640xf32, #tpu.memory_space<vmem_shared>>) target(%dma_start3A_82 : memref<640xf32, #tpu.memory_space<hbm>>) target_semaphore(%run_scoped3A : memref<!tpu.dma_semaphore, #tpu.memory_space<semaphore_mem>>)
        %dma_wait3A_84 = tpu.memref_slice %arg5[%mul3A_2] : memref<10240xf32, #tpu.memory_space<hbm>> -> memref<640xf32, #tpu.memory_space<hbm>>
        %dma_wait3A_85 = tpu.memref_slice %arg14[%mul3A_2] : memref<10240xf32, #tpu.memory_space<vmem_shared>> -> memref<640xf32, #tpu.memory_space<vmem_shared>>
        tpu.wait_dma2 semaphore(%run_scoped3A : memref<!tpu.dma_semaphore, #tpu.memory_space<semaphore_mem>>) src(%dma_wait3A_85 : memref<640xf32, #tpu.memory_space<vmem_shared>>) dst(%dma_wait3A_84 : memref<640xf32, #tpu.memory_space<hbm>>)
        tpu.yield
      }) : () -> ()
    } else {
    }
    %ne3A_77 = arith.constant 0 : i32
    %ne3A_78 = arith.cmpi ne, %arg0, %ne3A_77 : i32
    %convert_element_type3A_79 = arith.extui %ne3A_78 : i1 to i32
    %cond3A_80 = arith.constant 0 : i32
    %cond3A_81 = arith.cmpi ne, %convert_element_type3A_79, %cond3A_80 : i32
    scf.if %cond3A_81 {
      "tpu.region"() ({
        %run_scoped3A = tpu.sem_alloc : memref<!tpu.dma_semaphore, #tpu.memory_space<semaphore_mem>>
        %dma_start3A_82 = tpu.memref_slice %arg6[%mul3A_2] : memref<10240xf32, #tpu.memory_space<hbm>> -> memref<640xf32, #tpu.memory_space<hbm>>
        %dma_start3A_83 = tpu.memref_slice %arg14[%mul3A_2] : memref<10240xf32, #tpu.memory_space<vmem_shared>> -> memref<640xf32, #tpu.memory_space<vmem_shared>>
        tpu.enqueue_dma source(%dma_start3A_83 : memref<640xf32, #tpu.memory_space<vmem_shared>>) target(%dma_start3A_82 : memref<640xf32, #tpu.memory_space<hbm>>) target_semaphore(%run_scoped3A : memref<!tpu.dma_semaphore, #tpu.memory_space<semaphore_mem>>)
        %dma_wait3A_84 = tpu.memref_slice %arg6[%mul3A_2] : memref<10240xf32, #tpu.memory_space<hbm>> -> memref<640xf32, #tpu.memory_space<hbm>>
        %dma_wait3A_85 = tpu.memref_slice %arg14[%mul3A_2] : memref<10240xf32, #tpu.memory_space<vmem_shared>> -> memref<640xf32, #tpu.memory_space<vmem_shared>>
        tpu.wait_dma2 semaphore(%run_scoped3A : memref<!tpu.dma_semaphore, #tpu.memory_space<semaphore_mem>>) src(%dma_wait3A_85 : memref<640xf32, #tpu.memory_space<vmem_shared>>) dst(%dma_wait3A_84 : memref<640xf32, #tpu.memory_space<hbm>>)
        tpu.yield
      }) : () -> ()
    } else {
    }
    return
  }
}

#map = affine_map<(d0, d1) -> (0, 0)>
#map1 = affine_map<(d0, d1) -> (0, 0, 0, 0)>
module attributes {stable_mosaic.version = 14 : i64} {
  func.func @agg(%arg0: i32, %arg1: i32, %arg2: memref<10000x128xf32, #tpu.memory_space<hbm>>, %arg3: memref<32x5x50x40xi32, #tpu.memory_space<hbm>>, %arg4: memref<32x5x50x40xi32, #tpu.memory_space<hbm>>, %arg5: memref<10000x128xf32, #tpu.memory_space<hbm>>, %arg6: memref<10000x128xf32, #tpu.memory_space<hbm>>, %arg7: memref<10000x128xf32, #tpu.memory_space<hbm>>, %arg8: memref<50x40xi32, #tpu.memory_space<vmem>>, %arg9: memref<50x40xi32, #tpu.memory_space<vmem>>, %arg10: memref<40x128xf32, #tpu.memory_space<vmem>>, %arg11: memref<40x128xf32, #tpu.memory_space<vmem>>, %arg12: memref<40x128xf32, #tpu.memory_space<vmem>>, %arg13: memref<40x128xf32, #tpu.memory_space<vmem>>, %arg14: memref<40x128xf32, #tpu.memory_space<vmem>>, %arg15: memref<!tpu.dma_semaphore, #tpu.memory_space<semaphore_mem>>, %arg16: memref<!tpu.dma_semaphore, #tpu.memory_space<semaphore_mem>>, %arg17: memref<!tpu.dma_semaphore, #tpu.memory_space<semaphore_mem>>, %arg18: memref<!tpu.dma_semaphore, #tpu.memory_space<semaphore_mem>>, %arg19: memref<!tpu.dma_semaphore, #tpu.memory_space<semaphore_mem>>, %arg20: memref<!tpu.dma_semaphore, #tpu.memory_space<semaphore_mem>>, %arg21: memref<!tpu.dma_semaphore, #tpu.memory_space<semaphore_mem>>, %arg22: memref<!tpu.dma_semaphore, #tpu.memory_space<semaphore_mem>>, %arg23: memref<!tpu.dma_semaphore, #tpu.memory_space<semaphore_mem>>, %arg24: memref<!tpu.dma_semaphore, #tpu.memory_space<semaphore_mem>>, %arg25: memref<10000x128xf32, #tpu.memory_space<vmem_shared>>) attributes {dimension_semantics = [#tpu.dimension_semantics<core_parallel>, #tpu.dimension_semantics<subcore_parallel>], iteration_bounds = array<i64: 2, 16>, scalar_prefetch = 0 : i64, scratch_operands = 18 : i64, tpu.core_type = #tpu.core_type<sc_vector_subcore>, window_params = [{transform_indices = #map}, {transform_indices = #map1}, {transform_indices = #map1}, {transform_indices = #map}, {transform_indices = #map}, {transform_indices = #map}]} {
    %mul3A = arith.constant 16 : i32
    %mul3A_0 = arith.muli %arg0, %mul3A : i32
    %add3A = arith.addi %mul3A_0, %arg1 : i32
    %sub3A = arith.constant 50 : i32
    %sub3A_1 = arith.subi %sub3A, %arg1 : i32
    %sub3A_2 = arith.constant 16 : i32
    %sub3A_3 = arith.constant 1 : i32
    %sub3A_4 = arith.subi %sub3A_2, %sub3A_3 : i32
    %add3A_5 = arith.addi %sub3A_1, %sub3A_4 : i32
    %div3A = arith.constant 16 : i32
    %div3A_6 = arith.divsi %add3A_5, %div3A : i32
    %while3A = arith.constant 16 : i32
    %while3A_7 = arith.constant 0 : i32
    %while3A_8 = arith.subi %div3A_6, %while3A_7 : i32
    %while3A_9 = arith.addi %while3A_7, %while3A_8 : i32
    %while3A_10 = arith.constant 1 : i32
    %while3A_11 = arith.divsi %while3A_8, %while3A_10 : i32
    %while3A_12 = arith.muli %while3A_11, %while3A_10 : i32
    %while3A_13 = arith.addi %while3A_7, %while3A_12 : i32
    %while3A_14 = arith.constant 1 : i32
    scf.for %while3A_39 = %while3A_7 to %while3A_13 step %while3A_14  : i32 {
      %mul3A_40 = arith.muli %while3A_39, %while3A : i32
      %add3A_41 = arith.addi %arg1, %mul3A_40 : i32
      %mul3A_42 = arith.constant 200 : i32
      %mul3A_43 = arith.muli %add3A_41, %mul3A_42 : i32
      %eq3A = arith.constant 0 : i32
      %eq3A_44 = arith.cmpi eq, %arg0, %eq3A : i32
      %convert_element_type3A = arith.extui %eq3A_44 : i1 to i32
      %cond3A = arith.constant 0 : i32
      %cond3A_45 = arith.cmpi ne, %convert_element_type3A, %cond3A : i32
      scf.if %cond3A_45 {
        "tpu.region"() ({
          %run_scoped3A = tpu.sem_alloc : memref<!tpu.dma_semaphore, #tpu.memory_space<semaphore_mem>>
          %dma_start3A = arith.constant 0 : i32
          %dma_start3A_50 = tpu.memref_slice %arg25[%mul3A_43, %dma_start3A] : memref<10000x128xf32, #tpu.memory_space<vmem_shared>> -> memref<200x128xf32, #tpu.memory_space<vmem_shared>>
          %dma_start3A_51 = arith.constant 0 : i32
          %dma_start3A_52 = tpu.memref_slice %arg2[%mul3A_43, %dma_start3A_51] : memref<10000x128xf32, #tpu.memory_space<hbm>> -> memref<200x128xf32, #tpu.memory_space<hbm>>
          tpu.enqueue_dma source(%dma_start3A_52 : memref<200x128xf32, #tpu.memory_space<hbm>>) target(%dma_start3A_50 : memref<200x128xf32, #tpu.memory_space<vmem_shared>>) target_semaphore(%run_scoped3A : memref<!tpu.dma_semaphore, #tpu.memory_space<semaphore_mem>>)
          %dma_wait3A = arith.constant 0 : i32
          %dma_wait3A_53 = tpu.memref_slice %arg25[%mul3A_43, %dma_wait3A] : memref<10000x128xf32, #tpu.memory_space<vmem_shared>> -> memref<200x128xf32, #tpu.memory_space<vmem_shared>>
          %dma_wait3A_54 = arith.constant 0 : i32
          %dma_wait3A_55 = tpu.memref_slice %arg2[%mul3A_43, %dma_wait3A_54] : memref<10000x128xf32, #tpu.memory_space<hbm>> -> memref<200x128xf32, #tpu.memory_space<hbm>>
          tpu.wait_dma2 semaphore(%run_scoped3A : memref<!tpu.dma_semaphore, #tpu.memory_space<semaphore_mem>>) src(%dma_wait3A_55 : memref<200x128xf32, #tpu.memory_space<hbm>>) dst(%dma_wait3A_53 : memref<200x128xf32, #tpu.memory_space<vmem_shared>>)
          tpu.yield
        }) : () -> ()
      } else {
      }
      %ne3A = arith.constant 0 : i32
      %ne3A_46 = arith.cmpi ne, %arg0, %ne3A : i32
      %convert_element_type3A_47 = arith.extui %ne3A_46 : i1 to i32
      %cond3A_48 = arith.constant 0 : i32
      %cond3A_49 = arith.cmpi ne, %convert_element_type3A_47, %cond3A_48 : i32
      scf.if %cond3A_49 {
        "tpu.region"() ({
          %run_scoped3A = tpu.sem_alloc : memref<!tpu.dma_semaphore, #tpu.memory_space<semaphore_mem>>
          %dma_start3A = arith.constant 0 : i32
          %dma_start3A_50 = tpu.memref_slice %arg25[%mul3A_43, %dma_start3A] : memref<10000x128xf32, #tpu.memory_space<vmem_shared>> -> memref<200x128xf32, #tpu.memory_space<vmem_shared>>
          %dma_start3A_51 = arith.constant 0 : i32
          %dma_start3A_52 = tpu.memref_slice %arg5[%mul3A_43, %dma_start3A_51] : memref<10000x128xf32, #tpu.memory_space<hbm>> -> memref<200x128xf32, #tpu.memory_space<hbm>>
          tpu.enqueue_dma source(%dma_start3A_52 : memref<200x128xf32, #tpu.memory_space<hbm>>) target(%dma_start3A_50 : memref<200x128xf32, #tpu.memory_space<vmem_shared>>) target_semaphore(%run_scoped3A : memref<!tpu.dma_semaphore, #tpu.memory_space<semaphore_mem>>)
          %dma_wait3A = arith.constant 0 : i32
          %dma_wait3A_53 = tpu.memref_slice %arg25[%mul3A_43, %dma_wait3A] : memref<10000x128xf32, #tpu.memory_space<vmem_shared>> -> memref<200x128xf32, #tpu.memory_space<vmem_shared>>
          %dma_wait3A_54 = arith.constant 0 : i32
          %dma_wait3A_55 = tpu.memref_slice %arg5[%mul3A_43, %dma_wait3A_54] : memref<10000x128xf32, #tpu.memory_space<hbm>> -> memref<200x128xf32, #tpu.memory_space<hbm>>
          tpu.wait_dma2 semaphore(%run_scoped3A : memref<!tpu.dma_semaphore, #tpu.memory_space<semaphore_mem>>) src(%dma_wait3A_55 : memref<200x128xf32, #tpu.memory_space<hbm>>) dst(%dma_wait3A_53 : memref<200x128xf32, #tpu.memory_space<vmem_shared>>)
          tpu.yield
        }) : () -> ()
      } else {
      }
    }
    %while3A_15 = arith.constant 1 : i32
    scf.for %while3A_39 = %while3A_13 to %while3A_9 step %while3A_15  : i32 {
      %mul3A_40 = arith.muli %while3A_39, %while3A : i32
      %add3A_41 = arith.addi %arg1, %mul3A_40 : i32
      %mul3A_42 = arith.constant 200 : i32
      %mul3A_43 = arith.muli %add3A_41, %mul3A_42 : i32
      %eq3A = arith.constant 0 : i32
      %eq3A_44 = arith.cmpi eq, %arg0, %eq3A : i32
      %convert_element_type3A = arith.extui %eq3A_44 : i1 to i32
      %cond3A = arith.constant 0 : i32
      %cond3A_45 = arith.cmpi ne, %convert_element_type3A, %cond3A : i32
      scf.if %cond3A_45 {
        "tpu.region"() ({
          %run_scoped3A = tpu.sem_alloc : memref<!tpu.dma_semaphore, #tpu.memory_space<semaphore_mem>>
          %dma_start3A = arith.constant 0 : i32
          %dma_start3A_50 = tpu.memref_slice %arg25[%mul3A_43, %dma_start3A] : memref<10000x128xf32, #tpu.memory_space<vmem_shared>> -> memref<200x128xf32, #tpu.memory_space<vmem_shared>>
          %dma_start3A_51 = arith.constant 0 : i32
          %dma_start3A_52 = tpu.memref_slice %arg2[%mul3A_43, %dma_start3A_51] : memref<10000x128xf32, #tpu.memory_space<hbm>> -> memref<200x128xf32, #tpu.memory_space<hbm>>
          tpu.enqueue_dma source(%dma_start3A_52 : memref<200x128xf32, #tpu.memory_space<hbm>>) target(%dma_start3A_50 : memref<200x128xf32, #tpu.memory_space<vmem_shared>>) target_semaphore(%run_scoped3A : memref<!tpu.dma_semaphore, #tpu.memory_space<semaphore_mem>>)
          %dma_wait3A = arith.constant 0 : i32
          %dma_wait3A_53 = tpu.memref_slice %arg25[%mul3A_43, %dma_wait3A] : memref<10000x128xf32, #tpu.memory_space<vmem_shared>> -> memref<200x128xf32, #tpu.memory_space<vmem_shared>>
          %dma_wait3A_54 = arith.constant 0 : i32
          %dma_wait3A_55 = tpu.memref_slice %arg2[%mul3A_43, %dma_wait3A_54] : memref<10000x128xf32, #tpu.memory_space<hbm>> -> memref<200x128xf32, #tpu.memory_space<hbm>>
          tpu.wait_dma2 semaphore(%run_scoped3A : memref<!tpu.dma_semaphore, #tpu.memory_space<semaphore_mem>>) src(%dma_wait3A_55 : memref<200x128xf32, #tpu.memory_space<hbm>>) dst(%dma_wait3A_53 : memref<200x128xf32, #tpu.memory_space<vmem_shared>>)
          tpu.yield
        }) : () -> ()
      } else {
      }
      %ne3A = arith.constant 0 : i32
      %ne3A_46 = arith.cmpi ne, %arg0, %ne3A : i32
      %convert_element_type3A_47 = arith.extui %ne3A_46 : i1 to i32
      %cond3A_48 = arith.constant 0 : i32
      %cond3A_49 = arith.cmpi ne, %convert_element_type3A_47, %cond3A_48 : i32
      scf.if %cond3A_49 {
        "tpu.region"() ({
          %run_scoped3A = tpu.sem_alloc : memref<!tpu.dma_semaphore, #tpu.memory_space<semaphore_mem>>
          %dma_start3A = arith.constant 0 : i32
          %dma_start3A_50 = tpu.memref_slice %arg25[%mul3A_43, %dma_start3A] : memref<10000x128xf32, #tpu.memory_space<vmem_shared>> -> memref<200x128xf32, #tpu.memory_space<vmem_shared>>
          %dma_start3A_51 = arith.constant 0 : i32
          %dma_start3A_52 = tpu.memref_slice %arg5[%mul3A_43, %dma_start3A_51] : memref<10000x128xf32, #tpu.memory_space<hbm>> -> memref<200x128xf32, #tpu.memory_space<hbm>>
          tpu.enqueue_dma source(%dma_start3A_52 : memref<200x128xf32, #tpu.memory_space<hbm>>) target(%dma_start3A_50 : memref<200x128xf32, #tpu.memory_space<vmem_shared>>) target_semaphore(%run_scoped3A : memref<!tpu.dma_semaphore, #tpu.memory_space<semaphore_mem>>)
          %dma_wait3A = arith.constant 0 : i32
          %dma_wait3A_53 = tpu.memref_slice %arg25[%mul3A_43, %dma_wait3A] : memref<10000x128xf32, #tpu.memory_space<vmem_shared>> -> memref<200x128xf32, #tpu.memory_space<vmem_shared>>
          %dma_wait3A_54 = arith.constant 0 : i32
          %dma_wait3A_55 = tpu.memref_slice %arg5[%mul3A_43, %dma_wait3A_54] : memref<10000x128xf32, #tpu.memory_space<hbm>> -> memref<200x128xf32, #tpu.memory_space<hbm>>
          tpu.wait_dma2 semaphore(%run_scoped3A : memref<!tpu.dma_semaphore, #tpu.memory_space<semaphore_mem>>) src(%dma_wait3A_55 : memref<200x128xf32, #tpu.memory_space<hbm>>) dst(%dma_wait3A_53 : memref<200x128xf32, #tpu.memory_space<vmem_shared>>)
          tpu.yield
        }) : () -> ()
      } else {
      }
    }
    %barrier3A = arith.constant 0 : index
    tpu.barrier barrier_id(%barrier3A)
    %scan3A = arith.constant 0 : i32
    %scan3A_16 = arith.constant 5 : i32
    %scan3A_17 = arith.addi %scan3A, %scan3A_16 : i32
    %scan3A_18 = arith.constant 1 : i32
    scf.for %scan3A_39 = %scan3A to %scan3A_17 step %scan3A_18  : i32 {
      %mul3A_40 = arith.constant 1 : i32
      %mul3A_41 = arith.muli %scan3A_39, %mul3A_40 : i32
      %add3A_42 = arith.constant 0 : i32
      %add3A_43 = arith.addi %add3A_42, %mul3A_41 : i32
      "tpu.region"() ({
        %run_scoped3A = tpu.sem_alloc : memref<!tpu.dma_semaphore, #tpu.memory_space<semaphore_mem>>
        %dma_start3A_117 = arith.constant 0 : i32
        %dma_start3A_118 = arith.constant 0 : i32
        %dma_start3A_119 = tpu.memref_slice %arg3[%add3A, %add3A_43, %dma_start3A_117, %dma_start3A_118] : memref<32x5x50x40xi32, #tpu.memory_space<hbm>> -> memref<1x1x50x40xi32, #tpu.memory_space<hbm>>
        %dma_start3A_120 = tpu.memref_squeeze %dma_start3A_119 : memref<1x1x50x40xi32, #tpu.memory_space<hbm>> -> memref<50x40xi32, #tpu.memory_space<hbm>>
        %dma_start3A_121 = arith.constant 0 : i32
        %dma_start3A_122 = arith.constant 0 : i32
        %dma_start3A_123 = tpu.memref_slice %arg3[%add3A, %add3A_43, %dma_start3A_121, %dma_start3A_122] : memref<32x5x50x40xi32, #tpu.memory_space<hbm>> -> memref<1x1x50x40xi32, #tpu.memory_space<hbm>>
        %dma_start3A_124 = tpu.memref_squeeze %dma_start3A_123 : memref<1x1x50x40xi32, #tpu.memory_space<hbm>> -> memref<50x40xi32, #tpu.memory_space<hbm>>
        tpu.enqueue_dma source(%dma_start3A_124 : memref<50x40xi32, #tpu.memory_space<hbm>>) target(%arg8 : memref<50x40xi32, #tpu.memory_space<vmem>>) target_semaphore(%run_scoped3A : memref<!tpu.dma_semaphore, #tpu.memory_space<semaphore_mem>>)
        %dma_wait3A_125 = arith.constant 0 : i32
        %dma_wait3A_126 = arith.constant 0 : i32
        %dma_wait3A_127 = tpu.memref_slice %arg3[%add3A, %add3A_43, %dma_wait3A_125, %dma_wait3A_126] : memref<32x5x50x40xi32, #tpu.memory_space<hbm>> -> memref<1x1x50x40xi32, #tpu.memory_space<hbm>>
        %dma_wait3A_128 = tpu.memref_squeeze %dma_wait3A_127 : memref<1x1x50x40xi32, #tpu.memory_space<hbm>> -> memref<50x40xi32, #tpu.memory_space<hbm>>
        %dma_wait3A_129 = arith.constant 0 : i32
        %dma_wait3A_130 = arith.constant 0 : i32
        %dma_wait3A_131 = tpu.memref_slice %arg3[%add3A, %add3A_43, %dma_wait3A_129, %dma_wait3A_130] : memref<32x5x50x40xi32, #tpu.memory_space<hbm>> -> memref<1x1x50x40xi32, #tpu.memory_space<hbm>>
        %dma_wait3A_132 = tpu.memref_squeeze %dma_wait3A_131 : memref<1x1x50x40xi32, #tpu.memory_space<hbm>> -> memref<50x40xi32, #tpu.memory_space<hbm>>
        tpu.wait_dma2 semaphore(%run_scoped3A : memref<!tpu.dma_semaphore, #tpu.memory_space<semaphore_mem>>) src(%dma_wait3A_132 : memref<50x40xi32, #tpu.memory_space<hbm>>) dst(%arg8 : memref<50x40xi32, #tpu.memory_space<vmem>>)
        tpu.yield
      }) : () -> ()
      "tpu.region"() ({
        %run_scoped3A = tpu.sem_alloc : memref<!tpu.dma_semaphore, #tpu.memory_space<semaphore_mem>>
        %dma_start3A_117 = arith.constant 0 : i32
        %dma_start3A_118 = arith.constant 0 : i32
        %dma_start3A_119 = tpu.memref_slice %arg4[%add3A, %add3A_43, %dma_start3A_117, %dma_start3A_118] : memref<32x5x50x40xi32, #tpu.memory_space<hbm>> -> memref<1x1x50x40xi32, #tpu.memory_space<hbm>>
        %dma_start3A_120 = tpu.memref_squeeze %dma_start3A_119 : memref<1x1x50x40xi32, #tpu.memory_space<hbm>> -> memref<50x40xi32, #tpu.memory_space<hbm>>
        %dma_start3A_121 = arith.constant 0 : i32
        %dma_start3A_122 = arith.constant 0 : i32
        %dma_start3A_123 = tpu.memref_slice %arg4[%add3A, %add3A_43, %dma_start3A_121, %dma_start3A_122] : memref<32x5x50x40xi32, #tpu.memory_space<hbm>> -> memref<1x1x50x40xi32, #tpu.memory_space<hbm>>
        %dma_start3A_124 = tpu.memref_squeeze %dma_start3A_123 : memref<1x1x50x40xi32, #tpu.memory_space<hbm>> -> memref<50x40xi32, #tpu.memory_space<hbm>>
        tpu.enqueue_dma source(%dma_start3A_124 : memref<50x40xi32, #tpu.memory_space<hbm>>) target(%arg9 : memref<50x40xi32, #tpu.memory_space<vmem>>) target_semaphore(%run_scoped3A : memref<!tpu.dma_semaphore, #tpu.memory_space<semaphore_mem>>)
        %dma_wait3A_125 = arith.constant 0 : i32
        %dma_wait3A_126 = arith.constant 0 : i32
        %dma_wait3A_127 = tpu.memref_slice %arg4[%add3A, %add3A_43, %dma_wait3A_125, %dma_wait3A_126] : memref<32x5x50x40xi32, #tpu.memory_space<hbm>> -> memref<1x1x50x40xi32, #tpu.memory_space<hbm>>
        %dma_wait3A_128 = tpu.memref_squeeze %dma_wait3A_127 : memref<1x1x50x40xi32, #tpu.memory_space<hbm>> -> memref<50x40xi32, #tpu.memory_space<hbm>>
        %dma_wait3A_129 = arith.constant 0 : i32
        %dma_wait3A_130 = arith.constant 0 : i32
        %dma_wait3A_131 = tpu.memref_slice %arg4[%add3A, %add3A_43, %dma_wait3A_129, %dma_wait3A_130] : memref<32x5x50x40xi32, #tpu.memory_space<hbm>> -> memref<1x1x50x40xi32, #tpu.memory_space<hbm>>
        %dma_wait3A_132 = tpu.memref_squeeze %dma_wait3A_131 : memref<1x1x50x40xi32, #tpu.memory_space<hbm>> -> memref<50x40xi32, #tpu.memory_space<hbm>>
        tpu.wait_dma2 semaphore(%run_scoped3A : memref<!tpu.dma_semaphore, #tpu.memory_space<semaphore_mem>>) src(%dma_wait3A_132 : memref<50x40xi32, #tpu.memory_space<hbm>>) dst(%arg9 : memref<50x40xi32, #tpu.memory_space<vmem>>)
        tpu.yield
      }) : () -> ()
      %dma_start3A = arith.constant 0 : i32
      %dma_start3A_44 = arith.constant 0 : i32
      %dma_start3A_45 = tpu.memref_slice %arg8[%dma_start3A, %dma_start3A_44] : memref<50x40xi32, #tpu.memory_space<vmem>> -> memref<1x40xi32, #tpu.memory_space<vmem>>
      %dma_start3A_46 = tpu.memref_squeeze %dma_start3A_45 : memref<1x40xi32, #tpu.memory_space<vmem>> -> memref<40xi32, #tpu.memory_space<vmem>>
      %dma_start3A_47 = arith.constant 0 : i32
      %dma_start3A_48 = arith.constant 0 : i32
      %dma_start3A_49 = tpu.memref_slice %arg2[%dma_start3A_47, %dma_start3A_48] : memref<10000x128xf32, #tpu.memory_space<hbm>> -> memref<10000x128xf32, #tpu.memory_space<hbm>>
      tpu.enqueue_indirect_dma source(%dma_start3A_49 : memref<10000x128xf32, #tpu.memory_space<hbm>>) target(%arg10 : memref<40x128xf32, #tpu.memory_space<vmem>>) offsets(%dma_start3A_46 : memref<40xi32, #tpu.memory_space<vmem>>) semaphore(%arg15 : memref<!tpu.dma_semaphore, #tpu.memory_space<semaphore_mem>>)
      %dma_start3A_50 = arith.constant 1 : i32
      %dma_start3A_51 = arith.constant 0 : i32
      %dma_start3A_52 = tpu.memref_slice %arg8[%dma_start3A_50, %dma_start3A_51] : memref<50x40xi32, #tpu.memory_space<vmem>> -> memref<1x40xi32, #tpu.memory_space<vmem>>
      %dma_start3A_53 = tpu.memref_squeeze %dma_start3A_52 : memref<1x40xi32, #tpu.memory_space<vmem>> -> memref<40xi32, #tpu.memory_space<vmem>>
      %dma_start3A_54 = arith.constant 0 : i32
      %dma_start3A_55 = arith.constant 0 : i32
      %dma_start3A_56 = tpu.memref_slice %arg2[%dma_start3A_54, %dma_start3A_55] : memref<10000x128xf32, #tpu.memory_space<hbm>> -> memref<10000x128xf32, #tpu.memory_space<hbm>>
      tpu.enqueue_indirect_dma source(%dma_start3A_56 : memref<10000x128xf32, #tpu.memory_space<hbm>>) target(%arg11 : memref<40x128xf32, #tpu.memory_space<vmem>>) offsets(%dma_start3A_53 : memref<40xi32, #tpu.memory_space<vmem>>) semaphore(%arg16 : memref<!tpu.dma_semaphore, #tpu.memory_space<semaphore_mem>>)
      %dma_start3A_57 = arith.constant 2 : i32
      %dma_start3A_58 = arith.constant 0 : i32
      %dma_start3A_59 = tpu.memref_slice %arg8[%dma_start3A_57, %dma_start3A_58] : memref<50x40xi32, #tpu.memory_space<vmem>> -> memref<1x40xi32, #tpu.memory_space<vmem>>
      %dma_start3A_60 = tpu.memref_squeeze %dma_start3A_59 : memref<1x40xi32, #tpu.memory_space<vmem>> -> memref<40xi32, #tpu.memory_space<vmem>>
      %dma_start3A_61 = arith.constant 0 : i32
      %dma_start3A_62 = arith.constant 0 : i32
      %dma_start3A_63 = tpu.memref_slice %arg2[%dma_start3A_61, %dma_start3A_62] : memref<10000x128xf32, #tpu.memory_space<hbm>> -> memref<10000x128xf32, #tpu.memory_space<hbm>>
      tpu.enqueue_indirect_dma source(%dma_start3A_63 : memref<10000x128xf32, #tpu.memory_space<hbm>>) target(%arg12 : memref<40x128xf32, #tpu.memory_space<vmem>>) offsets(%dma_start3A_60 : memref<40xi32, #tpu.memory_space<vmem>>) semaphore(%arg17 : memref<!tpu.dma_semaphore, #tpu.memory_space<semaphore_mem>>)
      %dma_start3A_64 = arith.constant 3 : i32
      %dma_start3A_65 = arith.constant 0 : i32
      %dma_start3A_66 = tpu.memref_slice %arg8[%dma_start3A_64, %dma_start3A_65] : memref<50x40xi32, #tpu.memory_space<vmem>> -> memref<1x40xi32, #tpu.memory_space<vmem>>
      %dma_start3A_67 = tpu.memref_squeeze %dma_start3A_66 : memref<1x40xi32, #tpu.memory_space<vmem>> -> memref<40xi32, #tpu.memory_space<vmem>>
      %dma_start3A_68 = arith.constant 0 : i32
      %dma_start3A_69 = arith.constant 0 : i32
      %dma_start3A_70 = tpu.memref_slice %arg2[%dma_start3A_68, %dma_start3A_69] : memref<10000x128xf32, #tpu.memory_space<hbm>> -> memref<10000x128xf32, #tpu.memory_space<hbm>>
      tpu.enqueue_indirect_dma source(%dma_start3A_70 : memref<10000x128xf32, #tpu.memory_space<hbm>>) target(%arg13 : memref<40x128xf32, #tpu.memory_space<vmem>>) offsets(%dma_start3A_67 : memref<40xi32, #tpu.memory_space<vmem>>) semaphore(%arg18 : memref<!tpu.dma_semaphore, #tpu.memory_space<semaphore_mem>>)
      %dma_start3A_71 = arith.constant 4 : i32
      %dma_start3A_72 = arith.constant 0 : i32
      %dma_start3A_73 = tpu.memref_slice %arg8[%dma_start3A_71, %dma_start3A_72] : memref<50x40xi32, #tpu.memory_space<vmem>> -> memref<1x40xi32, #tpu.memory_space<vmem>>
      %dma_start3A_74 = tpu.memref_squeeze %dma_start3A_73 : memref<1x40xi32, #tpu.memory_space<vmem>> -> memref<40xi32, #tpu.memory_space<vmem>>
      %dma_start3A_75 = arith.constant 0 : i32
      %dma_start3A_76 = arith.constant 0 : i32
      %dma_start3A_77 = tpu.memref_slice %arg2[%dma_start3A_75, %dma_start3A_76] : memref<10000x128xf32, #tpu.memory_space<hbm>> -> memref<10000x128xf32, #tpu.memory_space<hbm>>
      tpu.enqueue_indirect_dma source(%dma_start3A_77 : memref<10000x128xf32, #tpu.memory_space<hbm>>) target(%arg14 : memref<40x128xf32, #tpu.memory_space<vmem>>) offsets(%dma_start3A_74 : memref<40xi32, #tpu.memory_space<vmem>>) semaphore(%arg19 : memref<!tpu.dma_semaphore, #tpu.memory_space<semaphore_mem>>)
      %scan3A_78 = arith.constant 0 : i32
      %scan3A_79 = arith.constant 10 : i32
      %scan3A_80 = arith.addi %scan3A_78, %scan3A_79 : i32
      %scan3A_81 = arith.constant 1 : i32
      scf.for %scan3A_117 = %scan3A_78 to %scan3A_80 step %scan3A_81  : i32 {
        %mul3A_118 = arith.constant 1 : i32
        %mul3A_119 = arith.muli %scan3A_117, %mul3A_118 : i32
        %add3A_120 = arith.constant 0 : i32
        %add3A_121 = arith.addi %add3A_120, %mul3A_119 : i32
        %mul3A_122 = arith.constant 5 : i32
        %mul3A_123 = arith.muli %add3A_121, %mul3A_122 : i32
        %add3A_124 = arith.constant 0 : i32
        %add3A_125 = arith.addi %mul3A_123, %add3A_124 : i32
        %dma_wait3A_126 = arith.constant 0 : i32
        %dma_wait3A_127 = tpu.memref_slice %arg8[%add3A_125, %dma_wait3A_126] : memref<50x40xi32, #tpu.memory_space<vmem>> -> memref<1x40xi32, #tpu.memory_space<vmem>>
        %dma_wait3A_128 = tpu.memref_squeeze %dma_wait3A_127 : memref<1x40xi32, #tpu.memory_space<vmem>> -> memref<40xi32, #tpu.memory_space<vmem>>
        %dma_wait3A_129 = arith.constant 0 : i32
        %dma_wait3A_130 = arith.constant 0 : i32
        %dma_wait3A_131 = tpu.memref_slice %arg2[%dma_wait3A_129, %dma_wait3A_130] : memref<10000x128xf32, #tpu.memory_space<hbm>> -> memref<10000x128xf32, #tpu.memory_space<hbm>>
        tpu.wait_indirect_dma semaphore(%arg15 : memref<!tpu.dma_semaphore, #tpu.memory_space<semaphore_mem>>) src(%dma_wait3A_131 : memref<10000x128xf32, #tpu.memory_space<hbm>>) dst(%arg10 : memref<40x128xf32, #tpu.memory_space<vmem>>)
        %add3A_132 = arith.constant 0 : i32
        %add3A_133 = arith.addi %mul3A_123, %add3A_132 : i32
        %dma_start3A_134 = arith.constant 0 : i32
        %dma_start3A_135 = tpu.memref_slice %arg9[%add3A_133, %dma_start3A_134] : memref<50x40xi32, #tpu.memory_space<vmem>> -> memref<1x40xi32, #tpu.memory_space<vmem>>
        %dma_start3A_136 = tpu.memref_squeeze %dma_start3A_135 : memref<1x40xi32, #tpu.memory_space<vmem>> -> memref<40xi32, #tpu.memory_space<vmem>>
        %dma_start3A_137 = arith.constant 0 : i32
        %dma_start3A_138 = arith.constant 0 : i32
        %dma_start3A_139 = tpu.memref_slice %arg25[%dma_start3A_137, %dma_start3A_138] : memref<10000x128xf32, #tpu.memory_space<vmem_shared>> -> memref<10000x128xf32, #tpu.memory_space<vmem_shared>>
        tpu.enqueue_indirect_dma source(%arg10 : memref<40x128xf32, #tpu.memory_space<vmem>>) target(%dma_start3A_139 : memref<10000x128xf32, #tpu.memory_space<vmem_shared>>) offsets(%dma_start3A_136 : memref<40xi32, #tpu.memory_space<vmem>>) semaphore(%arg20 : memref<!tpu.dma_semaphore, #tpu.memory_space<semaphore_mem>>) {add = true}
        %add3A_140 = arith.constant 1 : i32
        %add3A_141 = arith.addi %mul3A_123, %add3A_140 : i32
        %dma_wait3A_142 = arith.constant 0 : i32
        %dma_wait3A_143 = tpu.memref_slice %arg8[%add3A_141, %dma_wait3A_142] : memref<50x40xi32, #tpu.memory_space<vmem>> -> memref<1x40xi32, #tpu.memory_space<vmem>>
        %dma_wait3A_144 = tpu.memref_squeeze %dma_wait3A_143 : memref<1x40xi32, #tpu.memory_space<vmem>> -> memref<40xi32, #tpu.memory_space<vmem>>
        %dma_wait3A_145 = arith.constant 0 : i32
        %dma_wait3A_146 = arith.constant 0 : i32
        %dma_wait3A_147 = tpu.memref_slice %arg2[%dma_wait3A_145, %dma_wait3A_146] : memref<10000x128xf32, #tpu.memory_space<hbm>> -> memref<10000x128xf32, #tpu.memory_space<hbm>>
        tpu.wait_indirect_dma semaphore(%arg16 : memref<!tpu.dma_semaphore, #tpu.memory_space<semaphore_mem>>) src(%dma_wait3A_147 : memref<10000x128xf32, #tpu.memory_space<hbm>>) dst(%arg11 : memref<40x128xf32, #tpu.memory_space<vmem>>)
        %add3A_148 = arith.constant 1 : i32
        %add3A_149 = arith.addi %mul3A_123, %add3A_148 : i32
        %dma_start3A_150 = arith.constant 0 : i32
        %dma_start3A_151 = tpu.memref_slice %arg9[%add3A_149, %dma_start3A_150] : memref<50x40xi32, #tpu.memory_space<vmem>> -> memref<1x40xi32, #tpu.memory_space<vmem>>
        %dma_start3A_152 = tpu.memref_squeeze %dma_start3A_151 : memref<1x40xi32, #tpu.memory_space<vmem>> -> memref<40xi32, #tpu.memory_space<vmem>>
        %dma_start3A_153 = arith.constant 0 : i32
        %dma_start3A_154 = arith.constant 0 : i32
        %dma_start3A_155 = tpu.memref_slice %arg25[%dma_start3A_153, %dma_start3A_154] : memref<10000x128xf32, #tpu.memory_space<vmem_shared>> -> memref<10000x128xf32, #tpu.memory_space<vmem_shared>>
        tpu.enqueue_indirect_dma source(%arg11 : memref<40x128xf32, #tpu.memory_space<vmem>>) target(%dma_start3A_155 : memref<10000x128xf32, #tpu.memory_space<vmem_shared>>) offsets(%dma_start3A_152 : memref<40xi32, #tpu.memory_space<vmem>>) semaphore(%arg21 : memref<!tpu.dma_semaphore, #tpu.memory_space<semaphore_mem>>) {add = true}
        %add3A_156 = arith.constant 2 : i32
        %add3A_157 = arith.addi %mul3A_123, %add3A_156 : i32
        %dma_wait3A_158 = arith.constant 0 : i32
        %dma_wait3A_159 = tpu.memref_slice %arg8[%add3A_157, %dma_wait3A_158] : memref<50x40xi32, #tpu.memory_space<vmem>> -> memref<1x40xi32, #tpu.memory_space<vmem>>
        %dma_wait3A_160 = tpu.memref_squeeze %dma_wait3A_159 : memref<1x40xi32, #tpu.memory_space<vmem>> -> memref<40xi32, #tpu.memory_space<vmem>>
        %dma_wait3A_161 = arith.constant 0 : i32
        %dma_wait3A_162 = arith.constant 0 : i32
        %dma_wait3A_163 = tpu.memref_slice %arg2[%dma_wait3A_161, %dma_wait3A_162] : memref<10000x128xf32, #tpu.memory_space<hbm>> -> memref<10000x128xf32, #tpu.memory_space<hbm>>
        tpu.wait_indirect_dma semaphore(%arg17 : memref<!tpu.dma_semaphore, #tpu.memory_space<semaphore_mem>>) src(%dma_wait3A_163 : memref<10000x128xf32, #tpu.memory_space<hbm>>) dst(%arg12 : memref<40x128xf32, #tpu.memory_space<vmem>>)
        %add3A_164 = arith.constant 2 : i32
        %add3A_165 = arith.addi %mul3A_123, %add3A_164 : i32
        %dma_start3A_166 = arith.constant 0 : i32
        %dma_start3A_167 = tpu.memref_slice %arg9[%add3A_165, %dma_start3A_166] : memref<50x40xi32, #tpu.memory_space<vmem>> -> memref<1x40xi32, #tpu.memory_space<vmem>>
        %dma_start3A_168 = tpu.memref_squeeze %dma_start3A_167 : memref<1x40xi32, #tpu.memory_space<vmem>> -> memref<40xi32, #tpu.memory_space<vmem>>
        %dma_start3A_169 = arith.constant 0 : i32
        %dma_start3A_170 = arith.constant 0 : i32
        %dma_start3A_171 = tpu.memref_slice %arg25[%dma_start3A_169, %dma_start3A_170] : memref<10000x128xf32, #tpu.memory_space<vmem_shared>> -> memref<10000x128xf32, #tpu.memory_space<vmem_shared>>
        tpu.enqueue_indirect_dma source(%arg12 : memref<40x128xf32, #tpu.memory_space<vmem>>) target(%dma_start3A_171 : memref<10000x128xf32, #tpu.memory_space<vmem_shared>>) offsets(%dma_start3A_168 : memref<40xi32, #tpu.memory_space<vmem>>) semaphore(%arg22 : memref<!tpu.dma_semaphore, #tpu.memory_space<semaphore_mem>>) {add = true}
        %add3A_172 = arith.constant 3 : i32
        %add3A_173 = arith.addi %mul3A_123, %add3A_172 : i32
        %dma_wait3A_174 = arith.constant 0 : i32
        %dma_wait3A_175 = tpu.memref_slice %arg8[%add3A_173, %dma_wait3A_174] : memref<50x40xi32, #tpu.memory_space<vmem>> -> memref<1x40xi32, #tpu.memory_space<vmem>>
        %dma_wait3A_176 = tpu.memref_squeeze %dma_wait3A_175 : memref<1x40xi32, #tpu.memory_space<vmem>> -> memref<40xi32, #tpu.memory_space<vmem>>
        %dma_wait3A_177 = arith.constant 0 : i32
        %dma_wait3A_178 = arith.constant 0 : i32
        %dma_wait3A_179 = tpu.memref_slice %arg2[%dma_wait3A_177, %dma_wait3A_178] : memref<10000x128xf32, #tpu.memory_space<hbm>> -> memref<10000x128xf32, #tpu.memory_space<hbm>>
        tpu.wait_indirect_dma semaphore(%arg18 : memref<!tpu.dma_semaphore, #tpu.memory_space<semaphore_mem>>) src(%dma_wait3A_179 : memref<10000x128xf32, #tpu.memory_space<hbm>>) dst(%arg13 : memref<40x128xf32, #tpu.memory_space<vmem>>)
        %add3A_180 = arith.constant 3 : i32
        %add3A_181 = arith.addi %mul3A_123, %add3A_180 : i32
        %dma_start3A_182 = arith.constant 0 : i32
        %dma_start3A_183 = tpu.memref_slice %arg9[%add3A_181, %dma_start3A_182] : memref<50x40xi32, #tpu.memory_space<vmem>> -> memref<1x40xi32, #tpu.memory_space<vmem>>
        %dma_start3A_184 = tpu.memref_squeeze %dma_start3A_183 : memref<1x40xi32, #tpu.memory_space<vmem>> -> memref<40xi32, #tpu.memory_space<vmem>>
        %dma_start3A_185 = arith.constant 0 : i32
        %dma_start3A_186 = arith.constant 0 : i32
        %dma_start3A_187 = tpu.memref_slice %arg25[%dma_start3A_185, %dma_start3A_186] : memref<10000x128xf32, #tpu.memory_space<vmem_shared>> -> memref<10000x128xf32, #tpu.memory_space<vmem_shared>>
        tpu.enqueue_indirect_dma source(%arg13 : memref<40x128xf32, #tpu.memory_space<vmem>>) target(%dma_start3A_187 : memref<10000x128xf32, #tpu.memory_space<vmem_shared>>) offsets(%dma_start3A_184 : memref<40xi32, #tpu.memory_space<vmem>>) semaphore(%arg23 : memref<!tpu.dma_semaphore, #tpu.memory_space<semaphore_mem>>) {add = true}
        %add3A_188 = arith.constant 4 : i32
        %add3A_189 = arith.addi %mul3A_123, %add3A_188 : i32
        %dma_wait3A_190 = arith.constant 0 : i32
        %dma_wait3A_191 = tpu.memref_slice %arg8[%add3A_189, %dma_wait3A_190] : memref<50x40xi32, #tpu.memory_space<vmem>> -> memref<1x40xi32, #tpu.memory_space<vmem>>
        %dma_wait3A_192 = tpu.memref_squeeze %dma_wait3A_191 : memref<1x40xi32, #tpu.memory_space<vmem>> -> memref<40xi32, #tpu.memory_space<vmem>>
        %dma_wait3A_193 = arith.constant 0 : i32
        %dma_wait3A_194 = arith.constant 0 : i32
        %dma_wait3A_195 = tpu.memref_slice %arg2[%dma_wait3A_193, %dma_wait3A_194] : memref<10000x128xf32, #tpu.memory_space<hbm>> -> memref<10000x128xf32, #tpu.memory_space<hbm>>
        tpu.wait_indirect_dma semaphore(%arg19 : memref<!tpu.dma_semaphore, #tpu.memory_space<semaphore_mem>>) src(%dma_wait3A_195 : memref<10000x128xf32, #tpu.memory_space<hbm>>) dst(%arg14 : memref<40x128xf32, #tpu.memory_space<vmem>>)
        %add3A_196 = arith.constant 4 : i32
        %add3A_197 = arith.addi %mul3A_123, %add3A_196 : i32
        %dma_start3A_198 = arith.constant 0 : i32
        %dma_start3A_199 = tpu.memref_slice %arg9[%add3A_197, %dma_start3A_198] : memref<50x40xi32, #tpu.memory_space<vmem>> -> memref<1x40xi32, #tpu.memory_space<vmem>>
        %dma_start3A_200 = tpu.memref_squeeze %dma_start3A_199 : memref<1x40xi32, #tpu.memory_space<vmem>> -> memref<40xi32, #tpu.memory_space<vmem>>
        %dma_start3A_201 = arith.constant 0 : i32
        %dma_start3A_202 = arith.constant 0 : i32
        %dma_start3A_203 = tpu.memref_slice %arg25[%dma_start3A_201, %dma_start3A_202] : memref<10000x128xf32, #tpu.memory_space<vmem_shared>> -> memref<10000x128xf32, #tpu.memory_space<vmem_shared>>
        tpu.enqueue_indirect_dma source(%arg14 : memref<40x128xf32, #tpu.memory_space<vmem>>) target(%dma_start3A_203 : memref<10000x128xf32, #tpu.memory_space<vmem_shared>>) offsets(%dma_start3A_200 : memref<40xi32, #tpu.memory_space<vmem>>) semaphore(%arg24 : memref<!tpu.dma_semaphore, #tpu.memory_space<semaphore_mem>>) {add = true}
        %lt3A = arith.constant 9 : i32
        %lt3A_204 = arith.cmpi slt, %add3A_121, %lt3A : i32
        %convert_element_type3A = arith.extui %lt3A_204 : i1 to i32
        %cond3A = arith.constant 0 : i32
        %cond3A_205 = arith.cmpi ne, %convert_element_type3A, %cond3A : i32
        scf.if %cond3A_205 {
          %add3A_206 = arith.constant 0 : i32
          %add3A_207 = arith.addi %mul3A_123, %add3A_206 : i32
          %dma_wait3A_208 = arith.constant 0 : i32
          %dma_wait3A_209 = tpu.memref_slice %arg9[%add3A_207, %dma_wait3A_208] : memref<50x40xi32, #tpu.memory_space<vmem>> -> memref<1x40xi32, #tpu.memory_space<vmem>>
          %dma_wait3A_210 = tpu.memref_squeeze %dma_wait3A_209 : memref<1x40xi32, #tpu.memory_space<vmem>> -> memref<40xi32, #tpu.memory_space<vmem>>
          %dma_wait3A_211 = arith.constant 0 : i32
          %dma_wait3A_212 = arith.constant 0 : i32
          %dma_wait3A_213 = tpu.memref_slice %arg25[%dma_wait3A_211, %dma_wait3A_212] : memref<10000x128xf32, #tpu.memory_space<vmem_shared>> -> memref<10000x128xf32, #tpu.memory_space<vmem_shared>>
          tpu.wait_indirect_dma semaphore(%arg20 : memref<!tpu.dma_semaphore, #tpu.memory_space<semaphore_mem>>) src(%arg10 : memref<40x128xf32, #tpu.memory_space<vmem>>) dst(%dma_wait3A_213 : memref<10000x128xf32, #tpu.memory_space<vmem_shared>>)
          %add3A_214 = arith.constant 5 : i32
          %add3A_215 = arith.addi %mul3A_123, %add3A_214 : i32
          %add3A_216 = arith.constant 0 : i32
          %add3A_217 = arith.addi %add3A_215, %add3A_216 : i32
          %dma_start3A_218 = arith.constant 0 : i32
          %dma_start3A_219 = tpu.memref_slice %arg8[%add3A_217, %dma_start3A_218] : memref<50x40xi32, #tpu.memory_space<vmem>> -> memref<1x40xi32, #tpu.memory_space<vmem>>
          %dma_start3A_220 = tpu.memref_squeeze %dma_start3A_219 : memref<1x40xi32, #tpu.memory_space<vmem>> -> memref<40xi32, #tpu.memory_space<vmem>>
          %dma_start3A_221 = arith.constant 0 : i32
          %dma_start3A_222 = arith.constant 0 : i32
          %dma_start3A_223 = tpu.memref_slice %arg2[%dma_start3A_221, %dma_start3A_222] : memref<10000x128xf32, #tpu.memory_space<hbm>> -> memref<10000x128xf32, #tpu.memory_space<hbm>>
          tpu.enqueue_indirect_dma source(%dma_start3A_223 : memref<10000x128xf32, #tpu.memory_space<hbm>>) target(%arg10 : memref<40x128xf32, #tpu.memory_space<vmem>>) offsets(%dma_start3A_220 : memref<40xi32, #tpu.memory_space<vmem>>) semaphore(%arg15 : memref<!tpu.dma_semaphore, #tpu.memory_space<semaphore_mem>>)
          %add3A_224 = arith.constant 1 : i32
          %add3A_225 = arith.addi %mul3A_123, %add3A_224 : i32
          %dma_wait3A_226 = arith.constant 0 : i32
          %dma_wait3A_227 = tpu.memref_slice %arg9[%add3A_225, %dma_wait3A_226] : memref<50x40xi32, #tpu.memory_space<vmem>> -> memref<1x40xi32, #tpu.memory_space<vmem>>
          %dma_wait3A_228 = tpu.memref_squeeze %dma_wait3A_227 : memref<1x40xi32, #tpu.memory_space<vmem>> -> memref<40xi32, #tpu.memory_space<vmem>>
          %dma_wait3A_229 = arith.constant 0 : i32
          %dma_wait3A_230 = arith.constant 0 : i32
          %dma_wait3A_231 = tpu.memref_slice %arg25[%dma_wait3A_229, %dma_wait3A_230] : memref<10000x128xf32, #tpu.memory_space<vmem_shared>> -> memref<10000x128xf32, #tpu.memory_space<vmem_shared>>
          tpu.wait_indirect_dma semaphore(%arg21 : memref<!tpu.dma_semaphore, #tpu.memory_space<semaphore_mem>>) src(%arg11 : memref<40x128xf32, #tpu.memory_space<vmem>>) dst(%dma_wait3A_231 : memref<10000x128xf32, #tpu.memory_space<vmem_shared>>)
          %add3A_232 = arith.constant 5 : i32
          %add3A_233 = arith.addi %mul3A_123, %add3A_232 : i32
          %add3A_234 = arith.constant 1 : i32
          %add3A_235 = arith.addi %add3A_233, %add3A_234 : i32
          %dma_start3A_236 = arith.constant 0 : i32
          %dma_start3A_237 = tpu.memref_slice %arg8[%add3A_235, %dma_start3A_236] : memref<50x40xi32, #tpu.memory_space<vmem>> -> memref<1x40xi32, #tpu.memory_space<vmem>>
          %dma_start3A_238 = tpu.memref_squeeze %dma_start3A_237 : memref<1x40xi32, #tpu.memory_space<vmem>> -> memref<40xi32, #tpu.memory_space<vmem>>
          %dma_start3A_239 = arith.constant 0 : i32
          %dma_start3A_240 = arith.constant 0 : i32
          %dma_start3A_241 = tpu.memref_slice %arg2[%dma_start3A_239, %dma_start3A_240] : memref<10000x128xf32, #tpu.memory_space<hbm>> -> memref<10000x128xf32, #tpu.memory_space<hbm>>
          tpu.enqueue_indirect_dma source(%dma_start3A_241 : memref<10000x128xf32, #tpu.memory_space<hbm>>) target(%arg11 : memref<40x128xf32, #tpu.memory_space<vmem>>) offsets(%dma_start3A_238 : memref<40xi32, #tpu.memory_space<vmem>>) semaphore(%arg16 : memref<!tpu.dma_semaphore, #tpu.memory_space<semaphore_mem>>)
          %add3A_242 = arith.constant 2 : i32
          %add3A_243 = arith.addi %mul3A_123, %add3A_242 : i32
          %dma_wait3A_244 = arith.constant 0 : i32
          %dma_wait3A_245 = tpu.memref_slice %arg9[%add3A_243, %dma_wait3A_244] : memref<50x40xi32, #tpu.memory_space<vmem>> -> memref<1x40xi32, #tpu.memory_space<vmem>>
          %dma_wait3A_246 = tpu.memref_squeeze %dma_wait3A_245 : memref<1x40xi32, #tpu.memory_space<vmem>> -> memref<40xi32, #tpu.memory_space<vmem>>
          %dma_wait3A_247 = arith.constant 0 : i32
          %dma_wait3A_248 = arith.constant 0 : i32
          %dma_wait3A_249 = tpu.memref_slice %arg25[%dma_wait3A_247, %dma_wait3A_248] : memref<10000x128xf32, #tpu.memory_space<vmem_shared>> -> memref<10000x128xf32, #tpu.memory_space<vmem_shared>>
          tpu.wait_indirect_dma semaphore(%arg22 : memref<!tpu.dma_semaphore, #tpu.memory_space<semaphore_mem>>) src(%arg12 : memref<40x128xf32, #tpu.memory_space<vmem>>) dst(%dma_wait3A_249 : memref<10000x128xf32, #tpu.memory_space<vmem_shared>>)
          %add3A_250 = arith.constant 5 : i32
          %add3A_251 = arith.addi %mul3A_123, %add3A_250 : i32
          %add3A_252 = arith.constant 2 : i32
          %add3A_253 = arith.addi %add3A_251, %add3A_252 : i32
          %dma_start3A_254 = arith.constant 0 : i32
          %dma_start3A_255 = tpu.memref_slice %arg8[%add3A_253, %dma_start3A_254] : memref<50x40xi32, #tpu.memory_space<vmem>> -> memref<1x40xi32, #tpu.memory_space<vmem>>
          %dma_start3A_256 = tpu.memref_squeeze %dma_start3A_255 : memref<1x40xi32, #tpu.memory_space<vmem>> -> memref<40xi32, #tpu.memory_space<vmem>>
          %dma_start3A_257 = arith.constant 0 : i32
          %dma_start3A_258 = arith.constant 0 : i32
          %dma_start3A_259 = tpu.memref_slice %arg2[%dma_start3A_257, %dma_start3A_258] : memref<10000x128xf32, #tpu.memory_space<hbm>> -> memref<10000x128xf32, #tpu.memory_space<hbm>>
          tpu.enqueue_indirect_dma source(%dma_start3A_259 : memref<10000x128xf32, #tpu.memory_space<hbm>>) target(%arg12 : memref<40x128xf32, #tpu.memory_space<vmem>>) offsets(%dma_start3A_256 : memref<40xi32, #tpu.memory_space<vmem>>) semaphore(%arg17 : memref<!tpu.dma_semaphore, #tpu.memory_space<semaphore_mem>>)
          %add3A_260 = arith.constant 3 : i32
          %add3A_261 = arith.addi %mul3A_123, %add3A_260 : i32
          %dma_wait3A_262 = arith.constant 0 : i32
          %dma_wait3A_263 = tpu.memref_slice %arg9[%add3A_261, %dma_wait3A_262] : memref<50x40xi32, #tpu.memory_space<vmem>> -> memref<1x40xi32, #tpu.memory_space<vmem>>
          %dma_wait3A_264 = tpu.memref_squeeze %dma_wait3A_263 : memref<1x40xi32, #tpu.memory_space<vmem>> -> memref<40xi32, #tpu.memory_space<vmem>>
          %dma_wait3A_265 = arith.constant 0 : i32
          %dma_wait3A_266 = arith.constant 0 : i32
          %dma_wait3A_267 = tpu.memref_slice %arg25[%dma_wait3A_265, %dma_wait3A_266] : memref<10000x128xf32, #tpu.memory_space<vmem_shared>> -> memref<10000x128xf32, #tpu.memory_space<vmem_shared>>
          tpu.wait_indirect_dma semaphore(%arg23 : memref<!tpu.dma_semaphore, #tpu.memory_space<semaphore_mem>>) src(%arg13 : memref<40x128xf32, #tpu.memory_space<vmem>>) dst(%dma_wait3A_267 : memref<10000x128xf32, #tpu.memory_space<vmem_shared>>)
          %add3A_268 = arith.constant 5 : i32
          %add3A_269 = arith.addi %mul3A_123, %add3A_268 : i32
          %add3A_270 = arith.constant 3 : i32
          %add3A_271 = arith.addi %add3A_269, %add3A_270 : i32
          %dma_start3A_272 = arith.constant 0 : i32
          %dma_start3A_273 = tpu.memref_slice %arg8[%add3A_271, %dma_start3A_272] : memref<50x40xi32, #tpu.memory_space<vmem>> -> memref<1x40xi32, #tpu.memory_space<vmem>>
          %dma_start3A_274 = tpu.memref_squeeze %dma_start3A_273 : memref<1x40xi32, #tpu.memory_space<vmem>> -> memref<40xi32, #tpu.memory_space<vmem>>
          %dma_start3A_275 = arith.constant 0 : i32
          %dma_start3A_276 = arith.constant 0 : i32
          %dma_start3A_277 = tpu.memref_slice %arg2[%dma_start3A_275, %dma_start3A_276] : memref<10000x128xf32, #tpu.memory_space<hbm>> -> memref<10000x128xf32, #tpu.memory_space<hbm>>
          tpu.enqueue_indirect_dma source(%dma_start3A_277 : memref<10000x128xf32, #tpu.memory_space<hbm>>) target(%arg13 : memref<40x128xf32, #tpu.memory_space<vmem>>) offsets(%dma_start3A_274 : memref<40xi32, #tpu.memory_space<vmem>>) semaphore(%arg18 : memref<!tpu.dma_semaphore, #tpu.memory_space<semaphore_mem>>)
          %add3A_278 = arith.constant 4 : i32
          %add3A_279 = arith.addi %mul3A_123, %add3A_278 : i32
          %dma_wait3A_280 = arith.constant 0 : i32
          %dma_wait3A_281 = tpu.memref_slice %arg9[%add3A_279, %dma_wait3A_280] : memref<50x40xi32, #tpu.memory_space<vmem>> -> memref<1x40xi32, #tpu.memory_space<vmem>>
          %dma_wait3A_282 = tpu.memref_squeeze %dma_wait3A_281 : memref<1x40xi32, #tpu.memory_space<vmem>> -> memref<40xi32, #tpu.memory_space<vmem>>
          %dma_wait3A_283 = arith.constant 0 : i32
          %dma_wait3A_284 = arith.constant 0 : i32
          %dma_wait3A_285 = tpu.memref_slice %arg25[%dma_wait3A_283, %dma_wait3A_284] : memref<10000x128xf32, #tpu.memory_space<vmem_shared>> -> memref<10000x128xf32, #tpu.memory_space<vmem_shared>>
          tpu.wait_indirect_dma semaphore(%arg24 : memref<!tpu.dma_semaphore, #tpu.memory_space<semaphore_mem>>) src(%arg14 : memref<40x128xf32, #tpu.memory_space<vmem>>) dst(%dma_wait3A_285 : memref<10000x128xf32, #tpu.memory_space<vmem_shared>>)
          %add3A_286 = arith.constant 5 : i32
          %add3A_287 = arith.addi %mul3A_123, %add3A_286 : i32
          %add3A_288 = arith.constant 4 : i32
          %add3A_289 = arith.addi %add3A_287, %add3A_288 : i32
          %dma_start3A_290 = arith.constant 0 : i32
          %dma_start3A_291 = tpu.memref_slice %arg8[%add3A_289, %dma_start3A_290] : memref<50x40xi32, #tpu.memory_space<vmem>> -> memref<1x40xi32, #tpu.memory_space<vmem>>
          %dma_start3A_292 = tpu.memref_squeeze %dma_start3A_291 : memref<1x40xi32, #tpu.memory_space<vmem>> -> memref<40xi32, #tpu.memory_space<vmem>>
          %dma_start3A_293 = arith.constant 0 : i32
          %dma_start3A_294 = arith.constant 0 : i32
          %dma_start3A_295 = tpu.memref_slice %arg2[%dma_start3A_293, %dma_start3A_294] : memref<10000x128xf32, #tpu.memory_space<hbm>> -> memref<10000x128xf32, #tpu.memory_space<hbm>>
          tpu.enqueue_indirect_dma source(%dma_start3A_295 : memref<10000x128xf32, #tpu.memory_space<hbm>>) target(%arg14 : memref<40x128xf32, #tpu.memory_space<vmem>>) offsets(%dma_start3A_292 : memref<40xi32, #tpu.memory_space<vmem>>) semaphore(%arg19 : memref<!tpu.dma_semaphore, #tpu.memory_space<semaphore_mem>>)
        } else {
        }
      }
      %scan3A_82 = arith.constant 10 : i32
      %dma_wait3A = arith.constant 45 : i32
      %dma_wait3A_83 = arith.constant 0 : i32
      %dma_wait3A_84 = tpu.memref_slice %arg9[%dma_wait3A, %dma_wait3A_83] : memref<50x40xi32, #tpu.memory_space<vmem>> -> memref<1x40xi32, #tpu.memory_space<vmem>>
      %dma_wait3A_85 = tpu.memref_squeeze %dma_wait3A_84 : memref<1x40xi32, #tpu.memory_space<vmem>> -> memref<40xi32, #tpu.memory_space<vmem>>
      %dma_wait3A_86 = arith.constant 0 : i32
      %dma_wait3A_87 = arith.constant 0 : i32
      %dma_wait3A_88 = tpu.memref_slice %arg25[%dma_wait3A_86, %dma_wait3A_87] : memref<10000x128xf32, #tpu.memory_space<vmem_shared>> -> memref<10000x128xf32, #tpu.memory_space<vmem_shared>>
      tpu.wait_indirect_dma semaphore(%arg20 : memref<!tpu.dma_semaphore, #tpu.memory_space<semaphore_mem>>) src(%arg10 : memref<40x128xf32, #tpu.memory_space<vmem>>) dst(%dma_wait3A_88 : memref<10000x128xf32, #tpu.memory_space<vmem_shared>>)
      %dma_wait3A_89 = arith.constant 46 : i32
      %dma_wait3A_90 = arith.constant 0 : i32
      %dma_wait3A_91 = tpu.memref_slice %arg9[%dma_wait3A_89, %dma_wait3A_90] : memref<50x40xi32, #tpu.memory_space<vmem>> -> memref<1x40xi32, #tpu.memory_space<vmem>>
      %dma_wait3A_92 = tpu.memref_squeeze %dma_wait3A_91 : memref<1x40xi32, #tpu.memory_space<vmem>> -> memref<40xi32, #tpu.memory_space<vmem>>
      %dma_wait3A_93 = arith.constant 0 : i32
      %dma_wait3A_94 = arith.constant 0 : i32
      %dma_wait3A_95 = tpu.memref_slice %arg25[%dma_wait3A_93, %dma_wait3A_94] : memref<10000x128xf32, #tpu.memory_space<vmem_shared>> -> memref<10000x128xf32, #tpu.memory_space<vmem_shared>>
      tpu.wait_indirect_dma semaphore(%arg21 : memref<!tpu.dma_semaphore, #tpu.memory_space<semaphore_mem>>) src(%arg11 : memref<40x128xf32, #tpu.memory_space<vmem>>) dst(%dma_wait3A_95 : memref<10000x128xf32, #tpu.memory_space<vmem_shared>>)
      %dma_wait3A_96 = arith.constant 47 : i32
      %dma_wait3A_97 = arith.constant 0 : i32
      %dma_wait3A_98 = tpu.memref_slice %arg9[%dma_wait3A_96, %dma_wait3A_97] : memref<50x40xi32, #tpu.memory_space<vmem>> -> memref<1x40xi32, #tpu.memory_space<vmem>>
      %dma_wait3A_99 = tpu.memref_squeeze %dma_wait3A_98 : memref<1x40xi32, #tpu.memory_space<vmem>> -> memref<40xi32, #tpu.memory_space<vmem>>
      %dma_wait3A_100 = arith.constant 0 : i32
      %dma_wait3A_101 = arith.constant 0 : i32
      %dma_wait3A_102 = tpu.memref_slice %arg25[%dma_wait3A_100, %dma_wait3A_101] : memref<10000x128xf32, #tpu.memory_space<vmem_shared>> -> memref<10000x128xf32, #tpu.memory_space<vmem_shared>>
      tpu.wait_indirect_dma semaphore(%arg22 : memref<!tpu.dma_semaphore, #tpu.memory_space<semaphore_mem>>) src(%arg12 : memref<40x128xf32, #tpu.memory_space<vmem>>) dst(%dma_wait3A_102 : memref<10000x128xf32, #tpu.memory_space<vmem_shared>>)
      %dma_wait3A_103 = arith.constant 48 : i32
      %dma_wait3A_104 = arith.constant 0 : i32
      %dma_wait3A_105 = tpu.memref_slice %arg9[%dma_wait3A_103, %dma_wait3A_104] : memref<50x40xi32, #tpu.memory_space<vmem>> -> memref<1x40xi32, #tpu.memory_space<vmem>>
      %dma_wait3A_106 = tpu.memref_squeeze %dma_wait3A_105 : memref<1x40xi32, #tpu.memory_space<vmem>> -> memref<40xi32, #tpu.memory_space<vmem>>
      %dma_wait3A_107 = arith.constant 0 : i32
      %dma_wait3A_108 = arith.constant 0 : i32
      %dma_wait3A_109 = tpu.memref_slice %arg25[%dma_wait3A_107, %dma_wait3A_108] : memref<10000x128xf32, #tpu.memory_space<vmem_shared>> -> memref<10000x128xf32, #tpu.memory_space<vmem_shared>>
      tpu.wait_indirect_dma semaphore(%arg23 : memref<!tpu.dma_semaphore, #tpu.memory_space<semaphore_mem>>) src(%arg13 : memref<40x128xf32, #tpu.memory_space<vmem>>) dst(%dma_wait3A_109 : memref<10000x128xf32, #tpu.memory_space<vmem_shared>>)
      %dma_wait3A_110 = arith.constant 49 : i32
      %dma_wait3A_111 = arith.constant 0 : i32
      %dma_wait3A_112 = tpu.memref_slice %arg9[%dma_wait3A_110, %dma_wait3A_111] : memref<50x40xi32, #tpu.memory_space<vmem>> -> memref<1x40xi32, #tpu.memory_space<vmem>>
      %dma_wait3A_113 = tpu.memref_squeeze %dma_wait3A_112 : memref<1x40xi32, #tpu.memory_space<vmem>> -> memref<40xi32, #tpu.memory_space<vmem>>
      %dma_wait3A_114 = arith.constant 0 : i32
      %dma_wait3A_115 = arith.constant 0 : i32
      %dma_wait3A_116 = tpu.memref_slice %arg25[%dma_wait3A_114, %dma_wait3A_115] : memref<10000x128xf32, #tpu.memory_space<vmem_shared>> -> memref<10000x128xf32, #tpu.memory_space<vmem_shared>>
      tpu.wait_indirect_dma semaphore(%arg24 : memref<!tpu.dma_semaphore, #tpu.memory_space<semaphore_mem>>) src(%arg14 : memref<40x128xf32, #tpu.memory_space<vmem>>) dst(%dma_wait3A_116 : memref<10000x128xf32, #tpu.memory_space<vmem_shared>>)
    }
    %scan3A_19 = arith.constant 5 : i32
    %barrier3A_20 = arith.constant 0 : index
    tpu.barrier barrier_id(%barrier3A_20)
    %sub3A_21 = arith.constant 50 : i32
    %sub3A_22 = arith.subi %sub3A_21, %arg1 : i32
    %sub3A_23 = arith.constant 16 : i32
    %sub3A_24 = arith.constant 1 : i32
    %sub3A_25 = arith.subi %sub3A_23, %sub3A_24 : i32
    %add3A_26 = arith.addi %sub3A_22, %sub3A_25 : i32
    %div3A_27 = arith.constant 16 : i32
    %div3A_28 = arith.divsi %add3A_26, %div3A_27 : i32
    %while3A_29 = arith.constant 16 : i32
    %while3A_30 = arith.constant 0 : i32
    %while3A_31 = arith.subi %div3A_28, %while3A_30 : i32
    %while3A_32 = arith.addi %while3A_30, %while3A_31 : i32
    %while3A_33 = arith.constant 1 : i32
    %while3A_34 = arith.divsi %while3A_31, %while3A_33 : i32
    %while3A_35 = arith.muli %while3A_34, %while3A_33 : i32
    %while3A_36 = arith.addi %while3A_30, %while3A_35 : i32
    %while3A_37 = arith.constant 1 : i32
    scf.for %while3A_39 = %while3A_30 to %while3A_36 step %while3A_37  : i32 {
      %mul3A_40 = arith.muli %while3A_39, %while3A_29 : i32
      %add3A_41 = arith.addi %arg1, %mul3A_40 : i32
      %mul3A_42 = arith.constant 200 : i32
      %mul3A_43 = arith.muli %add3A_41, %mul3A_42 : i32
      %eq3A = arith.constant 0 : i32
      %eq3A_44 = arith.cmpi eq, %arg0, %eq3A : i32
      %convert_element_type3A = arith.extui %eq3A_44 : i1 to i32
      %cond3A = arith.constant 0 : i32
      %cond3A_45 = arith.cmpi ne, %convert_element_type3A, %cond3A : i32
      scf.if %cond3A_45 {
        "tpu.region"() ({
          %run_scoped3A = tpu.sem_alloc : memref<!tpu.dma_semaphore, #tpu.memory_space<semaphore_mem>>
          %dma_start3A = arith.constant 0 : i32
          %dma_start3A_50 = tpu.memref_slice %arg6[%mul3A_43, %dma_start3A] : memref<10000x128xf32, #tpu.memory_space<hbm>> -> memref<200x128xf32, #tpu.memory_space<hbm>>
          %dma_start3A_51 = arith.constant 0 : i32
          %dma_start3A_52 = tpu.memref_slice %arg25[%mul3A_43, %dma_start3A_51] : memref<10000x128xf32, #tpu.memory_space<vmem_shared>> -> memref<200x128xf32, #tpu.memory_space<vmem_shared>>
          tpu.enqueue_dma source(%dma_start3A_52 : memref<200x128xf32, #tpu.memory_space<vmem_shared>>) target(%dma_start3A_50 : memref<200x128xf32, #tpu.memory_space<hbm>>) target_semaphore(%run_scoped3A : memref<!tpu.dma_semaphore, #tpu.memory_space<semaphore_mem>>)
          %dma_wait3A = arith.constant 0 : i32
          %dma_wait3A_53 = tpu.memref_slice %arg6[%mul3A_43, %dma_wait3A] : memref<10000x128xf32, #tpu.memory_space<hbm>> -> memref<200x128xf32, #tpu.memory_space<hbm>>
          %dma_wait3A_54 = arith.constant 0 : i32
          %dma_wait3A_55 = tpu.memref_slice %arg25[%mul3A_43, %dma_wait3A_54] : memref<10000x128xf32, #tpu.memory_space<vmem_shared>> -> memref<200x128xf32, #tpu.memory_space<vmem_shared>>
          tpu.wait_dma2 semaphore(%run_scoped3A : memref<!tpu.dma_semaphore, #tpu.memory_space<semaphore_mem>>) src(%dma_wait3A_55 : memref<200x128xf32, #tpu.memory_space<vmem_shared>>) dst(%dma_wait3A_53 : memref<200x128xf32, #tpu.memory_space<hbm>>)
          tpu.yield
        }) : () -> ()
      } else {
      }
      %ne3A = arith.constant 0 : i32
      %ne3A_46 = arith.cmpi ne, %arg0, %ne3A : i32
      %convert_element_type3A_47 = arith.extui %ne3A_46 : i1 to i32
      %cond3A_48 = arith.constant 0 : i32
      %cond3A_49 = arith.cmpi ne, %convert_element_type3A_47, %cond3A_48 : i32
      scf.if %cond3A_49 {
        "tpu.region"() ({
          %run_scoped3A = tpu.sem_alloc : memref<!tpu.dma_semaphore, #tpu.memory_space<semaphore_mem>>
          %dma_start3A = arith.constant 0 : i32
          %dma_start3A_50 = tpu.memref_slice %arg7[%mul3A_43, %dma_start3A] : memref<10000x128xf32, #tpu.memory_space<hbm>> -> memref<200x128xf32, #tpu.memory_space<hbm>>
          %dma_start3A_51 = arith.constant 0 : i32
          %dma_start3A_52 = tpu.memref_slice %arg25[%mul3A_43, %dma_start3A_51] : memref<10000x128xf32, #tpu.memory_space<vmem_shared>> -> memref<200x128xf32, #tpu.memory_space<vmem_shared>>
          tpu.enqueue_dma source(%dma_start3A_52 : memref<200x128xf32, #tpu.memory_space<vmem_shared>>) target(%dma_start3A_50 : memref<200x128xf32, #tpu.memory_space<hbm>>) target_semaphore(%run_scoped3A : memref<!tpu.dma_semaphore, #tpu.memory_space<semaphore_mem>>)
          %dma_wait3A = arith.constant 0 : i32
          %dma_wait3A_53 = tpu.memref_slice %arg7[%mul3A_43, %dma_wait3A] : memref<10000x128xf32, #tpu.memory_space<hbm>> -> memref<200x128xf32, #tpu.memory_space<hbm>>
          %dma_wait3A_54 = arith.constant 0 : i32
          %dma_wait3A_55 = tpu.memref_slice %arg25[%mul3A_43, %dma_wait3A_54] : memref<10000x128xf32, #tpu.memory_space<vmem_shared>> -> memref<200x128xf32, #tpu.memory_space<vmem_shared>>
          tpu.wait_dma2 semaphore(%run_scoped3A : memref<!tpu.dma_semaphore, #tpu.memory_space<semaphore_mem>>) src(%dma_wait3A_55 : memref<200x128xf32, #tpu.memory_space<vmem_shared>>) dst(%dma_wait3A_53 : memref<200x128xf32, #tpu.memory_space<hbm>>)
          tpu.yield
        }) : () -> ()
      } else {
      }
    }
    %while3A_38 = arith.constant 1 : i32
    scf.for %while3A_39 = %while3A_36 to %while3A_32 step %while3A_38  : i32 {
      %mul3A_40 = arith.muli %while3A_39, %while3A_29 : i32
      %add3A_41 = arith.addi %arg1, %mul3A_40 : i32
      %mul3A_42 = arith.constant 200 : i32
      %mul3A_43 = arith.muli %add3A_41, %mul3A_42 : i32
      %eq3A = arith.constant 0 : i32
      %eq3A_44 = arith.cmpi eq, %arg0, %eq3A : i32
      %convert_element_type3A = arith.extui %eq3A_44 : i1 to i32
      %cond3A = arith.constant 0 : i32
      %cond3A_45 = arith.cmpi ne, %convert_element_type3A, %cond3A : i32
      scf.if %cond3A_45 {
        "tpu.region"() ({
          %run_scoped3A = tpu.sem_alloc : memref<!tpu.dma_semaphore, #tpu.memory_space<semaphore_mem>>
          %dma_start3A = arith.constant 0 : i32
          %dma_start3A_50 = tpu.memref_slice %arg6[%mul3A_43, %dma_start3A] : memref<10000x128xf32, #tpu.memory_space<hbm>> -> memref<200x128xf32, #tpu.memory_space<hbm>>
          %dma_start3A_51 = arith.constant 0 : i32
          %dma_start3A_52 = tpu.memref_slice %arg25[%mul3A_43, %dma_start3A_51] : memref<10000x128xf32, #tpu.memory_space<vmem_shared>> -> memref<200x128xf32, #tpu.memory_space<vmem_shared>>
          tpu.enqueue_dma source(%dma_start3A_52 : memref<200x128xf32, #tpu.memory_space<vmem_shared>>) target(%dma_start3A_50 : memref<200x128xf32, #tpu.memory_space<hbm>>) target_semaphore(%run_scoped3A : memref<!tpu.dma_semaphore, #tpu.memory_space<semaphore_mem>>)
          %dma_wait3A = arith.constant 0 : i32
          %dma_wait3A_53 = tpu.memref_slice %arg6[%mul3A_43, %dma_wait3A] : memref<10000x128xf32, #tpu.memory_space<hbm>> -> memref<200x128xf32, #tpu.memory_space<hbm>>
          %dma_wait3A_54 = arith.constant 0 : i32
          %dma_wait3A_55 = tpu.memref_slice %arg25[%mul3A_43, %dma_wait3A_54] : memref<10000x128xf32, #tpu.memory_space<vmem_shared>> -> memref<200x128xf32, #tpu.memory_space<vmem_shared>>
          tpu.wait_dma2 semaphore(%run_scoped3A : memref<!tpu.dma_semaphore, #tpu.memory_space<semaphore_mem>>) src(%dma_wait3A_55 : memref<200x128xf32, #tpu.memory_space<vmem_shared>>) dst(%dma_wait3A_53 : memref<200x128xf32, #tpu.memory_space<hbm>>)
          tpu.yield
        }) : () -> ()
      } else {
      }
      %ne3A = arith.constant 0 : i32
      %ne3A_46 = arith.cmpi ne, %arg0, %ne3A : i32
      %convert_element_type3A_47 = arith.extui %ne3A_46 : i1 to i32
      %cond3A_48 = arith.constant 0 : i32
      %cond3A_49 = arith.cmpi ne, %convert_element_type3A_47, %cond3A_48 : i32
      scf.if %cond3A_49 {
        "tpu.region"() ({
          %run_scoped3A = tpu.sem_alloc : memref<!tpu.dma_semaphore, #tpu.memory_space<semaphore_mem>>
          %dma_start3A = arith.constant 0 : i32
          %dma_start3A_50 = tpu.memref_slice %arg7[%mul3A_43, %dma_start3A] : memref<10000x128xf32, #tpu.memory_space<hbm>> -> memref<200x128xf32, #tpu.memory_space<hbm>>
          %dma_start3A_51 = arith.constant 0 : i32
          %dma_start3A_52 = tpu.memref_slice %arg25[%mul3A_43, %dma_start3A_51] : memref<10000x128xf32, #tpu.memory_space<vmem_shared>> -> memref<200x128xf32, #tpu.memory_space<vmem_shared>>
          tpu.enqueue_dma source(%dma_start3A_52 : memref<200x128xf32, #tpu.memory_space<vmem_shared>>) target(%dma_start3A_50 : memref<200x128xf32, #tpu.memory_space<hbm>>) target_semaphore(%run_scoped3A : memref<!tpu.dma_semaphore, #tpu.memory_space<semaphore_mem>>)
          %dma_wait3A = arith.constant 0 : i32
          %dma_wait3A_53 = tpu.memref_slice %arg7[%mul3A_43, %dma_wait3A] : memref<10000x128xf32, #tpu.memory_space<hbm>> -> memref<200x128xf32, #tpu.memory_space<hbm>>
          %dma_wait3A_54 = arith.constant 0 : i32
          %dma_wait3A_55 = tpu.memref_slice %arg25[%mul3A_43, %dma_wait3A_54] : memref<10000x128xf32, #tpu.memory_space<vmem_shared>> -> memref<200x128xf32, #tpu.memory_space<vmem_shared>>
          tpu.wait_dma2 semaphore(%run_scoped3A : memref<!tpu.dma_semaphore, #tpu.memory_space<semaphore_mem>>) src(%dma_wait3A_55 : memref<200x128xf32, #tpu.memory_space<vmem_shared>>) dst(%dma_wait3A_53 : memref<200x128xf32, #tpu.memory_space<hbm>>)
          tpu.yield
        }) : () -> ()
      } else {
      }
    }
    return
  }
}

module attributes {stable_mosaic.version = 14 : i64} {
  func.func @body(%arg0: i32, %arg1: memref<2000x128xf32, #tpu.memory_space<vmem>>, %arg2: memref<128x128xf32, #tpu.memory_space<vmem>>, %arg3: memref<2000x2xf32, #tpu.memory_space<vmem>>, %arg4: memref<2000x128xf32, #tpu.memory_space<vmem>>) attributes {dimension_semantics = [#tpu.dimension_semantics<arbitrary>], iteration_bounds = array<i64: 5>, scalar_prefetch = 0 : i64, scratch_operands = 0 : i64, tpu.core_type = #tpu.core_type<tc>, window_params = [{transform_indices = @transform_0, window_bounds = array<i64: 2000, 128>}, {pipeline_mode = #tpu.pipeline_mode<synchronous>, transform_indices = @transform_1, window_bounds = array<i64: 128, 128>}, {transform_indices = @transform_2, window_bounds = array<i64: 2000, 2>}, {transform_indices = @transform_3, window_bounds = array<i64: 2000, 128>}]} {
    %get3A = arith.constant 0 : index
    %get3A_0 = arith.constant 0 : index
    %get3A_1 = vector.load %arg1[%get3A, %get3A_0] : memref<2000x128xf32, #tpu.memory_space<vmem>>, vector<2000x128xf32>
    %get3A_2 = arith.constant 0 : index
    %get3A_3 = arith.constant 0 : index
    %get3A_4 = vector.load %arg2[%get3A_2, %get3A_3] : memref<128x128xf32, #tpu.memory_space<vmem>>, vector<128x128xf32>
    %dot_general3A = arith.constant dense<0.000000e+00> : vector<2000x128xf32>
    %dot_general3A_5 = tpu.matmul %get3A_1, %get3A_4, %dot_general3A {dimension_numbers = #tpu.dot_dimension_numbers<[1], [0], [0], [1], [0, 0, 1, 1], [], []>, precision = #tpu.contract_precision<fp32>, transpose_lhs_hint = false} : vector<2000x128xf32>, vector<128x128xf32>, vector<2000x128xf32> -> vector<2000x128xf32>
    %get3A_6 = arith.constant 0 : index
    %get3A_7 = arith.constant 0 : index
    %get3A_8 = vector.load %arg3[%get3A_6, %get3A_7] : memref<2000x2xf32, #tpu.memory_space<vmem>>, vector<2000x1xf32>
    %get3A_9 = arith.constant 0 : index
    %get3A_10 = arith.constant 1 : index
    %get3A_11 = vector.load %arg3[%get3A_9, %get3A_10] : memref<2000x2xf32, #tpu.memory_space<vmem>>, vector<2000x1xf32>
    %add3A = arith.addf %get3A_8, %get3A_11 : vector<2000x1xf32>
    %rsqrt3A = math.rsqrt %add3A : vector<2000x1xf32>
    %mul3A = vector.broadcast %rsqrt3A : vector<2000x1xf32> to vector<2000x128xf32>
    %mul3A_12 = arith.mulf %dot_general3A_5, %mul3A : vector<2000x128xf32>
    %swap3A = arith.constant 0 : index
    %swap3A_13 = arith.constant 0 : index
    %swap3A_14 = vector.load %arg4[%swap3A, %swap3A_13] : memref<2000x128xf32, #tpu.memory_space<vmem>>, vector<2000x128xf32>
    tpu.vector_store %arg4[%swap3A, %swap3A_13], %mul3A_12 {strides = array<i32>} : memref<2000x128xf32, #tpu.memory_space<vmem>>, vector<2000x128xf32>,
    return
  }
  func.func @transform_0(%arg0: i32) -> (i32, i32) {
    %c0_i32 = arith.constant 0 : i32
    %c0_i32_0 = arith.constant 0 : i32
    return %arg0, %c0_i32 : i32, i32
  }
  func.func @transform_1(%arg0: i32) -> (i32, i32) {
    %c0_i32 = arith.constant 0 : i32
    %c0_i32_0 = arith.constant 0 : i32
    %c0_i32_1 = arith.constant 0 : i32
    return %c0_i32, %c0_i32_0 : i32, i32
  }
  func.func @transform_2(%arg0: i32) -> (i32, i32) {
    %c0_i32 = arith.constant 0 : i32
    %c0_i32_0 = arith.constant 0 : i32
    return %arg0, %c0_i32 : i32, i32
  }
  func.func @transform_3(%arg0: i32) -> (i32, i32) {
    %c0_i32 = arith.constant 0 : i32
    %c0_i32_0 = arith.constant 0 : i32
    return %arg0, %c0_i32 : i32, i32
  }
}

module attributes {stable_mosaic.version = 14 : i64} {
  func.func @body(%arg0: i32, %arg1: memref<2000x128xf32, #tpu.memory_space<vmem>>, %arg2: memref<2000x128xf32, #tpu.memory_space<vmem>>, %arg3: memref<2000x2xf32, #tpu.memory_space<vmem>>, %arg4: memref<1x128xf32, #tpu.memory_space<vmem>>, %arg5: memref<2000x128xf32, #tpu.memory_space<vmem>>) attributes {dimension_semantics = [#tpu.dimension_semantics<arbitrary>], iteration_bounds = array<i64: 5>, scalar_prefetch = 0 : i64, scratch_operands = 0 : i64, tpu.core_type = #tpu.core_type<tc>, window_params = [{transform_indices = @transform_0, window_bounds = array<i64: 2000, 128>}, {transform_indices = @transform_1, window_bounds = array<i64: 2000, 128>}, {transform_indices = @transform_2, window_bounds = array<i64: 2000, 2>}, {pipeline_mode = #tpu.pipeline_mode<synchronous>, transform_indices = @transform_3, window_bounds = array<i64: 1, 128>}, {transform_indices = @transform_4, window_bounds = array<i64: 2000, 128>}]} {
    %get3A = arith.constant 0 : index
    %get3A_0 = arith.constant 0 : index
    %get3A_1 = vector.load %arg3[%get3A, %get3A_0] : memref<2000x2xf32, #tpu.memory_space<vmem>>, vector<2000x1xf32>
    %get3A_2 = arith.constant 0 : index
    %get3A_3 = arith.constant 1 : index
    %get3A_4 = vector.load %arg3[%get3A_2, %get3A_3] : memref<2000x2xf32, #tpu.memory_space<vmem>>, vector<2000x1xf32>
    %add3A = arith.addf %get3A_1, %get3A_4 : vector<2000x1xf32>
    %rsqrt3A = math.rsqrt %add3A : vector<2000x1xf32>
    %get3A_5 = arith.constant 0 : index
    %get3A_6 = arith.constant 0 : index
    %get3A_7 = vector.load %arg1[%get3A_5, %get3A_6] : memref<2000x128xf32, #tpu.memory_space<vmem>>, vector<2000x128xf32>
    %get3A_8 = arith.constant 0 : index
    %get3A_9 = arith.constant 0 : index
    %get3A_10 = vector.load %arg2[%get3A_8, %get3A_9] : memref<2000x128xf32, #tpu.memory_space<vmem>>, vector<2000x128xf32>
    %add3A_11 = arith.addf %get3A_7, %get3A_10 : vector<2000x128xf32>
    %mul3A = vector.broadcast %rsqrt3A : vector<2000x1xf32> to vector<2000x128xf32>
    %mul3A_12 = arith.mulf %mul3A, %add3A_11 : vector<2000x128xf32>
    %get3A_13 = arith.constant 0 : index
    %get3A_14 = arith.constant 0 : index
    %get3A_15 = vector.load %arg4[%get3A_13, %get3A_14] : memref<1x128xf32, #tpu.memory_space<vmem>>, vector<1x128xf32>
    %add3A_16 = vector.broadcast %get3A_15 : vector<1x128xf32> to vector<2000x128xf32>
    %add3A_17 = arith.addf %mul3A_12, %add3A_16 : vector<2000x128xf32>
    %max3A = arith.constant 0.000000e+00 : f32
    %max3A_18 = vector.broadcast %max3A : f32 to vector<2000x128xf32>
    %max3A_19 = arith.maximumf %add3A_17, %max3A_18 : vector<2000x128xf32>
    %mul3A_20 = vector.broadcast %rsqrt3A : vector<2000x1xf32> to vector<2000x128xf32>
    %mul3A_21 = arith.mulf %mul3A_20, %max3A_19 : vector<2000x128xf32>
    %swap3A = arith.constant 0 : index
    %swap3A_22 = arith.constant 0 : index
    %swap3A_23 = vector.load %arg5[%swap3A, %swap3A_22] : memref<2000x128xf32, #tpu.memory_space<vmem>>, vector<2000x128xf32>
    tpu.vector_store %arg5[%swap3A, %swap3A_22], %mul3A_21 {strides = array<i32>} : memref<2000x128xf32, #tpu.memory_space<vmem>>, vector<2000x128xf32>,
    return
  }
  func.func @transform_0(%arg0: i32) -> (i32, i32) {
    %c0_i32 = arith.constant 0 : i32
    %c0_i32_0 = arith.constant 0 : i32
    return %arg0, %c0_i32 : i32, i32
  }
  func.func @transform_1(%arg0: i32) -> (i32, i32) {
    %c0_i32 = arith.constant 0 : i32
    %c0_i32_0 = arith.constant 0 : i32
    return %arg0, %c0_i32 : i32, i32
  }
  func.func @transform_2(%arg0: i32) -> (i32, i32) {
    %c0_i32 = arith.constant 0 : i32
    %c0_i32_0 = arith.constant 0 : i32
    return %arg0, %c0_i32 : i32, i32
  }
  func.func @transform_3(%arg0: i32) -> (i32, i32) {
    %c0_i32 = arith.constant 0 : i32
    %c0_i32_0 = arith.constant 0 : i32
    %c0_i32_1 = arith.constant 0 : i32
    return %c0_i32, %c0_i32_0 : i32, i32
  }
  func.func @transform_4(%arg0: i32) -> (i32, i32) {
    %c0_i32 = arith.constant 0 : i32
    %c0_i32_0 = arith.constant 0 : i32
    return %arg0, %c0_i32 : i32, i32
  }
}

module attributes {stable_mosaic.version = 14 : i64} {
  func.func @body(%arg0: i32, %arg1: memref<2000x128xf32, #tpu.memory_space<vmem>>, %arg2: memref<2000x128xf32, #tpu.memory_space<vmem>>, %arg3: memref<2000x2xf32, #tpu.memory_space<vmem>>, %arg4: memref<128x64xf32, #tpu.memory_space<vmem>>, %arg5: memref<1x64xf32, #tpu.memory_space<vmem>>, %arg6: memref<2000x64xf32, #tpu.memory_space<vmem>>) attributes {dimension_semantics = [#tpu.dimension_semantics<arbitrary>], iteration_bounds = array<i64: 5>, scalar_prefetch = 0 : i64, scratch_operands = 0 : i64, tpu.core_type = #tpu.core_type<tc>, window_params = [{transform_indices = @transform_0, window_bounds = array<i64: 2000, 128>}, {transform_indices = @transform_1, window_bounds = array<i64: 2000, 128>}, {transform_indices = @transform_2, window_bounds = array<i64: 2000, 2>}, {pipeline_mode = #tpu.pipeline_mode<synchronous>, transform_indices = @transform_3, window_bounds = array<i64: 128, 64>}, {pipeline_mode = #tpu.pipeline_mode<synchronous>, transform_indices = @transform_4, window_bounds = array<i64: 1, 64>}, {transform_indices = @transform_5, window_bounds = array<i64: 2000, 64>}]} {
    %get3A = arith.constant 0 : index
    %get3A_0 = arith.constant 0 : index
    %get3A_1 = vector.load %arg3[%get3A, %get3A_0] : memref<2000x2xf32, #tpu.memory_space<vmem>>, vector<2000x1xf32>
    %get3A_2 = arith.constant 0 : index
    %get3A_3 = arith.constant 1 : index
    %get3A_4 = vector.load %arg3[%get3A_2, %get3A_3] : memref<2000x2xf32, #tpu.memory_space<vmem>>, vector<2000x1xf32>
    %add3A = arith.addf %get3A_1, %get3A_4 : vector<2000x1xf32>
    %rsqrt3A = math.rsqrt %add3A : vector<2000x1xf32>
    %get3A_5 = arith.constant 0 : index
    %get3A_6 = arith.constant 0 : index
    %get3A_7 = vector.load %arg1[%get3A_5, %get3A_6] : memref<2000x128xf32, #tpu.memory_space<vmem>>, vector<2000x128xf32>
    %get3A_8 = arith.constant 0 : index
    %get3A_9 = arith.constant 0 : index
    %get3A_10 = vector.load %arg2[%get3A_8, %get3A_9] : memref<2000x128xf32, #tpu.memory_space<vmem>>, vector<2000x128xf32>
    %add3A_11 = arith.addf %get3A_7, %get3A_10 : vector<2000x128xf32>
    %mul3A = vector.broadcast %rsqrt3A : vector<2000x1xf32> to vector<2000x128xf32>
    %mul3A_12 = arith.mulf %mul3A, %add3A_11 : vector<2000x128xf32>
    %get3A_13 = arith.constant 0 : index
    %get3A_14 = arith.constant 0 : index
    %get3A_15 = vector.load %arg4[%get3A_13, %get3A_14] : memref<128x64xf32, #tpu.memory_space<vmem>>, vector<128x64xf32>
    %dot_general3A = arith.constant dense<0.000000e+00> : vector<2000x64xf32>
    %dot_general3A_16 = tpu.matmul %mul3A_12, %get3A_15, %dot_general3A {dimension_numbers = #tpu.dot_dimension_numbers<[1], [0], [0], [1], [0, 0, 1, 1], [], []>, precision = #tpu.contract_precision<fp32>, transpose_lhs_hint = false} : vector<2000x128xf32>, vector<128x64xf32>, vector<2000x64xf32> -> vector<2000x64xf32>
    %get3A_17 = arith.constant 0 : index
    %get3A_18 = arith.constant 0 : index
    %get3A_19 = vector.load %arg5[%get3A_17, %get3A_18] : memref<1x64xf32, #tpu.memory_space<vmem>>, vector<1x64xf32>
    %add3A_20 = vector.broadcast %get3A_19 : vector<1x64xf32> to vector<2000x64xf32>
    %add3A_21 = arith.addf %dot_general3A_16, %add3A_20 : vector<2000x64xf32>
    %reduce_max3A = arith.constant dense<0xFF800000> : vector<2000xf32>
    %reduce_max3A_22 = vector.multi_reduction <maximumf>, %add3A_21, %reduce_max3A [1] : vector<2000x64xf32> to vector<2000xf32>
    %broadcast_in_dim3A = vector.shape_cast %reduce_max3A_22 : vector<2000xf32> to vector<2000x1xf32>
    %sub3A = vector.broadcast %broadcast_in_dim3A : vector<2000x1xf32> to vector<2000x64xf32>
    %sub3A_23 = arith.subf %add3A_21, %sub3A : vector<2000x64xf32>
    %exp3A = math.exp %sub3A_23 : vector<2000x64xf32>
    %reduce_sum3A = arith.constant dense<0.000000e+00> : vector<2000xf32>
    %reduce_sum3A_24 = vector.multi_reduction <add>, %exp3A, %reduce_sum3A [1] : vector<2000x64xf32> to vector<2000xf32>
    %broadcast_in_dim3A_25 = vector.shape_cast %reduce_sum3A_24 : vector<2000xf32> to vector<2000x1xf32>
    %log3A = math.log %broadcast_in_dim3A_25 : vector<2000x1xf32>
    %sub3A_26 = vector.broadcast %broadcast_in_dim3A : vector<2000x1xf32> to vector<2000x64xf32>
    %sub3A_27 = arith.subf %add3A_21, %sub3A_26 : vector<2000x64xf32>
    %sub3A_28 = vector.broadcast %log3A : vector<2000x1xf32> to vector<2000x64xf32>
    %sub3A_29 = arith.subf %sub3A_27, %sub3A_28 : vector<2000x64xf32>
    %swap3A = arith.constant 0 : index
    %swap3A_30 = arith.constant 0 : index
    %swap3A_31 = vector.load %arg6[%swap3A, %swap3A_30] : memref<2000x64xf32, #tpu.memory_space<vmem>>, vector<2000x64xf32>
    tpu.vector_store %arg6[%swap3A, %swap3A_30], %sub3A_29 {strides = array<i32>} : memref<2000x64xf32, #tpu.memory_space<vmem>>, vector<2000x64xf32>,
    return
  }
  func.func @transform_0(%arg0: i32) -> (i32, i32) {
    %c0_i32 = arith.constant 0 : i32
    %c0_i32_0 = arith.constant 0 : i32
    return %arg0, %c0_i32 : i32, i32
  }
  func.func @transform_1(%arg0: i32) -> (i32, i32) {
    %c0_i32 = arith.constant 0 : i32
    %c0_i32_0 = arith.constant 0 : i32
    return %arg0, %c0_i32 : i32, i32
  }
  func.func @transform_2(%arg0: i32) -> (i32, i32) {
    %c0_i32 = arith.constant 0 : i32
    %c0_i32_0 = arith.constant 0 : i32
    return %arg0, %c0_i32 : i32, i32
  }
  func.func @transform_3(%arg0: i32) -> (i32, i32) {
    %c0_i32 = arith.constant 0 : i32
    %c0_i32_0 = arith.constant 0 : i32
    %c0_i32_1 = arith.constant 0 : i32
    return %c0_i32, %c0_i32_0 : i32, i32
  }
  func.func @transform_4(%arg0: i32) -> (i32, i32) {
    %c0_i32 = arith.constant 0 : i32
    %c0_i32_0 = arith.constant 0 : i32
    %c0_i32_1 = arith.constant 0 : i32
    return %c0_i32, %c0_i32_0 : i32, i32
  }
  func.func @transform_5(%arg0: i32) -> (i32, i32) {
    %c0_i32 = arith.constant 0 : i32
    %c0_i32_0 = arith.constant 0 : i32
    return %arg0, %c0_i32 : i32, i32
  }
}

</mosaic_0001>

<sc_bundles>
// kernel: kernel.11.cloned.1.call-start
scs
__scs_entry_jumppad:
0x0: {  	(pc) =	sbr.rel $0x88, $3  }
0x1: {  	(tag) =	ssettag $0x0;
	lr =	simm.s32 $0x1  }
0x2: {  	[smem:$0x3F9B] =	sst lr;
	_ =	strace $0xD0000000  }
0x3: {  	_ = 	snop  }
0x4: {  	_ = 	snop  }
0x5: {  	_ = 	snop  }
0x6: {  	_ = 	snop  }
0x7: {  	_ = 	snop  }
__scs_overlays_trampoline_lowered:
0x8: {  	[smem:$0x3FAA] =	sst s0  }
0x9: {  	[smem:$0x3FAB] =	sst s1  }
0xa: {  	[smem:$0x3FAC] =	sst s2  }
0xb: {  	[smem:$0x3FAD] =	sst s3  }
0xc: {  	[smem:$0x3FAE] =	sst s4  }
0xd: {  	[smem:$0x3FAF] =	sst s5  }
0xe: {  	[smem:$0x3FB0] =	sst s6  }
0xf: {  	[smem:$0x3FB1] =	sst s7  }
0x10: {  	[smem:$0x3FB2] =	sst s8  }
0x11: {  	[smem:$0x3FB3] =	sst s9;
	s0 =	simm.s32 @!p0 $0x0  }
0x12: {  	s1 =	sld [smem:$0x3F99];
	s0 =	simm.s32 @p0 $0x1  }
0x13: {  	[smem:$0x3FB4] =	sst s0;
	s0 =	simm.s32 @!p1 $0x0  }
0x14: {  	s2 =	sld [smem:$0x3F98];
	s0 =	simm.s32 @p1 $0x1  }
0x15: {  	[smem:$0x3FB5] =	sst s0;
	s0 =	simm.s32 @!p2 $0x0  }
0x16: {  	s3 =	sld [smem:$0x3FDB];
	s0 =	simm.s32 @p2 $0x1  }
0x17: {  	s4 =	simm.s32 $0x1BF5;
	[smem:$0x3FB7] =	sst s0  }
0x18: {  	s0 =	sld [smem:$0x3F9A];
	_ =	swait.ge [sflag:s4], $0x0  }
0x19: {  	s7 =	sld [smem:$0x3F9B]  }
0x1a: {  	s8 =	sadd.s32 $0xFFFFE003, lr  }
0x1b: {  	s9 =	sadd.s32 $0xFFFFFEF7, lr;
	s5 =	simm.s32 $0xFFFFFFFF;
	p2 =	slt.u32 s8, $0xFFFFF086  }
0x1c: {  	p1 =	slt.u32 s9, $0xF7A;
	s5 =	simm.s32 @!p2 $0x0  }
0x1d: {  	s5 =	simm.s32 @p1 $0x1;
	p0 =	seq.s32 s7, s2  }
0x1e: {  	s7 =	smul.u32 @!p0 $0xF7A, s2;
	p2 =	seq.s32 @!p0 s5, $0x0  }
0x1f: {  	s9 =	smul.u32 $0xF7A, s1;
	s8 =	simm.s32 @!p0 $0x1BF5;
	p2 =	por !p2, p0  }
0x20: {  	[sflag:s8] =	ssyncset.s32 @!p0 $0xFFFFF086;
	s6 =	sadd.s32 @!p0 s3, s7;
	s7 =	simm.s32 @!p0 $0x108  }
0x21: {  	s3 =	sadd.s32 s3, s9;
	s6 =	sadd.s32 @!p0 $0x88, s6;
	s7 =	simm.s32 @p2 $0x1082  }
0x22: {  	[simem:s7], [sflag:s8] =	dma.local @!p0 [hbm:s6], $0xF7A  }
0x23: {  	s9 =	sor.u32 $0xD0000000, s2;
	s6 =	simm.s32 $0x108;
	_ =	swait.ge @!p0 [sflag:s8], $0x0  }
0x24: {  	s3 =	sadd.s32 $0x88, s3;
	s6 =	simm.s32 @!p1 $0x1082;
	[sflag:s4] =	ssyncset.s32 $0xFFFFF086  }
0x25: {  	[simem:s6], [sflag:s4] =	dma.local [hbm:s3], $0xF7A  }
0x26: {  	[smem:$0x3F9B] =	sst s1;
	(tag) =	ssettag s2;
	_ =	strace s9  }
0x27: {  	s1 =	sld [smem:$0x3FAB]  }
0x28: {  	s2 =	sld [smem:$0x3FAC]  }
0x29: {  	s4 =	sld [smem:$0x3FAE]  }
0x2a: {  	p0 =	seq.s32 s5, $0x0;
	s5 =	sld [smem:$0x3FAF]  }
0x2b: {  	s6 =	sld [smem:$0x3FB0]  }
0x2c: {  	s7 =	sld [smem:$0x3FB1]  }
0x2d: {  	s3 =	simm.s32 $0x108;
	s8 =	sld [smem:$0x3FB2]  }
0x2e: {  	s3 =	simm.s32 @!p0 $0x1082;
	s9 =	sld [smem:$0x3FB3]  }
0x2f: {  	lr =	sadd.s32 s0, s3;
	s0 =	sld [smem:$0x3FAA]  }
0x30: {  	s3 =	sld [smem:$0x3FAD]  }
0x31: {  	[smem:$0x3FB6] =	sst s10  }
0x32: {  	s10 =	sld [smem:$0x3FB4];
	_ =	sdelay $0x3  }
0x33: {  	p0 =	seq.s32 s10, $0x1;
	s10 =	sld [smem:$0x3FB6];
	_ =	sdelay $0x3  }
0x34: {  	[smem:$0x3FB6] =	sst s10  }
0x35: {  	s10 =	sld [smem:$0x3FB5];
	_ =	sdelay $0x3  }
0x36: {  	p1 =	seq.s32 s10, $0x1;
	s10 =	sld [smem:$0x3FB6];
	_ =	sdelay $0x3  }
0x37: {  	[smem:$0x3FB6] =	sst s10  }
0x38: {  	s10 =	sld [smem:$0x3FB7]  }
0x39: {  	_ = 	snop;
	(pc) =	sbr.ind lr, $3  }
0x3a: {  	_ = 	snop  }
0x3b: {  	_ = 	snop  }
0x3c: {  	p2 =	seq.s32 s10, $0x1;
	s10 =	sld [smem:$0x3FB6]  }
0x3d: {  	_ =	shalt  }
0x3e: {  	_ =	shalt  }
0x3f: {  	_ =	shalt  }
0x40: {  	_ =	shalt  }
0x41: {  	_ =	shalt  }
0x42: {  	_ =	shalt  }
0x43: {  	_ =	shalt  }
0x44: {  	_ =	shalt  }
0x45: {  	_ =	shalt  }
0x46: {  	_ =	shalt  }
0x47: {  	_ =	shalt  }
0x48: {  	_ =	shalt  }
0x49: {  	_ =	shalt  }
0x4a: {  	_ =	shalt  }
0x4b: {  	_ =	shalt  }
0x4c: {  	_ =	shalt  }
0x4d: {  	_ =	shalt  }
0x4e: {  	_ =	shalt  }
0x4f: {  	_ =	shalt  }
0x50: {  	_ =	shalt  }
0x51: {  	_ =	shalt  }
0x52: {  	_ =	shalt  }
0x53: {  	_ =	shalt  }
0x54: {  	_ =	shalt  }
0x55: {  	_ =	shalt  }
0x56: {  	_ =	shalt  }
0x57: {  	_ =	shalt  }
0x58: {  	_ =	shalt  }
0x59: {  	_ =	shalt  }
0x5a: {  	_ =	shalt  }
0x5b: {  	_ =	shalt  }
0x5c: {  	_ =	shalt  }
0x5d: {  	_ =	shalt  }
0x5e: {  	_ =	shalt  }
0x5f: {  	_ =	shalt  }
0x60: {  	_ =	shalt  }
0x61: {  	_ =	shalt  }
0x62: {  	_ =	shalt  }
0x63: {  	_ =	shalt  }
0x64: {  	_ =	shalt  }
0x65: {  	_ =	shalt  }
0x66: {  	_ =	shalt  }
0x67: {  	_ =	shalt  }
0x68: {  	_ =	shalt  }
0x69: {  	_ =	shalt  }
0x6a: {  	_ =	shalt  }
0x6b: {  	_ =	shalt  }
0x6c: {  	_ =	shalt  }
0x6d: {  	_ =	shalt  }
0x6e: {  	_ =	shalt  }
0x6f: {  	_ =	shalt  }
0x70: {  	_ =	shalt  }
0x71: {  	_ =	shalt  }
0x72: {  	_ =	shalt  }
0x73: {  	_ =	shalt  }
0x74: {  	_ =	shalt  }
0x75: {  	_ =	shalt  }
0x76: {  	_ =	shalt  }
0x77: {  	_ =	shalt  }
0x78: {  	_ =	shalt  }
0x79: {  	_ =	shalt  }
0x7a: {  	_ =	shalt  }
0x7b: {  	_ =	shalt  }
0x7c: {  	_ =	shalt  }
0x7d: {  	_ =	shalt  }
0x7e: {  	_ =	shalt  }
0x7f: {  	_ =	shalt  }
0x80: {  	_ =	shalt  }
0x81: {  	_ =	shalt  }
0x82: {  	_ =	shalt  }
0x83: {  	_ =	shalt  }
0x84: {  	_ =	shalt  }
0x85: {  	_ =	shalt  }
0x86: {  	_ =	shalt  }
0x87: {  	_ =	shalt  }
.Lfunc_end0:
.L_simem_size_0:
called_computation.1_lowered:
.L_overlay_start_0:
0x88: {  	s2 =	sld [smem:$0x3FD9]  }
0x89: {  	s3 =	sld [smem:$0x3FFE];
	_ =	sdelay $0x1  }
0x8a: {  	s1 =	srdreg.scid  }
0x8b: {  	s0 =	sand.u32 $0x1, s1  }
0x8c: {  	s16 =	sshll.u32 s0, $0xA;
	s2 =	sadd.s32 s3, s2  }
0x8d: {  	s2 =	sadd.s32 s2, s16  }
0x8e: {  	[smem:$0x3FC2] =	sst s2  }
0x8f: {  	_ = 	snop  }
0x90: {  	(tm) =	ssettm $0x1  }
0x91: {  	s17 =	sld [smem:$0x3FFB];
	_ =	sdelay $0x3  }
0x92: {  	_ =	strace s17  }
0x93: {  	s2 =	sld [smem:$0x3FFC];
	_ =	sdelay $0x3  }
0x94: {  	_ =	strace s2  }
0x95: {  	s2 =	sld [smem:$0x3FFD];
	_ =	sdelay $0x3  }
0x96: {  	_ =	strace s2  }
0x97: {  	_ =	strace $0x8FFFFFFF  }
0x98: {  	s18 =	sld [smem:$0x3FDB];
	_ =	sdelay $0x1  }
0x99: {  	s19 =	simm.s32 $_scs_section_size  }
0x9a: {  	s4 =	simm.s32 $_size__tile_overlayer_lowered;
	s5 =	simm.s32 $_tile_overlayer_lowered  }
0x9b: {  	s22 =	simm.s32 $0x1BFF;
	s21 =	sshll.u32 s5, $0x1;
	s2 =	sadd.s32 s19, s18  }
0x9c: {  	s6 =	simm.s32 $0x0;
	s20 =	sshll.u32 s4, $0x1;
	s4 =	sadd.s32 s21, s2  }
0x9d: {  	[timem:s6], [sflag:s22] =	dma.local [hbm:s4], s20  }
0x9e: {  	_ =	swait.ge [sflag:s22], s20  }
0x9f: {  	s3 =	ssub.s32 $0x0, s20;
	[sflag:s22] =	ssyncset.done $0x0  }
0xa0: {  	[sflag:s22] =	ssyncadd.s32 s3;
	_ =	sdelay $0x1  }
0xa1: {  	s23 =	simm.s32 $0x1B8B  }
0xa2: {  	_ =	swait.ge [sflag:s23], $0x1  }
0xa3: {  	[sflag:s23] =	ssyncset.done $0x0  }
0xa4: {  	s25 =	simm.s32 $0x1B8E;
	s24 =	sld [smem:$0x3FFE];
	[sflag:s23] =	ssyncadd.s32 $0xFFFFFFFF  }
0xa5: {  	s26 =	simm.s32 $execute0_lowered;
	[smem:$0x3FD2] =	sst s25  }
0xa6: {  	s4 =	sshll.u32 s26, $0x1;
	_ =	strace $0x80000049;
	[dreg:$0x1] =	wrdreg $0xFFFFFFFF  }
0xa7: {  	s28 =	simm.s32 $_size_execute0_lowered;
	s2 =	sadd.s32 s2, s4;
	[dreg:$0x0] =	wrdreg $0x0  }
0xa8: {  	s4 =	sshll.u32 s28, $0x1;
	[dreg:$0x2] =	wrdreg s2  }
0xa9: {  	[dreg:$0x3] =	wrdreg s4  }
0xaa: {  	[dreg:$0x4] =	wrdreg $0xC0  }
0xab: {  	_ =	task [dreg:s6], $0x5FFFF  }
0xac: {  	[dreg:$0x1] =	wrdreg $0xFFFFFFFF  }
0xad: {  	[dreg:$0x0] =	wrdreg $0x60  }
0xae: {  	[dreg:$0x2] =	wrdreg s24  }
0xaf: {  	[dreg:$0x3] =	wrdreg $0x9C000  }
0xb0: {  	[dreg:$0x4] =	wrdreg $0x9  }
0xb1: {  	_ =	task.clear_ibuf [dreg:s6], $0x5FFFF;
	_ =	strace $0x90000049  }
0xb2: {  	s29 =	simm.s32 $0x9;
	_ =	strace $0x8000004B  }
0xb3: {  	_ =	swait.ge [sflag:s29], $0x1  }
0xb4: {  	[sflag:s29] =	ssyncadd.s32 $0xFFFFFFFF  }
0xb5: {  	_ =	strace $0x9000004B  }
0xb6: {  	_ =	sfence  }
0xb7: {  	s30 =	sld [smem:$0x0];
	_ =	sdelay $0x2  }
0xb8: {  	s31 =	sshll.u32 s1, $0xD;
	s1 =	sshrl.u32 s1, $0x2  }
0xb9: {  	s3 =	sand.u32 $0x4000, s31;
	s1 =	sadd.s32 s1, s30  }
0xba: {  	s0 =	sor.u32 s3, s0;
	s1 =	sshll.u32 s1, $0x11  }
0xbb: {  	s0 =	sor.u32 s1, s0  }
0xbc: {  	s0 =	sadd.s32 $0x8F2B, s0  }
0xbd: {  	[sflag:s0] =	ssyncadd.remote.s32 $0x1  }
0xbe: {  	_ =	sfence.sel $0xFFFF  }
0xbf: {  	[dreg:$0x0] =	wrdreg $0xFFFFFFFF;
	(pc) =	sbr.abs _section_cstart, $3  }
0xc0: {  	[dreg:$0x1] =	wrdreg $0xFFFFFFFF  }
0xc1: {  	_ =	task.clear_ibuf [dreg:s6], $0x2FFFF;
	_ =	strace $0x9FFFFFFF  }
0xc2: {  	(tm) =	ssettm $0x7FFFFFFF  }
0xc3: {  	_ =	shalt  }
tec
execute0_lowered:
.L_overlay_start_1:
0x0: {  	(tag) =	ssettag $0x1  }
0x1: {  	s0 =	rddreg [dreg:$0x0]  }
0x2: {  	s2 =	rddreg [dreg:$0x1]  }
0x3: {  	s25 =	simm.s32 $0x0;
	s6 =	stileid.u32;
	s1 =	srdreg.scid  }
0x4: {  	s17 =	simm.s32 $0xB;
	s7 =	simm.s32 $0x1C00;
	s19 =	simm.s32 $0x28  }
0x5: {  	s20 =	simm.s32 $0x3800;
	s29 =	simm.s32 $0x8800;
	s30 =	simm.s32 $0x1  }
0x6: {  	s31 =	simm.s32 $0x2;
	s13 =	simm.s32 $0x9;
	s14 =	simm.s32 $0xA  }
0x7: {  	[smem:$0x7FF] =	sst s25;
	s12 =	smul.u32 $0xC80, s6;
	s5 =	sadd.s32 $0x69E00, s0  }
0x8: {  	s3 =	sadd.s32 $0x46E00, s0;
	s1 =	sand.u32 $0x1, s1;
	s21 =	sadd.s32 $0x23E00, s0  }
0x9: {  	s8 =	sadd.s32 $0xB8200, s0;
	_ =	strace $0x8000004A;
	[dreg:$0x5] =	wrdreg s3  }
0xa: {  	s10 =	ssub.s32 $0x41, s6;
	s11 =	smul.u32 $0x19000, s6;
	[dreg:$0x6] =	wrdreg s21  }
0xb: {  	s4 =	ssub.s32 $0x2, s1;
	s23 =	sshll.u32 s1, $0x4;
	s10 =	sshrl.u32 s10, $0x4  }
0xc: {  	p0 =	sne.s32 s1, $0x0;
	s22 =	sadd.s32 s12, s0;
	[dreg:$0x7] =	wrdreg s10  }
0xd: {  	s0 =	sadd.s32 $0xDF400, s0;
	s9 =	sshrl.u32 s4, $0x1;
	[dreg:$0x4] =	wrdreg s12  }
0xe: {  	s24 =	sadd.s32 s12, s5;
	s26 =	sshrl.u32 s11, $0x2;
	s1 =	sshll.u32 @p0 s6, $0x6  }
0xf: {  	s11 =	simm.s32 $0x6;
	s12 =	simm.s32 $0x8;
	s4 =	ssub.s32 s4, s9  }
0x10: {  	s9 =	sor.u32 s6, s23;
	s3 =	sadd.s32 $0x91000, s22;
	[dreg:$0xb] =	wrdreg s24  }
0x11: {  	s28 =	sadd.s32 s26, s2;
	s15 =	sor.u32 @p0 $0x1C0B, s1;
	s22 =	simm.s32 $0x4C00  }
0x12: {  	s24 =	simm.s32 $0x6000;
	s8 =	smov.u32 @p0 s0;
	s26 =	simm.s32 $0x7400  }
0x13: {  	s0 =	simm.s32 $0x3;
	s9 =	smul.u32 $0x8C00, s9;
	[dreg:$0xa] =	wrdreg s3  }
0x14: {  	s4 =	smax.u32 s4, $0x1;
	[dreg:$0xc] =	wrdreg s28;
	s3 =	sshll.u32 @!p0 s6, $0x6  }
0x15: {  	s1 =	simm.s32 $0x4;
	[dreg:$0x9] =	wrdreg s4;
	s16 =	sor.u32 @!p0 $0x1C0C, s3  }
0x16: {  	s4 =	simm.s32 $0x7;
	[dreg:$0x8] =	wrdreg s9;
	s9 =	simm.s32 $0x5  }
.LBB2_1:
0x17: {  	s3 =	rddreg [dreg:$0x7]  }
0x18: {  	s3 =	sadd.s32 $0xFFFFFFFF, s3  }
0x19: {  	[dreg:$0x3] =	wrdreg s25;
	p1 =	sne.s32 s3, $0x0  }
.Ltmp0:
0x1a: {  	s21 =	rddreg [dreg:$0xc];
	(pc) =	sbr.rel @!p1 .LBB2_6-.Ltmp0, $4  }
0x1b: {  	s23 =	rddreg [dreg:$0xa]  }
0x1c: {  	s18 =	rddreg [dreg:$0xb]  }
0x1d: {  	s10 =	rddreg [dreg:$0x5]  }
0x1e: {  	p2 =	por $0x0, $0x0;
	[dreg:$0xd] =	wrdreg s3  }
0x1f: {  	s7 =	rddreg [dreg:$0xc]  }
0x20: {  	s28 =	simm.s32 @p0 $0xB;
	s6 =	rddreg [dreg:$0xa];
	s3 =	sshrl.u32 @p0 s7, $0x3  }
0x21: {  	[spmem:s3], [sflag:s15] =	dma.local @p0 [hbm:s6], $0xC80  }
0x22: {  	_ =	swait.ge @p0 [sflag:s28], $0xC80  }
0x23: {  	[sflag:s28] =	ssyncset.done @p0 $0x0  }
0x24: {  	s18 =	sshrl.u32 @!p0 s7, $0x3;
	s21 =	rddreg [dreg:$0xb];
	[sflag:s28] =	ssyncadd.s32 @p0 $0xFFFFF380  }
0x25: {  	[spmem:s18], [sflag:s16] =	dma.local @!p0 [hbm:s21], $0xC80  }
0x26: {  	s18 =	rddreg [dreg:$0xd]  }
0x27: {  	s25 =	sadd.s32 $0xFFFFFFFF, s18  }
0x28: {  	p3 =	sne.s32 s25, $0x0  }
.Ltmp1:
0x29: {  	_ = 	snop;
	(pc) =	sbr.rel @!p3 .LBB2_3-.Ltmp1, $4  }
0x2a: {  	_ = 	snop  }
0x2b: {  	s3 =	simm.s32 @!p0 $0xC  }
0x2c: {  	p2 =	por $0x1, $0x1;
	s23 =	sadd.s32 $0xC800, s6;
	_ =	swait.ge @!p0 [sflag:s3], $0xC80  }
0x2d: {  	s18 =	sadd.s32 $0xC800, s21;
	[sflag:s3] =	ssyncset.done @!p0 $0x0;
	s21 =	sadd.s32 $0x64000, s7  }
.LBB2_4:
0x2e: {  	s6 =	sshrl.u32 @p0 s21, $0x3;
	[sflag:s3] =	ssyncadd.s32 @!p0 $0xFFFFF380;
	s25 =	sadd.s32 $0xFFFFFFFF, s25  }
0x2f: {  	[spmem:s6], [sflag:s15] =	dma.local @p0 [hbm:s23], $0xC80  }
0x30: {  	p3 =	sne.s32 s25, $0x0;
	_ =	swait.ge @p0 [sflag:s28], $0xC80  }
.Ltmp2:
0x31: {  	[sflag:s28] =	ssyncset.done @p0 $0x0;
	(pc) =	sbr.rel @p3 .LBB2_4-.Ltmp2, $4  }
0x32: {  	s6 =	sshrl.u32 @!p0 s21, $0x3;
	[sflag:s28] =	ssyncadd.s32 @p0 $0xFFFFF380  }
0x33: {  	[spmem:s6], [sflag:s16] =	dma.local @!p0 [hbm:s18], $0xC80  }
0x34: {  	s18 =	sadd.s32 $0xC800, s18;
	_ =	swait.ge @!p0 [sflag:s3], $0xC80  }
0x35: {  	s23 =	sadd.s32 $0xC800, s23;
	s21 =	sadd.s32 $0x64000, s21;
	[sflag:s3] =	ssyncset.done @!p0 $0x0  }
0x36: {  	s7 =	simm.s32 $0x1C00  }
.LBB2_6:
0x37: {  	p2 =	por p0, !p2  }
0x38: {  	s6 =	sshrl.u32 @p0 s21, $0x3;
	s25 =	simm.s32 @p0 $0xB;
	[sflag:s3] =	ssyncadd.s32 @!p2 $0xFFFFF380  }
0x39: {  	[spmem:s6], [sflag:s15] =	dma.local @p0 [hbm:s23], $0xC80  }
0x3a: {  	_ =	swait.ge @p0 [sflag:s25], $0xC80  }
0x3b: {  	[sflag:s25] =	ssyncset.done @p0 $0x0  }
0x3c: {  	s3 =	sshrl.u32 @!p0 s21, $0x3;
	s6 =	simm.s32 @!p0 $0xC;
	[sflag:s25] =	ssyncadd.s32 @p0 $0xFFFFF380  }
0x3d: {  	[spmem:s3], [sflag:s16] =	dma.local @!p0 [hbm:s18], $0xC80  }
0x3e: {  	_ =	swait.ge @!p0 [sflag:s6], $0xC80  }
0x3f: {  	[sflag:s6] =	ssyncset.done @!p0 $0x0  }
0x40: {  	[sflag:s6] =	ssyncadd.s32 @!p0 $0xFFFFF380  }
0x41: {  	[bflag:$0x0] =	sbarrier.arrive $0xFFFF  }
0x42: {  	s23 =	rddreg [dreg:$0x6]  }
0x43: {  	s28 =	simm.s32 $0x0;
	s3 =	simm.s32 $0x0;
	s25 =	rddreg [dreg:$0x8]  }
.LBB2_7:
0x44: {  	s6 =	smul.u32 $0x1C00, s3;
	_ =	sdelay $0x1  }
0x45: {  	s6 =	sadd.s32 s25, s6  }
0x46: {  	s6 =	sshrl.u32 s6, $0x3  }
0x47: {  	s18 =	sadd.s32 s10, s6  }
0x48: {  	[tilespmem:s28], [sflag:$0xB] =	stream.linear.gather [hbm4b:s18+s28], $0x1900, $0x38;
	[tilespmem:$0x1D480] =	vst v63  }
0x49: {  	_ =	swait.ge [sflag:s17], $0x1900  }
0x4a: {  	[sflag:s17] =	ssyncset.done $0x0  }
0x4b: {  	s6 =	sadd.s32 s23, s6;
	[sflag:s17] =	ssyncadd.s32 $0xFFFFE700  }
0x4c: {  	[tilespmem:s7], [sflag:$0xB] =	stream.linear.gather [hbm4b:s6+s28], $0x1900, $0x38;
	[tilespmem:$0x1D480] =	vst v63  }
0x4d: {  	_ =	swait.ge [sflag:s17], $0x1900  }
0x4e: {  	[sflag:s17] =	ssyncset.done $0x0  }
0x4f: {  	[sflag:s17] =	ssyncadd.s32 $0xFFFFE700  }
0x50: {  	[tilespmem:s20], [sflag:$0x1] =	stream.indirect.gather [hbm4b:s5+s19], $0x80, s28, s19, $0xb8;
	[tilespmem:$0x1D480] =	vst v63  }
0x51: {  	s21 =	simm.s32 $0x80  }
0x52: {  	[tilespmem:s22], [sflag:$0x2] =	stream.indirect.gather [hbm4b:s5+s19], $0x80, s21, s19, $0xb8;
	[tilespmem:$0x1D480] =	vst v63  }
0x53: {  	s18 =	simm.s32 $0x100  }
0x54: {  	[tilespmem:s24], [sflag:$0x3] =	stream.indirect.gather [hbm4b:s5+s19], $0x80, s18, s19, $0xb8;
	[tilespmem:$0x1D480] =	vst v63  }
0x55: {  	s21 =	simm.s32 $0x180  }
0x56: {  	[tilespmem:s26], [sflag:$0x4] =	stream.indirect.gather [hbm4b:s5+s19], $0x80, s21, s19, $0xb8;
	[tilespmem:$0x1D480] =	vst v63  }
0x57: {  	s18 =	simm.s32 $0x200  }
0x58: {  	[tilespmem:s29], [sflag:$0x5] =	stream.indirect.gather [hbm4b:s5+s19], $0x80, s18, s19, $0xb8;
	[tilespmem:$0x1D480] =	vst v63  }
0x59: {  	_ =	swait.ge [sflag:s30], $0x1400  }
0x5a: {  	[sflag:s30] =	ssyncset.done $0x0  }
0x5b: {  	s21 =	simm.s32 $0x1C00;
	[sflag:s30] =	ssyncadd.s32 $0xFFFFEC00  }
0x5c: {  	[spmem:s2] =	stream.indirect.scatter.add.f32 [tilespmem:s20], [sflag:$0x6], $0x80, s21, s19, $0xb8;
	[tilespmem:$0x1D480] =	vst v63  }
0x5d: {  	_ =	swait.ge [sflag:s31], $0x1400  }
0x5e: {  	[sflag:s31] =	ssyncset.done $0x0  }
0x5f: {  	s18 =	simm.s32 $0x1C80;
	[sflag:s31] =	ssyncadd.s32 $0xFFFFEC00  }
0x60: {  	[spmem:s2] =	stream.indirect.scatter.add.f32 [tilespmem:s22], [sflag:$0x7], $0x80, s18, s19, $0xb8;
	[tilespmem:$0x1D480] =	vst v63  }
0x61: {  	_ =	swait.ge [sflag:s0], $0x1400  }
0x62: {  	[sflag:s0] =	ssyncset.done $0x0  }
0x63: {  	s21 =	simm.s32 $0x1D00;
	[sflag:s0] =	ssyncadd.s32 $0xFFFFEC00  }
0x64: {  	[spmem:s2] =	stream.indirect.scatter.add.f32 [tilespmem:s24], [sflag:$0x8], $0x80, s21, s19, $0xb8;
	[tilespmem:$0x1D480] =	vst v63  }
0x65: {  	_ =	swait.ge [sflag:s1], $0x1400  }
0x66: {  	[sflag:s1] =	ssyncset.done $0x0  }
0x67: {  	s18 =	simm.s32 $0x1D80;
	[sflag:s1] =	ssyncadd.s32 $0xFFFFEC00  }
0x68: {  	[spmem:s2] =	stream.indirect.scatter.add.f32 [tilespmem:s26], [sflag:$0x9], $0x80, s18, s19, $0xb8;
	[tilespmem:$0x1D480] =	vst v63  }
0x69: {  	_ =	swait.ge [sflag:s9], $0x1400  }
0x6a: {  	[sflag:s9] =	ssyncset.done $0x0  }
0x6b: {  	s21 =	simm.s32 $0x1E00;
	[sflag:s9] =	ssyncadd.s32 $0xFFFFEC00  }
0x6c: {  	[spmem:s2] =	stream.indirect.scatter.add.f32 [tilespmem:s29], [sflag:$0xA], $0x80, s21, s19, $0xb8;
	[tilespmem:$0x1D480] =	vst v63  }
0x6d: {  	_ =	swait.ge [sflag:s11], $0x1400  }
0x6e: {  	[sflag:s11] =	ssyncset.done $0x0  }
0x6f: {  	s18 =	simm.s32 $0x280;
	[sflag:s11] =	ssyncadd.s32 $0xFFFFEC00  }
0x70: {  	[tilespmem:s20], [sflag:$0x1] =	stream.indirect.gather [hbm4b:s5+s19], $0x80, s18, s19, $0xb8;
	[tilespmem:$0x1D480] =	vst v63  }
0x71: {  	_ =	swait.ge [sflag:s4], $0x1400  }
0x72: {  	[sflag:s4] =	ssyncset.done $0x0  }
0x73: {  	s21 =	simm.s32 $0x300;
	[sflag:s4] =	ssyncadd.s32 $0xFFFFEC00  }
0x74: {  	[tilespmem:s22], [sflag:$0x2] =	stream.indirect.gather [hbm4b:s5+s19], $0x80, s21, s19, $0xb8;
	[tilespmem:$0x1D480] =	vst v63  }
0x75: {  	_ =	swait.ge [sflag:s12], $0x1400  }
0x76: {  	[sflag:s12] =	ssyncset.done $0x0  }
0x77: {  	s18 =	simm.s32 $0x380;
	[sflag:s12] =	ssyncadd.s32 $0xFFFFEC00  }
0x78: {  	[tilespmem:s24], [sflag:$0x3] =	stream.indirect.gather [hbm4b:s5+s19], $0x80, s18, s19, $0xb8;
	[tilespmem:$0x1D480] =	vst v63  }
0x79: {  	_ =	swait.ge [sflag:s13], $0x1400  }
0x7a: {  	[sflag:s13] =	ssyncset.done $0x0  }
0x7b: {  	s21 =	simm.s32 $0x400;
	[sflag:s13] =	ssyncadd.s32 $0xFFFFEC00  }
0x7c: {  	[tilespmem:s26], [sflag:$0x4] =	stream.indirect.gather [hbm4b:s5+s19], $0x80, s21, s19, $0xb8;
	[tilespmem:$0x1D480] =	vst v63  }
0x7d: {  	_ =	swait.ge [sflag:s14], $0x1400  }
0x7e: {  	[sflag:s14] =	ssyncset.done $0x0  }
0x7f: {  	s18 =	simm.s32 $0xA00;
	s21 =	simm.s32 $0x480;
	[sflag:s14] =	ssyncadd.s32 $0xFFFFEC00  }
.LBB2_8:
0x80: {  	[tilespmem:s29], [sflag:$0x5] =	stream.indirect.gather [hbm4b:s5+s19], $0x80, s21, s19, $0xb8;
	[tilespmem:$0x1D480] =	vst v63  }
0x81: {  	s6 =	smov.u32 s18  }
0x82: {  	p2 =	sne.s32 s18, $0x5000;
	s18 =	sadd.s32 $0xA00, s18;
	_ =	swait.ge [sflag:s30], $0x1400  }
0x83: {  	s21 =	sshra.s32 s6, $0x2;
	[sflag:s30] =	ssyncset.done $0x0  }
0x84: {  	s6 =	sadd.s32 $0x1C00, s21;
	[sflag:s30] =	ssyncadd.s32 $0xFFFFEC00  }
0x85: {  	[spmem:s2] =	stream.indirect.scatter.add.f32 [tilespmem:s20], [sflag:$0x6], $0x80, s6, s19, $0xb8;
	[tilespmem:$0x1D480] =	vst v63  }
0x86: {  	_ =	swait.ge [sflag:s31], $0x1400  }
0x87: {  	[sflag:s31] =	ssyncset.done $0x0  }
0x88: {  	s6 =	sadd.s32 $0x1C80, s21;
	[sflag:s31] =	ssyncadd.s32 $0xFFFFEC00  }
0x89: {  	[spmem:s2] =	stream.indirect.scatter.add.f32 [tilespmem:s22], [sflag:$0x7], $0x80, s6, s19, $0xb8;
	[tilespmem:$0x1D480] =	vst v63  }
0x8a: {  	_ =	swait.ge [sflag:s0], $0x1400  }
0x8b: {  	[sflag:s0] =	ssyncset.done $0x0  }
0x8c: {  	s6 =	sadd.s32 $0x1D00, s21;
	[sflag:s0] =	ssyncadd.s32 $0xFFFFEC00  }
0x8d: {  	[spmem:s2] =	stream.indirect.scatter.add.f32 [tilespmem:s24], [sflag:$0x8], $0x80, s6, s19, $0xb8;
	[tilespmem:$0x1D480] =	vst v63  }
0x8e: {  	_ =	swait.ge [sflag:s1], $0x1400  }
0x8f: {  	[sflag:s1] =	ssyncset.done $0x0  }
0x90: {  	s6 =	sadd.s32 $0x1D80, s21;
	[sflag:s1] =	ssyncadd.s32 $0xFFFFEC00  }
0x91: {  	[spmem:s2] =	stream.indirect.scatter.add.f32 [tilespmem:s26], [sflag:$0x9], $0x80, s6, s19, $0xb8;
	[tilespmem:$0x1D480] =	vst v63  }
0x92: {  	_ =	swait.ge [sflag:s9], $0x1400  }
0x93: {  	[sflag:s9] =	ssyncset.done $0x0  }
0x94: {  	s6 =	sadd.s32 $0x1E00, s21;
	[sflag:s9] =	ssyncadd.s32 $0xFFFFEC00  }
0x95: {  	[spmem:s2] =	stream.indirect.scatter.add.f32 [tilespmem:s29], [sflag:$0xA], $0x80, s6, s19, $0xb8;
	[tilespmem:$0x1D480] =	vst v63  }
0x96: {  	_ =	swait.ge [sflag:s11], $0x1400  }
0x97: {  	[sflag:s11] =	ssyncset.done $0x0  }
0x98: {  	s6 =	sadd.s32 $0x280, s21;
	[sflag:s11] =	ssyncadd.s32 $0xFFFFEC00  }
0x99: {  	[tilespmem:s20], [sflag:$0x1] =	stream.indirect.gather [hbm4b:s5+s19], $0x80, s6, s19, $0xb8;
	[tilespmem:$0x1D480] =	vst v63  }
0x9a: {  	_ =	swait.ge [sflag:s4], $0x1400  }
0x9b: {  	[sflag:s4] =	ssyncset.done $0x0  }
0x9c: {  	s6 =	sadd.s32 $0x300, s21;
	[sflag:s4] =	ssyncadd.s32 $0xFFFFEC00  }
0x9d: {  	[tilespmem:s22], [sflag:$0x2] =	stream.indirect.gather [hbm4b:s5+s19], $0x80, s6, s19, $0xb8;
	[tilespmem:$0x1D480] =	vst v63  }
0x9e: {  	_ =	swait.ge [sflag:s12], $0x1400  }
0x9f: {  	[sflag:s12] =	ssyncset.done $0x0  }
0xa0: {  	s6 =	sadd.s32 $0x380, s21;
	[sflag:s12] =	ssyncadd.s32 $0xFFFFEC00  }
0xa1: {  	[tilespmem:s24], [sflag:$0x3] =	stream.indirect.gather [hbm4b:s5+s19], $0x80, s6, s19, $0xb8;
	[tilespmem:$0x1D480] =	vst v63  }
0xa2: {  	_ =	swait.ge [sflag:s13], $0x1400  }
0xa3: {  	[sflag:s13] =	ssyncset.done $0x0  }
.Ltmp3:
0xa4: {  	s6 =	sadd.s32 $0x400, s21;
	[sflag:s13] =	ssyncadd.s32 $0xFFFFEC00;
	(pc) =	sbr.rel @p2 .LBB2_8-.Ltmp3, $4  }
0xa5: {  	[tilespmem:s26], [sflag:$0x4] =	stream.indirect.gather [hbm4b:s5+s19], $0x80, s6, s19, $0xb8;
	[tilespmem:$0x1D480] =	vst v63  }
0xa6: {  	_ =	swait.ge [sflag:s14], $0x1400  }
0xa7: {  	[sflag:s14] =	ssyncset.done $0x0  }
0xa8: {  	s21 =	sadd.s32 $0x480, s21;
	[sflag:s14] =	ssyncadd.s32 $0xFFFFEC00  }
0xa9: {  	[tilespmem:s29], [sflag:$0x5] =	stream.indirect.gather [hbm4b:s5+s19], $0x80, s21, s19, $0xb8;
	[tilespmem:$0x1D480] =	vst v63  }
0xaa: {  	_ =	swait.ge [sflag:s30], $0x1400  }
0xab: {  	[sflag:s30] =	ssyncset.done $0x0  }
0xac: {  	s6 =	simm.s32 $0x3280;
	[sflag:s30] =	ssyncadd.s32 $0xFFFFEC00  }
0xad: {  	[spmem:s2] =	stream.indirect.scatter.add.f32 [tilespmem:s20], [sflag:$0x6], $0x80, s6, s19, $0xb8;
	[tilespmem:$0x1D480] =	vst v63  }
0xae: {  	_ =	swait.ge [sflag:s31], $0x1400  }
0xaf: {  	[sflag:s31] =	ssyncset.done $0x0  }
0xb0: {  	s18 =	simm.s32 $0x3300;
	[sflag:s31] =	ssyncadd.s32 $0xFFFFEC00  }
0xb1: {  	[spmem:s2] =	stream.indirect.scatter.add.f32 [tilespmem:s22], [sflag:$0x7], $0x80, s18, s19, $0xb8;
	[tilespmem:$0x1D480] =	vst v63  }
0xb2: {  	_ =	swait.ge [sflag:s0], $0x1400  }
0xb3: {  	[sflag:s0] =	ssyncset.done $0x0  }
0xb4: {  	s21 =	simm.s32 $0x3380;
	[sflag:s0] =	ssyncadd.s32 $0xFFFFEC00  }
0xb5: {  	[spmem:s2] =	stream.indirect.scatter.add.f32 [tilespmem:s24], [sflag:$0x8], $0x80, s21, s19, $0xb8;
	[tilespmem:$0x1D480] =	vst v63  }
0xb6: {  	_ =	swait.ge [sflag:s1], $0x1400  }
0xb7: {  	[sflag:s1] =	ssyncset.done $0x0  }
0xb8: {  	s18 =	simm.s32 $0x3400;
	[sflag:s1] =	ssyncadd.s32 $0xFFFFEC00  }
0xb9: {  	[spmem:s2] =	stream.indirect.scatter.add.f32 [tilespmem:s26], [sflag:$0x9], $0x80, s18, s19, $0xb8;
	[tilespmem:$0x1D480] =	vst v63  }
0xba: {  	_ =	swait.ge [sflag:s9], $0x1400  }
0xbb: {  	[sflag:s9] =	ssyncset.done $0x0  }
0xbc: {  	s21 =	simm.s32 $0x3480;
	[sflag:s9] =	ssyncadd.s32 $0xFFFFEC00  }
0xbd: {  	[spmem:s2] =	stream.indirect.scatter.add.f32 [tilespmem:s29], [sflag:$0xA], $0x80, s21, s19, $0xb8;
	[tilespmem:$0x1D480] =	vst v63  }
0xbe: {  	_ =	swait.ge [sflag:s11], $0x1400  }
0xbf: {  	[sflag:s11] =	ssyncset.done $0x0  }
0xc0: {  	[sflag:s11] =	ssyncadd.s32 $0xFFFFEC00  }
0xc1: {  	_ =	swait.ge [sflag:s4], $0x1400  }
0xc2: {  	[sflag:s4] =	ssyncset.done $0x0  }
0xc3: {  	[sflag:s4] =	ssyncadd.s32 $0xFFFFEC00  }
0xc4: {  	_ =	swait.ge [sflag:s12], $0x1400  }
0xc5: {  	[sflag:s12] =	ssyncset.done $0x0  }
0xc6: {  	s3 =	sadd.s32 $0x1, s3;
	[sflag:s12] =	ssyncadd.s32 $0xFFFFEC00  }
0xc7: {  	p2 =	sne.s32 s3, $0x5;
	_ =	swait.ge [sflag:s13], $0x1400  }
.Ltmp4:
0xc8: {  	[sflag:s13] =	ssyncset.done $0x0;
	(pc) =	sbr.rel @p2 .LBB2_7-.Ltmp4, $4  }
0xc9: {  	[sflag:s13] =	ssyncadd.s32 $0xFFFFEC00  }
0xca: {  	_ =	swait.ge [sflag:s14], $0x1400  }
0xcb: {  	[sflag:s14] =	ssyncset.done $0x0  }
0xcc: {  	[sflag:s14] =	ssyncadd.s32 $0xFFFFEC00  }
.Ltmp5:
0xcd: {  	(pc) =	sbr.rel @!p1 .LBB2_11-.Ltmp5, $3  }
0xce: {  	_ =	sdelay $0x1  }
0xcf: {  	[bflag:$0x0] =	sbarrier.arrive $0xFFFF;
	s3 =	stileid.u32  }
0xd0: {  	p2 =	por $0x0, $0x0;
	s18 =	sshll.u32 s3, $0x6;
	s3 =	simm.s32 @!p0 $0xC  }
0xd1: {  	s21 =	simm.s32 @!p0 $0xC;
	s6 =	rddreg [dreg:$0xd]  }
0xd2: {  	s21 =	simm.s32 @p0 $0xB;
	s25 =	sadd.s32 $0xFFFFFFFF, s6  }
0xd3: {  	s7 =	rddreg [dreg:$0x4];
	s10 =	sadd.s32 s21, s18;
	p1 =	sne.s32 s25, $0x0  }
.Ltmp6:
0xd4: {  	s6 =	sadd.s32 $0x1C00, s10;
	s10 =	rddreg [dreg:$0xc];
	(pc) =	sbr.rel @!p1 .LBB2_13-.Ltmp6, $4  }
0xd5: {  	s23 =	sadd.s32 s7, s8;
	s28 =	sshrl.u32 s10, $0x3  }
0xd6: {  	[hbm:s23], [sflag:s6] =	dma.local [spmem:s28], $0xC80  }
0xd7: {  	p2 =	por $0x1, $0x1;
	_ =	swait.ge [sflag:s21], $0xC80  }
0xd8: {  	s23 =	sadd.s32 $0xC800, s7;
	s28 =	sadd.s32 $0x64000, s10;
	[sflag:s21] =	ssyncset.done $0x0  }
.LBB2_14:
0xd9: {  	[sflag:s21] =	ssyncadd.s32 $0xFFFFF380;
	s21 =	smov.u32 s3;
	s25 =	sadd.s32 $0xFFFFFFFF, s25  }
0xda: {  	s6 =	smov.u32 s18;
	s21 =	simm.s32 @p0 $0xB;
	p1 =	sne.s32 s25, $0x0  }
.Ltmp7:
0xdb: {  	s6 =	sadd.s32 s21, s6;
	(pc) =	sbr.rel @p1 .LBB2_14-.Ltmp7, $4  }
0xdc: {  	s7 =	sadd.s32 s23, s8;
	s10 =	sshrl.u32 s28, $0x3;
	s6 =	sadd.s32 $0x1C00, s6  }
0xdd: {  	[hbm:s7], [sflag:s6] =	dma.local [spmem:s10], $0xC80  }
0xde: {  	s23 =	sadd.s32 $0xC800, s23;
	_ =	swait.ge [sflag:s21], $0xC80  }
0xdf: {  	s28 =	sadd.s32 $0x64000, s28;
	[sflag:s21] =	ssyncset.done $0x0  }
0xe0: {  	s25 =	rddreg [dreg:$0x3]  }
.LBB2_16:
0xe1: {  	s3 =	simm.s32 @p0 $0xB  }
0xe2: {  	[sflag:s21] =	ssyncadd.s32 @p2 $0xFFFFF380;
	s6 =	sadd.s32 s3, s18  }
0xe3: {  	s7 =	sadd.s32 s23, s8;
	s10 =	sshrl.u32 s28, $0x3;
	s6 =	sadd.s32 $0x1C00, s6  }
0xe4: {  	[hbm:s7], [sflag:s6] =	dma.local [spmem:s10], $0xC80  }
0xe5: {  	_ =	swait.ge [sflag:s3], $0xC80  }
0xe6: {  	s25 =	sadd.s32 $0x1, s25;
	s28 =	rddreg [dreg:$0x9]  }
0xe7: {  	p1 =	sne.s32 s25, s28  }
.Ltmp8:
0xe8: {  	_ = 	snop;
	(pc) =	sbr.rel @p1 .LBB2_1-.Ltmp8, $4  }
.Ltmp9:
0xe9: {  	_ = 	snop;
	(pc) =	sbr.rel @!p1 .LBB2_17-.Ltmp9, $4  }
0xea: {  	_ = 	snop  }
0xeb: {  	[sflag:s3] =	ssyncset.done $0x0  }
0xec: {  	s7 =	simm.s32 $0x1C00;
	[sflag:s3] =	ssyncadd.s32 $0xFFFFF380  }
0xed: {  	_ = 	snop  }
.LBB2_11:
.Ltmp10:
0xee: {  	(pc) =	sbr.rel .LBB2_16-.Ltmp10, $4  }
0xef: {  	_ = 	snop  }
0xf0: {  	s23 =	rddreg [dreg:$0x4]  }
0xf1: {  	s28 =	rddreg [dreg:$0xc]  }
0xf2: {  	s25 =	rddreg [dreg:$0x3]  }
.LBB2_3:
.Ltmp11:
0xf3: {  	(pc) =	sbr.rel .LBB2_6-.Ltmp11, $2  }
0xf4: {  	_ =	sdelay $0x2  }
0xf5: {  	s7 =	simm.s32 $0x1C00  }
.LBB2_13:
.Ltmp12:
0xf6: {  	(pc) =	sbr.rel .LBB2_16-.Ltmp12, $2  }
0xf7: {  	_ =	sdelay $0x2  }
0xf8: {  	s25 =	rddreg [dreg:$0x3]  }
.LBB2_17:
0xf9: {  	_ =	sfence.sel $0x180000  }
0xfa: {  	[bflag:$0x0] =	sbarrier.arrive $0xFFFF  }
0xfb: {  	_ =	strace $0x9000004A  }
0xfc: {  	s0 =	stileid.u32;
	[bflag:$0x2] =	sbarrier.arrive $0xFFFF  }
0xfd: {  	p0 =	sne.s32 s0, $0x0;
	s0 =	rddreg [dreg:$0x2]  }
0xfe: {  	s0 =	sadd.s32 @!p0 $0x100000, s0  }
0xff: {  	[sflag:s0] =	ssyncadd.tile.s32 @!p0 $0x1;
	_ =	shalt  }
.Lfunc_end2:
_tile_overlayer_lowered:
.L_overlay_start_2:
0x100: {  	(tag) =	ssettag $0x2  }
0x101: {  	s0 =	rddreg [dreg:$0x0];
	s2 =	stileid.u32  }
0x102: {  	s1 =	rddreg [dreg:$0x1];
	p0 =	sne.s32 s2, $0x0  }
0x103: {  	s3 =	rddreg [dreg:$0x2];
	[bflag:$0x3] =	sbarrier.arrive $0xFFFF;
	s2 =	simm.s32 @!p0 $0x1C0B  }
0x104: {  	[timem:s3], [sflag:s2] =	dma.local @!p0 [hbm:s0], s1  }
0x105: {  	s0 =	simm.s32 @!p0 $0xB  }
0x106: {  	_ =	swait.ge @!p0 [sflag:s0], s1  }
0x107: {  	s1 =	ssub.s32 @!p0 $0x0, s1;
	[sflag:s0] =	ssyncset.done @!p0 $0x0  }
0x108: {  	[sflag:s0] =	ssyncadd.s32 @!p0 s1  }
0x109: {  	[bflag:$0x3] =	sbarrier.arrive $0xFFFF  }
0x10a: {  	_ =	shalt  }

// kernel: kernel.14.cloned.1.call-start
scs
__scs_entry_jumppad:
0x0: {  	(pc) =	sbr.rel $0x88, $3  }
0x1: {  	(tag) =	ssettag $0x0;
	lr =	simm.s32 $0x1  }
0x2: {  	[smem:$0x3F9B] =	sst lr;
	_ =	strace $0xD0000000  }
0x3: {  	_ = 	snop  }
0x4: {  	_ = 	snop  }
0x5: {  	_ = 	snop  }
0x6: {  	_ = 	snop  }
0x7: {  	_ = 	snop  }
__scs_overlays_trampoline_lowered:
0x8: {  	[smem:$0x3FAA] =	sst s0  }
0x9: {  	[smem:$0x3FAB] =	sst s1  }
0xa: {  	[smem:$0x3FAC] =	sst s2  }
0xb: {  	[smem:$0x3FAD] =	sst s3  }
0xc: {  	[smem:$0x3FAE] =	sst s4  }
0xd: {  	[smem:$0x3FAF] =	sst s5  }
0xe: {  	[smem:$0x3FB0] =	sst s6  }
0xf: {  	[smem:$0x3FB1] =	sst s7  }
0x10: {  	[smem:$0x3FB2] =	sst s8  }
0x11: {  	[smem:$0x3FB3] =	sst s9;
	s0 =	simm.s32 @!p0 $0x0  }
0x12: {  	s1 =	sld [smem:$0x3F99];
	s0 =	simm.s32 @p0 $0x1  }
0x13: {  	[smem:$0x3FB4] =	sst s0;
	s0 =	simm.s32 @!p1 $0x0  }
0x14: {  	s2 =	sld [smem:$0x3F98];
	s0 =	simm.s32 @p1 $0x1  }
0x15: {  	[smem:$0x3FB5] =	sst s0;
	s0 =	simm.s32 @!p2 $0x0  }
0x16: {  	s3 =	sld [smem:$0x3FDB];
	s0 =	simm.s32 @p2 $0x1  }
0x17: {  	s4 =	simm.s32 $0x1BF5;
	[smem:$0x3FB7] =	sst s0  }
0x18: {  	s0 =	sld [smem:$0x3F9A];
	_ =	swait.ge [sflag:s4], $0x0  }
0x19: {  	s7 =	sld [smem:$0x3F9B]  }
0x1a: {  	s8 =	sadd.s32 $0xFFFFE003, lr  }
0x1b: {  	s9 =	sadd.s32 $0xFFFFFEF7, lr;
	s5 =	simm.s32 $0xFFFFFFFF;
	p2 =	slt.u32 s8, $0xFFFFF086  }
0x1c: {  	p1 =	slt.u32 s9, $0xF7A;
	s5 =	simm.s32 @!p2 $0x0  }
0x1d: {  	s5 =	simm.s32 @p1 $0x1;
	p0 =	seq.s32 s7, s2  }
0x1e: {  	s7 =	smul.u32 @!p0 $0xF7A, s2;
	p2 =	seq.s32 @!p0 s5, $0x0  }
0x1f: {  	s9 =	smul.u32 $0xF7A, s1;
	s8 =	simm.s32 @!p0 $0x1BF5;
	p2 =	por !p2, p0  }
0x20: {  	[sflag:s8] =	ssyncset.s32 @!p0 $0xFFFFF086;
	s6 =	sadd.s32 @!p0 s3, s7;
	s7 =	simm.s32 @!p0 $0x108  }
0x21: {  	s3 =	sadd.s32 s3, s9;
	s6 =	sadd.s32 @!p0 $0x88, s6;
	s7 =	simm.s32 @p2 $0x1082  }
0x22: {  	[simem:s7], [sflag:s8] =	dma.local @!p0 [hbm:s6], $0xF7A  }
0x23: {  	s9 =	sor.u32 $0xD0000000, s2;
	s6 =	simm.s32 $0x108;
	_ =	swait.ge @!p0 [sflag:s8], $0x0  }
0x24: {  	s3 =	sadd.s32 $0x88, s3;
	s6 =	simm.s32 @!p1 $0x1082;
	[sflag:s4] =	ssyncset.s32 $0xFFFFF086  }
0x25: {  	[simem:s6], [sflag:s4] =	dma.local [hbm:s3], $0xF7A  }
0x26: {  	[smem:$0x3F9B] =	sst s1;
	(tag) =	ssettag s2;
	_ =	strace s9  }
0x27: {  	s1 =	sld [smem:$0x3FAB]  }
0x28: {  	s2 =	sld [smem:$0x3FAC]  }
0x29: {  	s4 =	sld [smem:$0x3FAE]  }
0x2a: {  	p0 =	seq.s32 s5, $0x0;
	s5 =	sld [smem:$0x3FAF]  }
0x2b: {  	s6 =	sld [smem:$0x3FB0]  }
0x2c: {  	s7 =	sld [smem:$0x3FB1]  }
0x2d: {  	s3 =	simm.s32 $0x108;
	s8 =	sld [smem:$0x3FB2]  }
0x2e: {  	s3 =	simm.s32 @!p0 $0x1082;
	s9 =	sld [smem:$0x3FB3]  }
0x2f: {  	lr =	sadd.s32 s0, s3;
	s0 =	sld [smem:$0x3FAA]  }
0x30: {  	s3 =	sld [smem:$0x3FAD]  }
0x31: {  	[smem:$0x3FB6] =	sst s10  }
0x32: {  	s10 =	sld [smem:$0x3FB4];
	_ =	sdelay $0x3  }
0x33: {  	p0 =	seq.s32 s10, $0x1;
	s10 =	sld [smem:$0x3FB6];
	_ =	sdelay $0x3  }
0x34: {  	[smem:$0x3FB6] =	sst s10  }
0x35: {  	s10 =	sld [smem:$0x3FB5];
	_ =	sdelay $0x3  }
0x36: {  	p1 =	seq.s32 s10, $0x1;
	s10 =	sld [smem:$0x3FB6];
	_ =	sdelay $0x3  }
0x37: {  	[smem:$0x3FB6] =	sst s10  }
0x38: {  	s10 =	sld [smem:$0x3FB7]  }
0x39: {  	_ = 	snop;
	(pc) =	sbr.ind lr, $3  }
0x3a: {  	_ = 	snop  }
0x3b: {  	_ = 	snop  }
0x3c: {  	p2 =	seq.s32 s10, $0x1;
	s10 =	sld [smem:$0x3FB6]  }
0x3d: {  	_ =	shalt  }
0x3e: {  	_ =	shalt  }
0x3f: {  	_ =	shalt  }
0x40: {  	_ =	shalt  }
0x41: {  	_ =	shalt  }
0x42: {  	_ =	shalt  }
0x43: {  	_ =	shalt  }
0x44: {  	_ =	shalt  }
0x45: {  	_ =	shalt  }
0x46: {  	_ =	shalt  }
0x47: {  	_ =	shalt  }
0x48: {  	_ =	shalt  }
0x49: {  	_ =	shalt  }
0x4a: {  	_ =	shalt  }
0x4b: {  	_ =	shalt  }
0x4c: {  	_ =	shalt  }
0x4d: {  	_ =	shalt  }
0x4e: {  	_ =	shalt  }
0x4f: {  	_ =	shalt  }
0x50: {  	_ =	shalt  }
0x51: {  	_ =	shalt  }
0x52: {  	_ =	shalt  }
0x53: {  	_ =	shalt  }
0x54: {  	_ =	shalt  }
0x55: {  	_ =	shalt  }
0x56: {  	_ =	shalt  }
0x57: {  	_ =	shalt  }
0x58: {  	_ =	shalt  }
0x59: {  	_ =	shalt  }
0x5a: {  	_ =	shalt  }
0x5b: {  	_ =	shalt  }
0x5c: {  	_ =	shalt  }
0x5d: {  	_ =	shalt  }
0x5e: {  	_ =	shalt  }
0x5f: {  	_ =	shalt  }
0x60: {  	_ =	shalt  }
0x61: {  	_ =	shalt  }
0x62: {  	_ =	shalt  }
0x63: {  	_ =	shalt  }
0x64: {  	_ =	shalt  }
0x65: {  	_ =	shalt  }
0x66: {  	_ =	shalt  }
0x67: {  	_ =	shalt  }
0x68: {  	_ =	shalt  }
0x69: {  	_ =	shalt  }
0x6a: {  	_ =	shalt  }
0x6b: {  	_ =	shalt  }
0x6c: {  	_ =	shalt  }
0x6d: {  	_ =	shalt  }
0x6e: {  	_ =	shalt  }
0x6f: {  	_ =	shalt  }
0x70: {  	_ =	shalt  }
0x71: {  	_ =	shalt  }
0x72: {  	_ =	shalt  }
0x73: {  	_ =	shalt  }
0x74: {  	_ =	shalt  }
0x75: {  	_ =	shalt  }
0x76: {  	_ =	shalt  }
0x77: {  	_ =	shalt  }
0x78: {  	_ =	shalt  }
0x79: {  	_ =	shalt  }
0x7a: {  	_ =	shalt  }
0x7b: {  	_ =	shalt  }
0x7c: {  	_ =	shalt  }
0x7d: {  	_ =	shalt  }
0x7e: {  	_ =	shalt  }
0x7f: {  	_ =	shalt  }
0x80: {  	_ =	shalt  }
0x81: {  	_ =	shalt  }
0x82: {  	_ =	shalt  }
0x83: {  	_ =	shalt  }
0x84: {  	_ =	shalt  }
0x85: {  	_ =	shalt  }
0x86: {  	_ =	shalt  }
0x87: {  	_ =	shalt  }
.Lfunc_end0:
.L_simem_size_0:
called_computation.2_lowered:
.L_overlay_start_0:
0x88: {  	s2 =	sld [smem:$0x3FD9]  }
0x89: {  	s3 =	sld [smem:$0x3FFE];
	_ =	sdelay $0x1  }
0x8a: {  	s1 =	srdreg.scid  }
0x8b: {  	s0 =	sand.u32 $0x1, s1  }
0x8c: {  	s16 =	sshll.u32 s0, $0xA;
	s2 =	sadd.s32 s3, s2  }
0x8d: {  	s2 =	sadd.s32 s2, s16  }
0x8e: {  	[smem:$0x3FC2] =	sst s2  }
0x8f: {  	_ = 	snop  }
0x90: {  	(tm) =	ssettm $0x1  }
0x91: {  	s17 =	sld [smem:$0x3FFB];
	_ =	sdelay $0x3  }
0x92: {  	_ =	strace s17  }
0x93: {  	s2 =	sld [smem:$0x3FFC];
	_ =	sdelay $0x3  }
0x94: {  	_ =	strace s2  }
0x95: {  	s2 =	sld [smem:$0x3FFD];
	_ =	sdelay $0x3  }
0x96: {  	_ =	strace s2  }
0x97: {  	_ =	strace $0x8FFFFFFF  }
0x98: {  	s18 =	sld [smem:$0x3FDB];
	_ =	sdelay $0x1  }
0x99: {  	s19 =	simm.s32 $_scs_section_size  }
0x9a: {  	s4 =	simm.s32 $_size__tile_overlayer_lowered;
	s5 =	simm.s32 $_tile_overlayer_lowered  }
0x9b: {  	s22 =	simm.s32 $0x1BFF;
	s21 =	sshll.u32 s5, $0x1;
	s2 =	sadd.s32 s19, s18  }
0x9c: {  	s6 =	simm.s32 $0x0;
	s20 =	sshll.u32 s4, $0x1;
	s4 =	sadd.s32 s21, s2  }
0x9d: {  	[timem:s6], [sflag:s22] =	dma.local [hbm:s4], s20  }
0x9e: {  	_ =	swait.ge [sflag:s22], s20  }
0x9f: {  	s3 =	ssub.s32 $0x0, s20;
	[sflag:s22] =	ssyncset.done $0x0  }
0xa0: {  	[sflag:s22] =	ssyncadd.s32 s3;
	_ =	sdelay $0x1  }
0xa1: {  	s23 =	simm.s32 $0x1B8B  }
0xa2: {  	_ =	swait.ge [sflag:s23], $0x1  }
0xa3: {  	[sflag:s23] =	ssyncset.done $0x0  }
0xa4: {  	s25 =	simm.s32 $0x1B8E;
	s24 =	sld [smem:$0x3FFE];
	[sflag:s23] =	ssyncadd.s32 $0xFFFFFFFF  }
0xa5: {  	s26 =	simm.s32 $execute0_lowered;
	[smem:$0x3FD2] =	sst s25  }
0xa6: {  	s4 =	sshll.u32 s26, $0x1;
	_ =	strace $0x8000004C;
	[dreg:$0x1] =	wrdreg $0xFFFFFFFF  }
0xa7: {  	s28 =	simm.s32 $_size_execute0_lowered;
	s2 =	sadd.s32 s2, s4;
	[dreg:$0x0] =	wrdreg $0x0  }
0xa8: {  	s4 =	sshll.u32 s28, $0x1;
	[dreg:$0x2] =	wrdreg s2  }
0xa9: {  	[dreg:$0x3] =	wrdreg s4  }
0xaa: {  	[dreg:$0x4] =	wrdreg $0xC0  }
0xab: {  	_ =	task [dreg:s6], $0x5FFFF  }
0xac: {  	[dreg:$0x1] =	wrdreg $0xFFFFFFFF  }
0xad: {  	[dreg:$0x0] =	wrdreg $0x60  }
0xae: {  	[dreg:$0x2] =	wrdreg s24  }
0xaf: {  	[dreg:$0x3] =	wrdreg $0x9C000  }
0xb0: {  	[dreg:$0x4] =	wrdreg $0x9  }
0xb1: {  	_ =	task.clear_ibuf [dreg:s6], $0x5FFFF;
	_ =	strace $0x9000004C  }
0xb2: {  	s29 =	simm.s32 $0x9;
	_ =	strace $0x8000004E  }
0xb3: {  	_ =	swait.ge [sflag:s29], $0x1  }
0xb4: {  	[sflag:s29] =	ssyncadd.s32 $0xFFFFFFFF  }
0xb5: {  	_ =	strace $0x9000004E  }
0xb6: {  	_ =	sfence  }
0xb7: {  	s30 =	sld [smem:$0x0];
	_ =	sdelay $0x2  }
0xb8: {  	s31 =	sshll.u32 s1, $0xD;
	s1 =	sshrl.u32 s1, $0x2  }
0xb9: {  	s3 =	sand.u32 $0x4000, s31;
	s1 =	sadd.s32 s1, s30  }
0xba: {  	s0 =	sor.u32 s3, s0;
	s1 =	sshll.u32 s1, $0x11  }
0xbb: {  	s0 =	sor.u32 s1, s0  }
0xbc: {  	s0 =	sadd.s32 $0x8F2B, s0  }
0xbd: {  	[sflag:s0] =	ssyncadd.remote.s32 $0x1  }
0xbe: {  	_ =	sfence.sel $0xFFFF  }
0xbf: {  	[dreg:$0x0] =	wrdreg $0xFFFFFFFF;
	(pc) =	sbr.abs _section_cstart, $3  }
0xc0: {  	[dreg:$0x1] =	wrdreg $0xFFFFFFFF  }
0xc1: {  	_ =	task.clear_ibuf [dreg:s6], $0x2FFFF;
	_ =	strace $0x9FFFFFFF  }
0xc2: {  	(tm) =	ssettm $0x7FFFFFFF  }
0xc3: {  	_ =	shalt  }
tec
execute0_lowered:
.L_overlay_start_1:
0x0: {  	(tag) =	ssettag $0x1  }
0x1: {  	s0 =	rddreg [dreg:$0x0]  }
0x2: {  	s2 =	rddreg [dreg:$0x1]  }
0x3: {  	s25 =	simm.s32 $0x0;
	s6 =	stileid.u32;
	s1 =	srdreg.scid  }
0x4: {  	s17 =	simm.s32 $0xB;
	s7 =	simm.s32 $0x1C00;
	s19 =	simm.s32 $0x28  }
0x5: {  	s20 =	simm.s32 $0x3800;
	s29 =	simm.s32 $0x8800;
	s30 =	simm.s32 $0x1  }
0x6: {  	s31 =	simm.s32 $0x2;
	s13 =	simm.s32 $0x9;
	s14 =	simm.s32 $0xA  }
0x7: {  	[smem:$0x7FF] =	sst s25;
	s12 =	smul.u32 $0xC80, s6;
	s5 =	sadd.s32 $0x69E00, s0  }
0x8: {  	s3 =	sadd.s32 $0x46E00, s0;
	s1 =	sand.u32 $0x1, s1;
	s21 =	sadd.s32 $0x23E00, s0  }
0x9: {  	s8 =	sadd.s32 $0xB8200, s0;
	_ =	strace $0x8000004D;
	[dreg:$0x5] =	wrdreg s3  }
0xa: {  	s10 =	ssub.s32 $0x41, s6;
	s11 =	smul.u32 $0x19000, s6;
	[dreg:$0x6] =	wrdreg s21  }
0xb: {  	s4 =	ssub.s32 $0x2, s1;
	s23 =	sshll.u32 s1, $0x4;
	s10 =	sshrl.u32 s10, $0x4  }
0xc: {  	p0 =	sne.s32 s1, $0x0;
	s22 =	sadd.s32 s12, s0;
	[dreg:$0x7] =	wrdreg s10  }
0xd: {  	s0 =	sadd.s32 $0xDF400, s0;
	s9 =	sshrl.u32 s4, $0x1;
	[dreg:$0x4] =	wrdreg s12  }
0xe: {  	s24 =	sadd.s32 s12, s5;
	s26 =	sshrl.u32 s11, $0x2;
	s1 =	sshll.u32 @p0 s6, $0x6  }
0xf: {  	s11 =	simm.s32 $0x6;
	s12 =	simm.s32 $0x8;
	s4 =	ssub.s32 s4, s9  }
0x10: {  	s9 =	sor.u32 s6, s23;
	s3 =	sadd.s32 $0x91000, s22;
	[dreg:$0xb] =	wrdreg s24  }
0x11: {  	s28 =	sadd.s32 s26, s2;
	s15 =	sor.u32 @p0 $0x1C0B, s1;
	s22 =	simm.s32 $0x4C00  }
0x12: {  	s24 =	simm.s32 $0x6000;
	s8 =	smov.u32 @p0 s0;
	s26 =	simm.s32 $0x7400  }
0x13: {  	s0 =	simm.s32 $0x3;
	s9 =	smul.u32 $0x8C00, s9;
	[dreg:$0xa] =	wrdreg s3  }
0x14: {  	s4 =	smax.u32 s4, $0x1;
	[dreg:$0xc] =	wrdreg s28;
	s3 =	sshll.u32 @!p0 s6, $0x6  }
0x15: {  	s1 =	simm.s32 $0x4;
	[dreg:$0x9] =	wrdreg s4;
	s16 =	sor.u32 @!p0 $0x1C0C, s3  }
0x16: {  	s4 =	simm.s32 $0x7;
	[dreg:$0x8] =	wrdreg s9;
	s9 =	simm.s32 $0x5  }
.LBB2_1:
0x17: {  	s3 =	rddreg [dreg:$0x7]  }
0x18: {  	s3 =	sadd.s32 $0xFFFFFFFF, s3  }
0x19: {  	[dreg:$0x3] =	wrdreg s25;
	p1 =	sne.s32 s3, $0x0  }
.Ltmp0:
0x1a: {  	s21 =	rddreg [dreg:$0xc];
	(pc) =	sbr.rel @!p1 .LBB2_6-.Ltmp0, $4  }
0x1b: {  	s23 =	rddreg [dreg:$0xa]  }
0x1c: {  	s18 =	rddreg [dreg:$0xb]  }
0x1d: {  	s10 =	rddreg [dreg:$0x5]  }
0x1e: {  	p2 =	por $0x0, $0x0;
	[dreg:$0xd] =	wrdreg s3  }
0x1f: {  	s7 =	rddreg [dreg:$0xc]  }
0x20: {  	s28 =	simm.s32 @p0 $0xB;
	s6 =	rddreg [dreg:$0xa];
	s3 =	sshrl.u32 @p0 s7, $0x3  }
0x21: {  	[spmem:s3], [sflag:s15] =	dma.local @p0 [hbm:s6], $0xC80  }
0x22: {  	_ =	swait.ge @p0 [sflag:s28], $0xC80  }
0x23: {  	[sflag:s28] =	ssyncset.done @p0 $0x0  }
0x24: {  	s18 =	sshrl.u32 @!p0 s7, $0x3;
	s21 =	rddreg [dreg:$0xb];
	[sflag:s28] =	ssyncadd.s32 @p0 $0xFFFFF380  }
0x25: {  	[spmem:s18], [sflag:s16] =	dma.local @!p0 [hbm:s21], $0xC80  }
0x26: {  	s18 =	rddreg [dreg:$0xd]  }
0x27: {  	s25 =	sadd.s32 $0xFFFFFFFF, s18  }
0x28: {  	p3 =	sne.s32 s25, $0x0  }
.Ltmp1:
0x29: {  	_ = 	snop;
	(pc) =	sbr.rel @!p3 .LBB2_3-.Ltmp1, $4  }
0x2a: {  	_ = 	snop  }
0x2b: {  	s3 =	simm.s32 @!p0 $0xC  }
0x2c: {  	p2 =	por $0x1, $0x1;
	s23 =	sadd.s32 $0xC800, s6;
	_ =	swait.ge @!p0 [sflag:s3], $0xC80  }
0x2d: {  	s18 =	sadd.s32 $0xC800, s21;
	[sflag:s3] =	ssyncset.done @!p0 $0x0;
	s21 =	sadd.s32 $0x64000, s7  }
.LBB2_4:
0x2e: {  	s6 =	sshrl.u32 @p0 s21, $0x3;
	[sflag:s3] =	ssyncadd.s32 @!p0 $0xFFFFF380;
	s25 =	sadd.s32 $0xFFFFFFFF, s25  }
0x2f: {  	[spmem:s6], [sflag:s15] =	dma.local @p0 [hbm:s23], $0xC80  }
0x30: {  	p3 =	sne.s32 s25, $0x0;
	_ =	swait.ge @p0 [sflag:s28], $0xC80  }
.Ltmp2:
0x31: {  	[sflag:s28] =	ssyncset.done @p0 $0x0;
	(pc) =	sbr.rel @p3 .LBB2_4-.Ltmp2, $4  }
0x32: {  	s6 =	sshrl.u32 @!p0 s21, $0x3;
	[sflag:s28] =	ssyncadd.s32 @p0 $0xFFFFF380  }
0x33: {  	[spmem:s6], [sflag:s16] =	dma.local @!p0 [hbm:s18], $0xC80  }
0x34: {  	s18 =	sadd.s32 $0xC800, s18;
	_ =	swait.ge @!p0 [sflag:s3], $0xC80  }
0x35: {  	s23 =	sadd.s32 $0xC800, s23;
	s21 =	sadd.s32 $0x64000, s21;
	[sflag:s3] =	ssyncset.done @!p0 $0x0  }
0x36: {  	s7 =	simm.s32 $0x1C00  }
.LBB2_6:
0x37: {  	p2 =	por p0, !p2  }
0x38: {  	s6 =	sshrl.u32 @p0 s21, $0x3;
	s25 =	simm.s32 @p0 $0xB;
	[sflag:s3] =	ssyncadd.s32 @!p2 $0xFFFFF380  }
0x39: {  	[spmem:s6], [sflag:s15] =	dma.local @p0 [hbm:s23], $0xC80  }
0x3a: {  	_ =	swait.ge @p0 [sflag:s25], $0xC80  }
0x3b: {  	[sflag:s25] =	ssyncset.done @p0 $0x0  }
0x3c: {  	s3 =	sshrl.u32 @!p0 s21, $0x3;
	s6 =	simm.s32 @!p0 $0xC;
	[sflag:s25] =	ssyncadd.s32 @p0 $0xFFFFF380  }
0x3d: {  	[spmem:s3], [sflag:s16] =	dma.local @!p0 [hbm:s18], $0xC80  }
0x3e: {  	_ =	swait.ge @!p0 [sflag:s6], $0xC80  }
0x3f: {  	[sflag:s6] =	ssyncset.done @!p0 $0x0  }
0x40: {  	[sflag:s6] =	ssyncadd.s32 @!p0 $0xFFFFF380  }
0x41: {  	[bflag:$0x0] =	sbarrier.arrive $0xFFFF  }
0x42: {  	s23 =	rddreg [dreg:$0x6]  }
0x43: {  	s28 =	simm.s32 $0x0;
	s3 =	simm.s32 $0x0;
	s25 =	rddreg [dreg:$0x8]  }
.LBB2_7:
0x44: {  	s6 =	smul.u32 $0x1C00, s3;
	_ =	sdelay $0x1  }
0x45: {  	s6 =	sadd.s32 s25, s6  }
0x46: {  	s6 =	sshrl.u32 s6, $0x3  }
0x47: {  	s18 =	sadd.s32 s10, s6  }
0x48: {  	[tilespmem:s28], [sflag:$0xB] =	stream.linear.gather [hbm4b:s18+s28], $0x1900, $0x38;
	[tilespmem:$0x1D480] =	vst v63  }
0x49: {  	_ =	swait.ge [sflag:s17], $0x1900  }
0x4a: {  	[sflag:s17] =	ssyncset.done $0x0  }
0x4b: {  	s6 =	sadd.s32 s23, s6;
	[sflag:s17] =	ssyncadd.s32 $0xFFFFE700  }
0x4c: {  	[tilespmem:s7], [sflag:$0xB] =	stream.linear.gather [hbm4b:s6+s28], $0x1900, $0x38;
	[tilespmem:$0x1D480] =	vst v63  }
0x4d: {  	_ =	swait.ge [sflag:s17], $0x1900  }
0x4e: {  	[sflag:s17] =	ssyncset.done $0x0  }
0x4f: {  	[sflag:s17] =	ssyncadd.s32 $0xFFFFE700  }
0x50: {  	[tilespmem:s20], [sflag:$0x1] =	stream.indirect.gather [hbm4b:s5+s19], $0x80, s28, s19, $0xb8;
	[tilespmem:$0x1D480] =	vst v63  }
0x51: {  	s21 =	simm.s32 $0x80  }
0x52: {  	[tilespmem:s22], [sflag:$0x2] =	stream.indirect.gather [hbm4b:s5+s19], $0x80, s21, s19, $0xb8;
	[tilespmem:$0x1D480] =	vst v63  }
0x53: {  	s18 =	simm.s32 $0x100  }
0x54: {  	[tilespmem:s24], [sflag:$0x3] =	stream.indirect.gather [hbm4b:s5+s19], $0x80, s18, s19, $0xb8;
	[tilespmem:$0x1D480] =	vst v63  }
0x55: {  	s21 =	simm.s32 $0x180  }
0x56: {  	[tilespmem:s26], [sflag:$0x4] =	stream.indirect.gather [hbm4b:s5+s19], $0x80, s21, s19, $0xb8;
	[tilespmem:$0x1D480] =	vst v63  }
0x57: {  	s18 =	simm.s32 $0x200  }
0x58: {  	[tilespmem:s29], [sflag:$0x5] =	stream.indirect.gather [hbm4b:s5+s19], $0x80, s18, s19, $0xb8;
	[tilespmem:$0x1D480] =	vst v63  }
0x59: {  	_ =	swait.ge [sflag:s30], $0x1400  }
0x5a: {  	[sflag:s30] =	ssyncset.done $0x0  }
0x5b: {  	s21 =	simm.s32 $0x1C00;
	[sflag:s30] =	ssyncadd.s32 $0xFFFFEC00  }
0x5c: {  	[spmem:s2] =	stream.indirect.scatter.add.f32 [tilespmem:s20], [sflag:$0x6], $0x80, s21, s19, $0xb8;
	[tilespmem:$0x1D480] =	vst v63  }
0x5d: {  	_ =	swait.ge [sflag:s31], $0x1400  }
0x5e: {  	[sflag:s31] =	ssyncset.done $0x0  }
0x5f: {  	s18 =	simm.s32 $0x1C80;
	[sflag:s31] =	ssyncadd.s32 $0xFFFFEC00  }
0x60: {  	[spmem:s2] =	stream.indirect.scatter.add.f32 [tilespmem:s22], [sflag:$0x7], $0x80, s18, s19, $0xb8;
	[tilespmem:$0x1D480] =	vst v63  }
0x61: {  	_ =	swait.ge [sflag:s0], $0x1400  }
0x62: {  	[sflag:s0] =	ssyncset.done $0x0  }
0x63: {  	s21 =	simm.s32 $0x1D00;
	[sflag:s0] =	ssyncadd.s32 $0xFFFFEC00  }
0x64: {  	[spmem:s2] =	stream.indirect.scatter.add.f32 [tilespmem:s24], [sflag:$0x8], $0x80, s21, s19, $0xb8;
	[tilespmem:$0x1D480] =	vst v63  }
0x65: {  	_ =	swait.ge [sflag:s1], $0x1400  }
0x66: {  	[sflag:s1] =	ssyncset.done $0x0  }
0x67: {  	s18 =	simm.s32 $0x1D80;
	[sflag:s1] =	ssyncadd.s32 $0xFFFFEC00  }
0x68: {  	[spmem:s2] =	stream.indirect.scatter.add.f32 [tilespmem:s26], [sflag:$0x9], $0x80, s18, s19, $0xb8;
	[tilespmem:$0x1D480] =	vst v63  }
0x69: {  	_ =	swait.ge [sflag:s9], $0x1400  }
0x6a: {  	[sflag:s9] =	ssyncset.done $0x0  }
0x6b: {  	s21 =	simm.s32 $0x1E00;
	[sflag:s9] =	ssyncadd.s32 $0xFFFFEC00  }
0x6c: {  	[spmem:s2] =	stream.indirect.scatter.add.f32 [tilespmem:s29], [sflag:$0xA], $0x80, s21, s19, $0xb8;
	[tilespmem:$0x1D480] =	vst v63  }
0x6d: {  	_ =	swait.ge [sflag:s11], $0x1400  }
0x6e: {  	[sflag:s11] =	ssyncset.done $0x0  }
0x6f: {  	s18 =	simm.s32 $0x280;
	[sflag:s11] =	ssyncadd.s32 $0xFFFFEC00  }
0x70: {  	[tilespmem:s20], [sflag:$0x1] =	stream.indirect.gather [hbm4b:s5+s19], $0x80, s18, s19, $0xb8;
	[tilespmem:$0x1D480] =	vst v63  }
0x71: {  	_ =	swait.ge [sflag:s4], $0x1400  }
0x72: {  	[sflag:s4] =	ssyncset.done $0x0  }
0x73: {  	s21 =	simm.s32 $0x300;
	[sflag:s4] =	ssyncadd.s32 $0xFFFFEC00  }
0x74: {  	[tilespmem:s22], [sflag:$0x2] =	stream.indirect.gather [hbm4b:s5+s19], $0x80, s21, s19, $0xb8;
	[tilespmem:$0x1D480] =	vst v63  }
0x75: {  	_ =	swait.ge [sflag:s12], $0x1400  }
0x76: {  	[sflag:s12] =	ssyncset.done $0x0  }
0x77: {  	s18 =	simm.s32 $0x380;
	[sflag:s12] =	ssyncadd.s32 $0xFFFFEC00  }
0x78: {  	[tilespmem:s24], [sflag:$0x3] =	stream.indirect.gather [hbm4b:s5+s19], $0x80, s18, s19, $0xb8;
	[tilespmem:$0x1D480] =	vst v63  }
0x79: {  	_ =	swait.ge [sflag:s13], $0x1400  }
0x7a: {  	[sflag:s13] =	ssyncset.done $0x0  }
0x7b: {  	s21 =	simm.s32 $0x400;
	[sflag:s13] =	ssyncadd.s32 $0xFFFFEC00  }
0x7c: {  	[tilespmem:s26], [sflag:$0x4] =	stream.indirect.gather [hbm4b:s5+s19], $0x80, s21, s19, $0xb8;
	[tilespmem:$0x1D480] =	vst v63  }
0x7d: {  	_ =	swait.ge [sflag:s14], $0x1400  }
0x7e: {  	[sflag:s14] =	ssyncset.done $0x0  }
0x7f: {  	s18 =	simm.s32 $0xA00;
	s21 =	simm.s32 $0x480;
	[sflag:s14] =	ssyncadd.s32 $0xFFFFEC00  }
.LBB2_8:
0x80: {  	[tilespmem:s29], [sflag:$0x5] =	stream.indirect.gather [hbm4b:s5+s19], $0x80, s21, s19, $0xb8;
	[tilespmem:$0x1D480] =	vst v63  }
0x81: {  	s6 =	smov.u32 s18  }
0x82: {  	p2 =	sne.s32 s18, $0x5000;
	s18 =	sadd.s32 $0xA00, s18;
	_ =	swait.ge [sflag:s30], $0x1400  }
0x83: {  	s21 =	sshra.s32 s6, $0x2;
	[sflag:s30] =	ssyncset.done $0x0  }
0x84: {  	s6 =	sadd.s32 $0x1C00, s21;
	[sflag:s30] =	ssyncadd.s32 $0xFFFFEC00  }
0x85: {  	[spmem:s2] =	stream.indirect.scatter.add.f32 [tilespmem:s20], [sflag:$0x6], $0x80, s6, s19, $0xb8;
	[tilespmem:$0x1D480] =	vst v63  }
0x86: {  	_ =	swait.ge [sflag:s31], $0x1400  }
0x87: {  	[sflag:s31] =	ssyncset.done $0x0  }
0x88: {  	s6 =	sadd.s32 $0x1C80, s21;
	[sflag:s31] =	ssyncadd.s32 $0xFFFFEC00  }
0x89: {  	[spmem:s2] =	stream.indirect.scatter.add.f32 [tilespmem:s22], [sflag:$0x7], $0x80, s6, s19, $0xb8;
	[tilespmem:$0x1D480] =	vst v63  }
0x8a: {  	_ =	swait.ge [sflag:s0], $0x1400  }
0x8b: {  	[sflag:s0] =	ssyncset.done $0x0  }
0x8c: {  	s6 =	sadd.s32 $0x1D00, s21;
	[sflag:s0] =	ssyncadd.s32 $0xFFFFEC00  }
0x8d: {  	[spmem:s2] =	stream.indirect.scatter.add.f32 [tilespmem:s24], [sflag:$0x8], $0x80, s6, s19, $0xb8;
	[tilespmem:$0x1D480] =	vst v63  }
0x8e: {  	_ =	swait.ge [sflag:s1], $0x1400  }
0x8f: {  	[sflag:s1] =	ssyncset.done $0x0  }
0x90: {  	s6 =	sadd.s32 $0x1D80, s21;
	[sflag:s1] =	ssyncadd.s32 $0xFFFFEC00  }
0x91: {  	[spmem:s2] =	stream.indirect.scatter.add.f32 [tilespmem:s26], [sflag:$0x9], $0x80, s6, s19, $0xb8;
	[tilespmem:$0x1D480] =	vst v63  }
0x92: {  	_ =	swait.ge [sflag:s9], $0x1400  }
0x93: {  	[sflag:s9] =	ssyncset.done $0x0  }
0x94: {  	s6 =	sadd.s32 $0x1E00, s21;
	[sflag:s9] =	ssyncadd.s32 $0xFFFFEC00  }
0x95: {  	[spmem:s2] =	stream.indirect.scatter.add.f32 [tilespmem:s29], [sflag:$0xA], $0x80, s6, s19, $0xb8;
	[tilespmem:$0x1D480] =	vst v63  }
0x96: {  	_ =	swait.ge [sflag:s11], $0x1400  }
0x97: {  	[sflag:s11] =	ssyncset.done $0x0  }
0x98: {  	s6 =	sadd.s32 $0x280, s21;
	[sflag:s11] =	ssyncadd.s32 $0xFFFFEC00  }
0x99: {  	[tilespmem:s20], [sflag:$0x1] =	stream.indirect.gather [hbm4b:s5+s19], $0x80, s6, s19, $0xb8;
	[tilespmem:$0x1D480] =	vst v63  }
0x9a: {  	_ =	swait.ge [sflag:s4], $0x1400  }
0x9b: {  	[sflag:s4] =	ssyncset.done $0x0  }
0x9c: {  	s6 =	sadd.s32 $0x300, s21;
	[sflag:s4] =	ssyncadd.s32 $0xFFFFEC00  }
0x9d: {  	[tilespmem:s22], [sflag:$0x2] =	stream.indirect.gather [hbm4b:s5+s19], $0x80, s6, s19, $0xb8;
	[tilespmem:$0x1D480] =	vst v63  }
0x9e: {  	_ =	swait.ge [sflag:s12], $0x1400  }
0x9f: {  	[sflag:s12] =	ssyncset.done $0x0  }
0xa0: {  	s6 =	sadd.s32 $0x380, s21;
	[sflag:s12] =	ssyncadd.s32 $0xFFFFEC00  }
0xa1: {  	[tilespmem:s24], [sflag:$0x3] =	stream.indirect.gather [hbm4b:s5+s19], $0x80, s6, s19, $0xb8;
	[tilespmem:$0x1D480] =	vst v63  }
0xa2: {  	_ =	swait.ge [sflag:s13], $0x1400  }
0xa3: {  	[sflag:s13] =	ssyncset.done $0x0  }
.Ltmp3:
0xa4: {  	s6 =	sadd.s32 $0x400, s21;
	[sflag:s13] =	ssyncadd.s32 $0xFFFFEC00;
	(pc) =	sbr.rel @p2 .LBB2_8-.Ltmp3, $4  }
0xa5: {  	[tilespmem:s26], [sflag:$0x4] =	stream.indirect.gather [hbm4b:s5+s19], $0x80, s6, s19, $0xb8;
	[tilespmem:$0x1D480] =	vst v63  }
0xa6: {  	_ =	swait.ge [sflag:s14], $0x1400  }
0xa7: {  	[sflag:s14] =	ssyncset.done $0x0  }
0xa8: {  	s21 =	sadd.s32 $0x480, s21;
	[sflag:s14] =	ssyncadd.s32 $0xFFFFEC00  }
0xa9: {  	[tilespmem:s29], [sflag:$0x5] =	stream.indirect.gather [hbm4b:s5+s19], $0x80, s21, s19, $0xb8;
	[tilespmem:$0x1D480] =	vst v63  }
0xaa: {  	_ =	swait.ge [sflag:s30], $0x1400  }
0xab: {  	[sflag:s30] =	ssyncset.done $0x0  }
0xac: {  	s6 =	simm.s32 $0x3280;
	[sflag:s30] =	ssyncadd.s32 $0xFFFFEC00  }
0xad: {  	[spmem:s2] =	stream.indirect.scatter.add.f32 [tilespmem:s20], [sflag:$0x6], $0x80, s6, s19, $0xb8;
	[tilespmem:$0x1D480] =	vst v63  }
0xae: {  	_ =	swait.ge [sflag:s31], $0x1400  }
0xaf: {  	[sflag:s31] =	ssyncset.done $0x0  }
0xb0: {  	s18 =	simm.s32 $0x3300;
	[sflag:s31] =	ssyncadd.s32 $0xFFFFEC00  }
0xb1: {  	[spmem:s2] =	stream.indirect.scatter.add.f32 [tilespmem:s22], [sflag:$0x7], $0x80, s18, s19, $0xb8;
	[tilespmem:$0x1D480] =	vst v63  }
0xb2: {  	_ =	swait.ge [sflag:s0], $0x1400  }
0xb3: {  	[sflag:s0] =	ssyncset.done $0x0  }
0xb4: {  	s21 =	simm.s32 $0x3380;
	[sflag:s0] =	ssyncadd.s32 $0xFFFFEC00  }
0xb5: {  	[spmem:s2] =	stream.indirect.scatter.add.f32 [tilespmem:s24], [sflag:$0x8], $0x80, s21, s19, $0xb8;
	[tilespmem:$0x1D480] =	vst v63  }
0xb6: {  	_ =	swait.ge [sflag:s1], $0x1400  }
0xb7: {  	[sflag:s1] =	ssyncset.done $0x0  }
0xb8: {  	s18 =	simm.s32 $0x3400;
	[sflag:s1] =	ssyncadd.s32 $0xFFFFEC00  }
0xb9: {  	[spmem:s2] =	stream.indirect.scatter.add.f32 [tilespmem:s26], [sflag:$0x9], $0x80, s18, s19, $0xb8;
	[tilespmem:$0x1D480] =	vst v63  }
0xba: {  	_ =	swait.ge [sflag:s9], $0x1400  }
0xbb: {  	[sflag:s9] =	ssyncset.done $0x0  }
0xbc: {  	s21 =	simm.s32 $0x3480;
	[sflag:s9] =	ssyncadd.s32 $0xFFFFEC00  }
0xbd: {  	[spmem:s2] =	stream.indirect.scatter.add.f32 [tilespmem:s29], [sflag:$0xA], $0x80, s21, s19, $0xb8;
	[tilespmem:$0x1D480] =	vst v63  }
0xbe: {  	_ =	swait.ge [sflag:s11], $0x1400  }
0xbf: {  	[sflag:s11] =	ssyncset.done $0x0  }
0xc0: {  	[sflag:s11] =	ssyncadd.s32 $0xFFFFEC00  }
0xc1: {  	_ =	swait.ge [sflag:s4], $0x1400  }
0xc2: {  	[sflag:s4] =	ssyncset.done $0x0  }
0xc3: {  	[sflag:s4] =	ssyncadd.s32 $0xFFFFEC00  }
0xc4: {  	_ =	swait.ge [sflag:s12], $0x1400  }
0xc5: {  	[sflag:s12] =	ssyncset.done $0x0  }
0xc6: {  	s3 =	sadd.s32 $0x1, s3;
	[sflag:s12] =	ssyncadd.s32 $0xFFFFEC00  }
0xc7: {  	p2 =	sne.s32 s3, $0x5;
	_ =	swait.ge [sflag:s13], $0x1400  }
.Ltmp4:
0xc8: {  	[sflag:s13] =	ssyncset.done $0x0;
	(pc) =	sbr.rel @p2 .LBB2_7-.Ltmp4, $4  }
0xc9: {  	[sflag:s13] =	ssyncadd.s32 $0xFFFFEC00  }
0xca: {  	_ =	swait.ge [sflag:s14], $0x1400  }
0xcb: {  	[sflag:s14] =	ssyncset.done $0x0  }
0xcc: {  	[sflag:s14] =	ssyncadd.s32 $0xFFFFEC00  }
.Ltmp5:
0xcd: {  	(pc) =	sbr.rel @!p1 .LBB2_11-.Ltmp5, $3  }
0xce: {  	_ =	sdelay $0x1  }
0xcf: {  	[bflag:$0x0] =	sbarrier.arrive $0xFFFF;
	s3 =	stileid.u32  }
0xd0: {  	p2 =	por $0x0, $0x0;
	s18 =	sshll.u32 s3, $0x6;
	s3 =	simm.s32 @!p0 $0xC  }
0xd1: {  	s21 =	simm.s32 @!p0 $0xC;
	s6 =	rddreg [dreg:$0xd]  }
0xd2: {  	s21 =	simm.s32 @p0 $0xB;
	s25 =	sadd.s32 $0xFFFFFFFF, s6  }
0xd3: {  	s7 =	rddreg [dreg:$0x4];
	s10 =	sadd.s32 s21, s18;
	p1 =	sne.s32 s25, $0x0  }
.Ltmp6:
0xd4: {  	s6 =	sadd.s32 $0x1C00, s10;
	s10 =	rddreg [dreg:$0xc];
	(pc) =	sbr.rel @!p1 .LBB2_13-.Ltmp6, $4  }
0xd5: {  	s23 =	sadd.s32 s7, s8;
	s28 =	sshrl.u32 s10, $0x3  }
0xd6: {  	[hbm:s23], [sflag:s6] =	dma.local [spmem:s28], $0xC80  }
0xd7: {  	p2 =	por $0x1, $0x1;
	_ =	swait.ge [sflag:s21], $0xC80  }
0xd8: {  	s23 =	sadd.s32 $0xC800, s7;
	s28 =	sadd.s32 $0x64000, s10;
	[sflag:s21] =	ssyncset.done $0x0  }
.LBB2_14:
0xd9: {  	[sflag:s21] =	ssyncadd.s32 $0xFFFFF380;
	s21 =	smov.u32 s3;
	s25 =	sadd.s32 $0xFFFFFFFF, s25  }
0xda: {  	s6 =	smov.u32 s18;
	s21 =	simm.s32 @p0 $0xB;
	p1 =	sne.s32 s25, $0x0  }
.Ltmp7:
0xdb: {  	s6 =	sadd.s32 s21, s6;
	(pc) =	sbr.rel @p1 .LBB2_14-.Ltmp7, $4  }
0xdc: {  	s7 =	sadd.s32 s23, s8;
	s10 =	sshrl.u32 s28, $0x3;
	s6 =	sadd.s32 $0x1C00, s6  }
0xdd: {  	[hbm:s7], [sflag:s6] =	dma.local [spmem:s10], $0xC80  }
0xde: {  	s23 =	sadd.s32 $0xC800, s23;
	_ =	swait.ge [sflag:s21], $0xC80  }
0xdf: {  	s28 =	sadd.s32 $0x64000, s28;
	[sflag:s21] =	ssyncset.done $0x0  }
0xe0: {  	s25 =	rddreg [dreg:$0x3]  }
.LBB2_16:
0xe1: {  	s3 =	simm.s32 @p0 $0xB  }
0xe2: {  	[sflag:s21] =	ssyncadd.s32 @p2 $0xFFFFF380;
	s6 =	sadd.s32 s3, s18  }
0xe3: {  	s7 =	sadd.s32 s23, s8;
	s10 =	sshrl.u32 s28, $0x3;
	s6 =	sadd.s32 $0x1C00, s6  }
0xe4: {  	[hbm:s7], [sflag:s6] =	dma.local [spmem:s10], $0xC80  }
0xe5: {  	_ =	swait.ge [sflag:s3], $0xC80  }
0xe6: {  	s25 =	sadd.s32 $0x1, s25;
	s28 =	rddreg [dreg:$0x9]  }
0xe7: {  	p1 =	sne.s32 s25, s28  }
.Ltmp8:
0xe8: {  	_ = 	snop;
	(pc) =	sbr.rel @p1 .LBB2_1-.Ltmp8, $4  }
.Ltmp9:
0xe9: {  	_ = 	snop;
	(pc) =	sbr.rel @!p1 .LBB2_17-.Ltmp9, $4  }
0xea: {  	_ = 	snop  }
0xeb: {  	[sflag:s3] =	ssyncset.done $0x0  }
0xec: {  	s7 =	simm.s32 $0x1C00;
	[sflag:s3] =	ssyncadd.s32 $0xFFFFF380  }
0xed: {  	_ = 	snop  }
.LBB2_11:
.Ltmp10:
0xee: {  	(pc) =	sbr.rel .LBB2_16-.Ltmp10, $4  }
0xef: {  	_ = 	snop  }
0xf0: {  	s23 =	rddreg [dreg:$0x4]  }
0xf1: {  	s28 =	rddreg [dreg:$0xc]  }
0xf2: {  	s25 =	rddreg [dreg:$0x3]  }
.LBB2_3:
.Ltmp11:
0xf3: {  	(pc) =	sbr.rel .LBB2_6-.Ltmp11, $2  }
0xf4: {  	_ =	sdelay $0x2  }
0xf5: {  	s7 =	simm.s32 $0x1C00  }
.LBB2_13:
.Ltmp12:
0xf6: {  	(pc) =	sbr.rel .LBB2_16-.Ltmp12, $2  }
0xf7: {  	_ =	sdelay $0x2  }
0xf8: {  	s25 =	rddreg [dreg:$0x3]  }
.LBB2_17:
0xf9: {  	_ =	sfence.sel $0x180000  }
0xfa: {  	[bflag:$0x0] =	sbarrier.arrive $0xFFFF  }
0xfb: {  	_ =	strace $0x9000004D  }
0xfc: {  	s0 =	stileid.u32;
	[bflag:$0x2] =	sbarrier.arrive $0xFFFF  }
0xfd: {  	p0 =	sne.s32 s0, $0x0;
	s0 =	rddreg [dreg:$0x2]  }
0xfe: {  	s0 =	sadd.s32 @!p0 $0x100000, s0  }
0xff: {  	[sflag:s0] =	ssyncadd.tile.s32 @!p0 $0x1;
	_ =	shalt  }
.Lfunc_end2:
_tile_overlayer_lowered:
.L_overlay_start_2:
0x100: {  	(tag) =	ssettag $0x2  }
0x101: {  	s0 =	rddreg [dreg:$0x0];
	s2 =	stileid.u32  }
0x102: {  	s1 =	rddreg [dreg:$0x1];
	p0 =	sne.s32 s2, $0x0  }
0x103: {  	s3 =	rddreg [dreg:$0x2];
	[bflag:$0x3] =	sbarrier.arrive $0xFFFF;
	s2 =	simm.s32 @!p0 $0x1C0B  }
0x104: {  	[timem:s3], [sflag:s2] =	dma.local @!p0 [hbm:s0], s1  }
0x105: {  	s0 =	simm.s32 @!p0 $0xB  }
0x106: {  	_ =	swait.ge @!p0 [sflag:s0], s1  }
0x107: {  	s1 =	ssub.s32 @!p0 $0x0, s1;
	[sflag:s0] =	ssyncset.done @!p0 $0x0  }
0x108: {  	[sflag:s0] =	ssyncadd.s32 @!p0 s1  }
0x109: {  	[bflag:$0x3] =	sbarrier.arrive $0xFFFF  }
0x10a: {  	_ =	shalt  }

// kernel: kernel.8.cloned.1.call-start
scs
__scs_entry_jumppad:
0x0: {  	(pc) =	sbr.rel $0x88, $3  }
0x1: {  	(tag) =	ssettag $0x0;
	lr =	simm.s32 $0x1  }
0x2: {  	[smem:$0x3F9B] =	sst lr;
	_ =	strace $0xD0000000  }
0x3: {  	_ = 	snop  }
0x4: {  	_ = 	snop  }
0x5: {  	_ = 	snop  }
0x6: {  	_ = 	snop  }
0x7: {  	_ = 	snop  }
__scs_overlays_trampoline_lowered:
0x8: {  	[smem:$0x3FAA] =	sst s0  }
0x9: {  	[smem:$0x3FAB] =	sst s1  }
0xa: {  	[smem:$0x3FAC] =	sst s2  }
0xb: {  	[smem:$0x3FAD] =	sst s3  }
0xc: {  	[smem:$0x3FAE] =	sst s4  }
0xd: {  	[smem:$0x3FAF] =	sst s5  }
0xe: {  	[smem:$0x3FB0] =	sst s6  }
0xf: {  	[smem:$0x3FB1] =	sst s7  }
0x10: {  	[smem:$0x3FB2] =	sst s8  }
0x11: {  	[smem:$0x3FB3] =	sst s9;
	s0 =	simm.s32 @!p0 $0x0  }
0x12: {  	s1 =	sld [smem:$0x3F99];
	s0 =	simm.s32 @p0 $0x1  }
0x13: {  	[smem:$0x3FB4] =	sst s0;
	s0 =	simm.s32 @!p1 $0x0  }
0x14: {  	s2 =	sld [smem:$0x3F98];
	s0 =	simm.s32 @p1 $0x1  }
0x15: {  	[smem:$0x3FB5] =	sst s0;
	s0 =	simm.s32 @!p2 $0x0  }
0x16: {  	s3 =	sld [smem:$0x3FDB];
	s0 =	simm.s32 @p2 $0x1  }
0x17: {  	s4 =	simm.s32 $0x1BF5;
	[smem:$0x3FB7] =	sst s0  }
0x18: {  	s0 =	sld [smem:$0x3F9A];
	_ =	swait.ge [sflag:s4], $0x0  }
0x19: {  	s7 =	sld [smem:$0x3F9B]  }
0x1a: {  	s8 =	sadd.s32 $0xFFFFE003, lr  }
0x1b: {  	s9 =	sadd.s32 $0xFFFFFEF7, lr;
	s5 =	simm.s32 $0xFFFFFFFF;
	p2 =	slt.u32 s8, $0xFFFFF086  }
0x1c: {  	p1 =	slt.u32 s9, $0xF7A;
	s5 =	simm.s32 @!p2 $0x0  }
0x1d: {  	s5 =	simm.s32 @p1 $0x1;
	p0 =	seq.s32 s7, s2  }
0x1e: {  	s7 =	smul.u32 @!p0 $0xF7A, s2;
	p2 =	seq.s32 @!p0 s5, $0x0  }
0x1f: {  	s9 =	smul.u32 $0xF7A, s1;
	s8 =	simm.s32 @!p0 $0x1BF5;
	p2 =	por !p2, p0  }
0x20: {  	[sflag:s8] =	ssyncset.s32 @!p0 $0xFFFFF086;
	s6 =	sadd.s32 @!p0 s3, s7;
	s7 =	simm.s32 @!p0 $0x108  }
0x21: {  	s3 =	sadd.s32 s3, s9;
	s6 =	sadd.s32 @!p0 $0x88, s6;
	s7 =	simm.s32 @p2 $0x1082  }
0x22: {  	[simem:s7], [sflag:s8] =	dma.local @!p0 [hbm:s6], $0xF7A  }
0x23: {  	s9 =	sor.u32 $0xD0000000, s2;
	s6 =	simm.s32 $0x108;
	_ =	swait.ge @!p0 [sflag:s8], $0x0  }
0x24: {  	s3 =	sadd.s32 $0x88, s3;
	s6 =	simm.s32 @!p1 $0x1082;
	[sflag:s4] =	ssyncset.s32 $0xFFFFF086  }
0x25: {  	[simem:s6], [sflag:s4] =	dma.local [hbm:s3], $0xF7A  }
0x26: {  	[smem:$0x3F9B] =	sst s1;
	(tag) =	ssettag s2;
	_ =	strace s9  }
0x27: {  	s1 =	sld [smem:$0x3FAB]  }
0x28: {  	s2 =	sld [smem:$0x3FAC]  }
0x29: {  	s4 =	sld [smem:$0x3FAE]  }
0x2a: {  	p0 =	seq.s32 s5, $0x0;
	s5 =	sld [smem:$0x3FAF]  }
0x2b: {  	s6 =	sld [smem:$0x3FB0]  }
0x2c: {  	s7 =	sld [smem:$0x3FB1]  }
0x2d: {  	s3 =	simm.s32 $0x108;
	s8 =	sld [smem:$0x3FB2]  }
0x2e: {  	s3 =	simm.s32 @!p0 $0x1082;
	s9 =	sld [smem:$0x3FB3]  }
0x2f: {  	lr =	sadd.s32 s0, s3;
	s0 =	sld [smem:$0x3FAA]  }
0x30: {  	s3 =	sld [smem:$0x3FAD]  }
0x31: {  	[smem:$0x3FB6] =	sst s10  }
0x32: {  	s10 =	sld [smem:$0x3FB4];
	_ =	sdelay $0x3  }
0x33: {  	p0 =	seq.s32 s10, $0x1;
	s10 =	sld [smem:$0x3FB6];
	_ =	sdelay $0x3  }
0x34: {  	[smem:$0x3FB6] =	sst s10  }
0x35: {  	s10 =	sld [smem:$0x3FB5];
	_ =	sdelay $0x3  }
0x36: {  	p1 =	seq.s32 s10, $0x1;
	s10 =	sld [smem:$0x3FB6];
	_ =	sdelay $0x3  }
0x37: {  	[smem:$0x3FB6] =	sst s10  }
0x38: {  	s10 =	sld [smem:$0x3FB7]  }
0x39: {  	_ = 	snop;
	(pc) =	sbr.ind lr, $3  }
0x3a: {  	_ = 	snop  }
0x3b: {  	_ = 	snop  }
0x3c: {  	p2 =	seq.s32 s10, $0x1;
	s10 =	sld [smem:$0x3FB6]  }
0x3d: {  	_ =	shalt  }
0x3e: {  	_ =	shalt  }
0x3f: {  	_ =	shalt  }
0x40: {  	_ =	shalt  }
0x41: {  	_ =	shalt  }
0x42: {  	_ =	shalt  }
0x43: {  	_ =	shalt  }
0x44: {  	_ =	shalt  }
0x45: {  	_ =	shalt  }
0x46: {  	_ =	shalt  }
0x47: {  	_ =	shalt  }
0x48: {  	_ =	shalt  }
0x49: {  	_ =	shalt  }
0x4a: {  	_ =	shalt  }
0x4b: {  	_ =	shalt  }
0x4c: {  	_ =	shalt  }
0x4d: {  	_ =	shalt  }
0x4e: {  	_ =	shalt  }
0x4f: {  	_ =	shalt  }
0x50: {  	_ =	shalt  }
0x51: {  	_ =	shalt  }
0x52: {  	_ =	shalt  }
0x53: {  	_ =	shalt  }
0x54: {  	_ =	shalt  }
0x55: {  	_ =	shalt  }
0x56: {  	_ =	shalt  }
0x57: {  	_ =	shalt  }
0x58: {  	_ =	shalt  }
0x59: {  	_ =	shalt  }
0x5a: {  	_ =	shalt  }
0x5b: {  	_ =	shalt  }
0x5c: {  	_ =	shalt  }
0x5d: {  	_ =	shalt  }
0x5e: {  	_ =	shalt  }
0x5f: {  	_ =	shalt  }
0x60: {  	_ =	shalt  }
0x61: {  	_ =	shalt  }
0x62: {  	_ =	shalt  }
0x63: {  	_ =	shalt  }
0x64: {  	_ =	shalt  }
0x65: {  	_ =	shalt  }
0x66: {  	_ =	shalt  }
0x67: {  	_ =	shalt  }
0x68: {  	_ =	shalt  }
0x69: {  	_ =	shalt  }
0x6a: {  	_ =	shalt  }
0x6b: {  	_ =	shalt  }
0x6c: {  	_ =	shalt  }
0x6d: {  	_ =	shalt  }
0x6e: {  	_ =	shalt  }
0x6f: {  	_ =	shalt  }
0x70: {  	_ =	shalt  }
0x71: {  	_ =	shalt  }
0x72: {  	_ =	shalt  }
0x73: {  	_ =	shalt  }
0x74: {  	_ =	shalt  }
0x75: {  	_ =	shalt  }
0x76: {  	_ =	shalt  }
0x77: {  	_ =	shalt  }
0x78: {  	_ =	shalt  }
0x79: {  	_ =	shalt  }
0x7a: {  	_ =	shalt  }
0x7b: {  	_ =	shalt  }
0x7c: {  	_ =	shalt  }
0x7d: {  	_ =	shalt  }
0x7e: {  	_ =	shalt  }
0x7f: {  	_ =	shalt  }
0x80: {  	_ =	shalt  }
0x81: {  	_ =	shalt  }
0x82: {  	_ =	shalt  }
0x83: {  	_ =	shalt  }
0x84: {  	_ =	shalt  }
0x85: {  	_ =	shalt  }
0x86: {  	_ =	shalt  }
0x87: {  	_ =	shalt  }
.Lfunc_end0:
.L_simem_size_0:
called_computation_lowered:
.L_overlay_start_0:
0x88: {  	s2 =	sld [smem:$0x3FD9]  }
0x89: {  	s3 =	sld [smem:$0x3FFE];
	_ =	sdelay $0x1  }
0x8a: {  	s1 =	srdreg.scid  }
0x8b: {  	s0 =	sand.u32 $0x1, s1  }
0x8c: {  	s17 =	sshll.u32 s0, $0xA;
	s2 =	sadd.s32 s3, s2  }
0x8d: {  	s2 =	sadd.s32 s2, s17  }
0x8e: {  	[smem:$0x3FC2] =	sst s2  }
0x8f: {  	_ = 	snop  }
0x90: {  	s2 =	sld [smem:$0x3FD0];
	(tm) =	ssettm $0x1  }
0x91: {  	s18 =	sld [smem:$0x3FFB];
	_ =	sdelay $0x3  }
0x92: {  	_ =	strace s18  }
0x93: {  	s3 =	sld [smem:$0x3FFC];
	_ =	sdelay $0x3  }
0x94: {  	_ =	strace s3  }
0x95: {  	s3 =	sld [smem:$0x3FFD];
	_ =	sdelay $0x3  }
0x96: {  	_ =	strace s3  }
0x97: {  	_ =	strace $0x8FFFFFFF  }
0x98: {  	s19 =	sld [smem:$0x3FDB];
	_ =	sdelay $0x1  }
0x99: {  	s4 =	simm.s32 $_scs_section_size  }
0x9a: {  	s5 =	simm.s32 $_size__tile_overlayer_lowered;
	s6 =	simm.s32 $_tile_overlayer_lowered  }
0x9b: {  	s22 =	simm.s32 $0x1BFF;
	s21 =	sshll.u32 s6, $0x1;
	s3 =	sadd.s32 s4, s19  }
0x9c: {  	s7 =	simm.s32 $0x0;
	s20 =	sshll.u32 s5, $0x1;
	s5 =	sadd.s32 s21, s3  }
0x9d: {  	[timem:s7], [sflag:s22] =	dma.local [hbm:s5], s20  }
0x9e: {  	_ =	swait.ge [sflag:s22], s20  }
0x9f: {  	s4 =	ssub.s32 $0x0, s20;
	[sflag:s22] =	ssyncset.done $0x0  }
0xa0: {  	[sflag:s22] =	ssyncadd.s32 s4;
	_ =	sdelay $0x1  }
0xa1: {  	s23 =	simm.s32 $0x1B8B  }
0xa2: {  	_ =	swait.ge [sflag:s23], $0x1  }
0xa3: {  	[sflag:s23] =	ssyncset.done $0x0  }
0xa4: {  	s25 =	simm.s32 $0x1B8E;
	s24 =	sld [smem:$0x3FFE];
	[sflag:s23] =	ssyncadd.s32 $0xFFFFFFFF  }
0xa5: {  	s26 =	simm.s32 $execute0_lowered;
	[smem:$0x3FD2] =	sst s25  }
0xa6: {  	s5 =	sshll.u32 s26, $0x1;
	_ =	strace $0x80000046;
	[dreg:$0x1] =	wrdreg $0xFFFFFFFF  }
0xa7: {  	s28 =	simm.s32 $_size_execute0_lowered;
	s3 =	sadd.s32 s3, s5;
	[dreg:$0x0] =	wrdreg $0x0  }
0xa8: {  	s5 =	sshll.u32 s28, $0x1;
	[dreg:$0x2] =	wrdreg s3  }
0xa9: {  	[dreg:$0x3] =	wrdreg s5  }
0xaa: {  	[dreg:$0x4] =	wrdreg $0xC0  }
0xab: {  	_ =	task [dreg:s7], $0x5FFFF  }
0xac: {  	[dreg:$0x1] =	wrdreg $0xFFFFFFFF  }
0xad: {  	[dreg:$0x0] =	wrdreg $0x60  }
0xae: {  	[dreg:$0x2] =	wrdreg s24  }
0xaf: {  	[dreg:$0x3] =	wrdreg s2  }
0xb0: {  	[dreg:$0x4] =	wrdreg $0x80800  }
0xb1: {  	[dreg:$0x5] =	wrdreg $0x9  }
0xb2: {  	_ =	task.clear_ibuf [dreg:s7], $0x6FFFF;
	_ =	strace $0x90000046  }
0xb3: {  	s29 =	simm.s32 $0x9;
	_ =	strace $0x80000048  }
0xb4: {  	_ =	swait.ge [sflag:s29], $0x1  }
0xb5: {  	[sflag:s29] =	ssyncadd.s32 $0xFFFFFFFF  }
0xb6: {  	_ =	strace $0x90000048  }
0xb7: {  	_ =	sfence  }
0xb8: {  	s30 =	sld [smem:$0x0];
	_ =	sdelay $0x2  }
0xb9: {  	s31 =	sshll.u32 s1, $0xD;
	s1 =	sshrl.u32 s1, $0x2  }
0xba: {  	s3 =	sand.u32 $0x4000, s31;
	s1 =	sadd.s32 s1, s30  }
0xbb: {  	s0 =	sor.u32 s3, s0;
	s1 =	sshll.u32 s1, $0x11  }
0xbc: {  	s0 =	sor.u32 s1, s0  }
0xbd: {  	s0 =	sadd.s32 $0x8F2B, s0  }
0xbe: {  	[sflag:s0] =	ssyncadd.remote.s32 $0x1  }
0xbf: {  	_ =	sfence.sel $0xFFFF  }
0xc0: {  	[dreg:$0x0] =	wrdreg $0xFFFFFFFF;
	(pc) =	sbr.abs _section_cstart, $3  }
0xc1: {  	[dreg:$0x1] =	wrdreg $0xFFFFFFFF  }
0xc2: {  	_ =	task.clear_ibuf [dreg:s7], $0x2FFFF;
	_ =	strace $0x9FFFFFFF  }
0xc3: {  	(tm) =	ssettm $0x7FFFFFFF  }
tec
execute0_lowered:
.L_overlay_start_1:
0x0: {  	(tag) =	ssettag $0x1  }
0x1: {  	s5 =	rddreg [dreg:$0x0]  }
0x2: {  	s1 =	rddreg [dreg:$0x1]  }
0x3: {  	s3 =	rddreg [dreg:$0x2]  }
0x4: {  	s0 =	rddreg [dreg:$0x3]  }
0x5: {  	s4 =	simm.s32 $0x0;
	s2 =	stileid.u32;
	s7 =	srdreg.scid  }
0x6: {  	s14 =	simm.s32 $0x80;
	s15 =	simm.s32 $0x100;
	s16 =	simm.s32 $0x180  }
0x7: {  	s17 =	simm.s32 $0x200;
	s18 =	simm.s32 $0x1;
	s19 =	simm.s32 $0x2  }
0x8: {  	s20 =	simm.s32 $0x3;
	s21 =	simm.s32 $0x4;
	s22 =	simm.s32 $0x5  }
0x9: {  	s23 =	simm.s32 $0x0;
	[smem:$0x7FF] =	sst s4;
	s6 =	sshll.u32 s2, $0xC  }
0xa: {  	s8 =	sadd.s32 $0x22C00, s5;
	s7 =	sand.u32 $0x1, s7;
	s9 =	sadd.s32 $0x23200, s5  }
0xb: {  	s10 =	sadd.s32 $0x23800, s5;
	s12 =	smul.u32 $0x280, s2;
	s31 =	sshll.u32 s2, $0x6  }
0xc: {  	_ =	strace $0x80000047;
	s6 =	sadd.s32 s6, s5;
	s28 =	ssub.s32 $0x2, s7  }
0xd: {  	s13 =	sshll.u32 s7, $0x10;
	p0 =	seq.s32 s7, $0x0;
	s11 =	sshrl.u32 s28, $0x1  }
0xe: {  	s29 =	sadd.s32 s13, s6;
	s30 =	sadd.s32 s12, s3;
	s12 =	sshrl.u32 s12, $0x3  }
0xf: {  	s8 =	smov.u32 @p0 s1;
	s10 =	smov.u32 @p0 s9;
	s13 =	simm.s32 $0x28  }
0x10: {  	s11 =	ssub.s32 s28, s11;
	s5 =	sadd.s32 $0x2C00, s29;
	s7 =	sadd.s32 s8, s12  }
0x11: {  	s8 =	sor.u32 $0x1C06, s31;
	s9 =	sadd.s32 s10, s12;
	s10 =	sshrl.u32 s30, $0x3  }
0x12: {  	s12 =	simm.s32 $0x8000;
	s6 =	smax.u32 s11, $0x1;
	s11 =	simm.s32 $0x6  }
.LBB2_1:
0x13: {  	[spmem:s10], [sflag:s8] =	dma.local [hbm:s7], $0x50  }
0x14: {  	_ =	swait.ge [sflag:s11], $0x50  }
0x15: {  	[sflag:s11] =	ssyncset.done $0x0  }
0x16: {  	[sflag:s11] =	ssyncadd.s32 $0xFFFFFFB0  }
0x17: {  	[tilespmem:s12], [sflag:$0x6] =	stream.linear.gather [hbm4b:s1+s4], $0x28, $0x38;
	[tilespmem:$0x8300] =	vst v63  }
0x18: {  	_ =	swait.ge [sflag:s11], $0x28  }
0x19: {  	[sflag:s11] =	ssyncset.done $0x0  }
0x1a: {  	[sflag:s11] =	ssyncadd.s32 $0xFFFFFFD8  }
0x1b: {  	[tilespmem:s4], [sflag:$0x6] =	stream.linear.gather [hbm4b:s5+s4], $0x7D00, $0x38;
	[tilespmem:$0x8300] =	vst v63  }
0x1c: {  	_ =	swait.ge [sflag:s11], $0x7D00  }
0x1d: {  	[sflag:s11] =	ssyncset.done $0x0  }
0x1e: {  	[sflag:s11] =	ssyncadd.s32 $0xFFFF8300  }
0x1f: {  	[bflag:$0x0] =	sbarrier.arrive $0xFFFF  }
0x20: {  	[spmem:s3] =	stream.indirect.scatter.add.f32 [tilespmem:s12], [sflag:$0x1], $0x1, s4, s13, $0xb8;
	[tilespmem:$0x8300] =	vst v63  }
0x21: {  	_ = 	snop  }
0x22: {  	[spmem:s3] =	stream.indirect.scatter.add.f32 [tilespmem:s12], [sflag:$0x2], $0x1, s14, s13, $0xb8;
	[tilespmem:$0x8300] =	vst v63  }
0x23: {  	_ = 	snop  }
0x24: {  	[spmem:s3] =	stream.indirect.scatter.add.f32 [tilespmem:s12], [sflag:$0x3], $0x1, s15, s13, $0xb8;
	[tilespmem:$0x8300] =	vst v63  }
0x25: {  	_ = 	snop  }
0x26: {  	[spmem:s3] =	stream.indirect.scatter.add.f32 [tilespmem:s12], [sflag:$0x4], $0x1, s16, s13, $0xb8;
	[tilespmem:$0x8300] =	vst v63  }
0x27: {  	_ = 	snop  }
0x28: {  	[spmem:s3] =	stream.indirect.scatter.add.f32 [tilespmem:s12], [sflag:$0x5], $0x1, s17, s13, $0xb8;
	[tilespmem:$0x8300] =	vst v63  }
0x29: {  	_ =	swait.ge [sflag:s18], $0x28  }
0x2a: {  	[sflag:s18] =	ssyncset.done $0x0  }
0x2b: {  	s24 =	simm.s32 $0x280;
	[sflag:s18] =	ssyncadd.s32 $0xFFFFFFD8  }
0x2c: {  	[spmem:s3] =	stream.indirect.scatter.add.f32 [tilespmem:s12], [sflag:$0x1], $0x1, s24, s13, $0xb8;
	[tilespmem:$0x8300] =	vst v63  }
0x2d: {  	_ =	swait.ge [sflag:s19], $0x28  }
0x2e: {  	[sflag:s19] =	ssyncset.done $0x0  }
0x2f: {  	s29 =	simm.s32 $0x300;
	[sflag:s19] =	ssyncadd.s32 $0xFFFFFFD8  }
0x30: {  	[spmem:s3] =	stream.indirect.scatter.add.f32 [tilespmem:s12], [sflag:$0x2], $0x1, s29, s13, $0xb8;
	[tilespmem:$0x8300] =	vst v63  }
0x31: {  	_ =	swait.ge [sflag:s20], $0x28  }
0x32: {  	[sflag:s20] =	ssyncset.done $0x0  }
0x33: {  	s30 =	simm.s32 $0x380;
	[sflag:s20] =	ssyncadd.s32 $0xFFFFFFD8  }
0x34: {  	[spmem:s3] =	stream.indirect.scatter.add.f32 [tilespmem:s12], [sflag:$0x3], $0x1, s30, s13, $0xb8;
	[tilespmem:$0x8300] =	vst v63  }
0x35: {  	_ =	swait.ge [sflag:s21], $0x28  }
0x36: {  	[sflag:s21] =	ssyncset.done $0x0  }
0x37: {  	s31 =	simm.s32 $0x400;
	[sflag:s21] =	ssyncadd.s32 $0xFFFFFFD8  }
0x38: {  	[spmem:s3] =	stream.indirect.scatter.add.f32 [tilespmem:s12], [sflag:$0x4], $0x1, s31, s13, $0xb8;
	[tilespmem:$0x8300] =	vst v63  }
0x39: {  	_ =	swait.ge [sflag:s22], $0x28  }
0x3a: {  	[sflag:s22] =	ssyncset.done $0x0  }
0x3b: {  	s25 =	simm.s32 $0x480;
	s24 =	simm.s32 $0xFFFE2000;
	[sflag:s22] =	ssyncadd.s32 $0xFFFFFFD8  }
.LBB2_2:
0x3c: {  	[spmem:s3] =	stream.indirect.scatter.add.f32 [tilespmem:s12], [sflag:$0x5], $0x1, s25, s13, $0xb8;
	[tilespmem:$0x8300] =	vst v63  }
0x3d: {  	s25 =	smov.u32 s24  }
0x3e: {  	p0 =	sne.s32 s24, $0xFFFFF600;
	s24 =	sadd.s32 $0xA00, s24;
	_ =	swait.ge [sflag:s18], $0x28  }
0x3f: {  	s25 =	sshra.s32 s25, $0x2;
	[sflag:s18] =	ssyncset.done $0x0  }
0x40: {  	s26 =	sadd.s32 $0x7D00, s25;
	[sflag:s18] =	ssyncadd.s32 $0xFFFFFFD8  }
0x41: {  	[spmem:s3] =	stream.indirect.scatter.add.f32 [tilespmem:s12], [sflag:$0x1], $0x1, s26, s13, $0xb8;
	[tilespmem:$0x8300] =	vst v63  }
0x42: {  	_ =	swait.ge [sflag:s19], $0x28  }
0x43: {  	[sflag:s19] =	ssyncset.done $0x0  }
0x44: {  	s26 =	sadd.s32 $0x7D80, s25;
	[sflag:s19] =	ssyncadd.s32 $0xFFFFFFD8  }
0x45: {  	[spmem:s3] =	stream.indirect.scatter.add.f32 [tilespmem:s12], [sflag:$0x2], $0x1, s26, s13, $0xb8;
	[tilespmem:$0x8300] =	vst v63  }
0x46: {  	_ =	swait.ge [sflag:s20], $0x28  }
0x47: {  	[sflag:s20] =	ssyncset.done $0x0  }
0x48: {  	s26 =	sadd.s32 $0x7E00, s25;
	[sflag:s20] =	ssyncadd.s32 $0xFFFFFFD8  }
0x49: {  	[spmem:s3] =	stream.indirect.scatter.add.f32 [tilespmem:s12], [sflag:$0x3], $0x1, s26, s13, $0xb8;
	[tilespmem:$0x8300] =	vst v63  }
0x4a: {  	_ =	swait.ge [sflag:s21], $0x28  }
0x4b: {  	[sflag:s21] =	ssyncset.done $0x0  }
.Ltmp0:
0x4c: {  	s26 =	sadd.s32 $0x7E80, s25;
	[sflag:s21] =	ssyncadd.s32 $0xFFFFFFD8;
	(pc) =	sbr.rel @p0 .LBB2_2-.Ltmp0, $4  }
0x4d: {  	[spmem:s3] =	stream.indirect.scatter.add.f32 [tilespmem:s12], [sflag:$0x4], $0x1, s26, s13, $0xb8;
	[tilespmem:$0x8300] =	vst v63  }
0x4e: {  	_ =	swait.ge [sflag:s22], $0x28  }
0x4f: {  	[sflag:s22] =	ssyncset.done $0x0  }
0x50: {  	s25 =	sadd.s32 $0x7F00, s25;
	[sflag:s22] =	ssyncadd.s32 $0xFFFFFFD8  }
0x51: {  	[spmem:s3] =	stream.indirect.scatter.add.f32 [tilespmem:s12], [sflag:$0x5], $0x1, s25, s13, $0xb8;
	[tilespmem:$0x8300] =	vst v63  }
0x52: {  	_ =	swait.ge [sflag:s18], $0x28  }
0x53: {  	[sflag:s18] =	ssyncset.done $0x0  }
0x54: {  	[sflag:s18] =	ssyncadd.s32 $0xFFFFFFD8  }
0x55: {  	_ =	swait.ge [sflag:s19], $0x28  }
0x56: {  	[sflag:s19] =	ssyncset.done $0x0  }
0x57: {  	[sflag:s19] =	ssyncadd.s32 $0xFFFFFFD8  }
0x58: {  	_ =	swait.ge [sflag:s20], $0x28  }
0x59: {  	[sflag:s20] =	ssyncset.done $0x0  }
0x5a: {  	[sflag:s20] =	ssyncadd.s32 $0xFFFFFFD8  }
0x5b: {  	_ =	swait.ge [sflag:s21], $0x28  }
0x5c: {  	[sflag:s21] =	ssyncset.done $0x0  }
0x5d: {  	[sflag:s21] =	ssyncadd.s32 $0xFFFFFFD8  }
0x5e: {  	_ =	swait.ge [sflag:s22], $0x28  }
0x5f: {  	s23 =	sadd.s32 $0x1, s23;
	[sflag:s22] =	ssyncset.done $0x0  }
0x60: {  	p0 =	sne.s32 s23, s6;
	[sflag:s22] =	ssyncadd.s32 $0xFFFFFFD8  }
.Ltmp1:
0x61: {  	[bflag:$0x0] =	sbarrier.arrive $0xFFFF;
	(pc) =	sbr.rel @p0 .LBB2_1-.Ltmp1, $4  }
0x62: {  	[hbm:s9], [sflag:s8] =	dma.local [spmem:s10], $0x50  }
0x63: {  	_ =	swait.ge [sflag:s11], $0x50  }
0x64: {  	[sflag:s11] =	ssyncset.done $0x0  }
0x65: {  	[sflag:s11] =	ssyncadd.s32 $0xFFFFFFB0  }
0x66: {  	_ =	sfence.sel $0x180000  }
0x67: {  	[bflag:$0x0] =	sbarrier.arrive $0xFFFF  }
0x68: {  	p0 =	sne.s32 s2, $0x0;
	_ =	strace $0x90000047  }
0x69: {  	s0 =	sadd.s32 @!p0 $0x100000, s0;
	[bflag:$0x2] =	sbarrier.arrive $0xFFFF  }
0x6a: {  	[sflag:s0] =	ssyncadd.tile.s32 @!p0 $0x1;
	_ =	shalt  }
.Lfunc_end2:
_tile_overlayer_lowered:
.L_overlay_start_2:
0x6b: {  	(tag) =	ssettag $0x2  }
0x6c: {  	s0 =	rddreg [dreg:$0x0];
	s2 =	stileid.u32  }
0x6d: {  	s1 =	rddreg [dreg:$0x1];
	p0 =	sne.s32 s2, $0x0  }
0x6e: {  	s3 =	rddreg [dreg:$0x2];
	[bflag:$0x3] =	sbarrier.arrive $0xFFFF;
	s2 =	simm.s32 @!p0 $0x1C06  }
0x6f: {  	[timem:s3], [sflag:s2] =	dma.local @!p0 [hbm:s0], s1  }
0x70: {  	s0 =	simm.s32 @!p0 $0x6  }
0x71: {  	_ =	swait.ge @!p0 [sflag:s0], s1  }
0x72: {  	s1 =	ssub.s32 @!p0 $0x0, s1;
	[sflag:s0] =	ssyncset.done @!p0 $0x0  }
0x73: {  	[sflag:s0] =	ssyncadd.s32 @!p0 s1  }
0x74: {  	[bflag:$0x3] =	sbarrier.arrive $0xFFFF  }
0x75: {  	_ =	shalt  }

</sc_bundles>
